<compile_context>
chip_gen: v7x
topology: tpu7x:2x2x1
jax: 0.10.2.dev20260603
libtpu: 0.0.44.dev20260713+nightly
codegen_flags: <defaults>
</compile_context>

<pallas_src>
import functools

import jax
import jax.numpy as jnp
from jax import lax
from jax.experimental import pallas as pl
from jax.experimental.pallas import tpu as pltpu
from jax.experimental.pallas import tpu_sc as plsc

N = 10000
NPAD = 10240
E = 160000
T = 9
LEVELS = 32
BLOCK = (N + LEVELS - 1) // LEVELS
DT = 3600.0
LB = 1e-4
CHUNK = 1600
EPAD = E + 2048
NG = NPAD // 16
LN2 = 0.6931471805599453
SQRT2 = 1.4142135623730951
I32 = jnp.int32
F32 = jnp.float32


def _vln(x):
    bits = lax.bitcast_convert_type(x, I32)
    e = lax.shift_right_arithmetic(bits, 23) - 127
    m = lax.bitcast_convert_type((bits & 0x7FFFFF) | 0x3F800000, F32)
    big = m > SQRT2
    m = jnp.where(big, m * 0.5, m)
    e = jnp.where(big, e + 1, e)
    z = (m - 1.0) / (m + 1.0)
    z2 = z * z
    p = 1.0 + z2 * (1.0 / 3.0 + z2 * (1.0 / 5.0 + z2 * (1.0 / 7.0 + z2 * (1.0 / 9.0))))
    return e.astype(F32) * LN2 + 2.0 * z * p


def _vsqrt(x):
    return jnp.exp(0.5 * _vln(x))


def _sget(ref, i):
    return jnp.max(plsc.load_gather(ref, [jnp.full((16,), i, I32)]))


_sc_mesh = plsc.VectorSubcoreMesh(core_axis_name="c", subcore_axis_name="s",
                                  num_cores=2, num_subcores=16)


@functools.partial(
    pl.kernel,
    out_type=jax.ShapeDtypeStruct((16,), F32),
    mesh=_sc_mesh,
    scratch_types=[
        pltpu.VMEM((NPAD,), F32),
        pltpu.VMEM((NPAD,), F32),
        pltpu.VMEM((NPAD,), F32),
        pltpu.VMEM((NPAD,), F32),
        pltpu.VMEM((NPAD,), F32),
        pltpu.VMEM((NPAD,), F32),
        pltpu.VMEM((NPAD,), F32),
        pltpu.VMEM((NPAD,), F32),
        pltpu.VMEM((NPAD,), F32),
        pltpu.VMEM((NPAD,), F32),
        pltpu.VMEM((NPAD,), F32),
        pltpu.VMEM((NPAD,), F32),
        pltpu.VMEM((CHUNK,), I32),
        pltpu.VMEM((CHUNK,), I32),
        pltpu.VMEM((48,), I32),
        pltpu.VMEM((16,), F32),
        pltpu.VMEM((CHUNK,), I32),
        pltpu.VMEM((CHUNK,), I32),
        pltpu.SemaphoreType.DMA,
        pltpu.SemaphoreType.DMA,
        pltpu.SemaphoreType.DMA,
        pltpu.SemaphoreType.DMA,
    ],
    compiler_params=pltpu.CompilerParams(needs_layout_passes=False),
)
def _route_sc(qp_hbm, n_hbm, q_hbm, len_hbm, s_hbm, tw_hbm, ss_hbm, xs_hbm,
              src_hbm, dst_hbm, off_hbm, out_hbm,
              x_v, acc_v, c1n_v, ql_v, A1_v, e1_v, iv_v, tw_v, ss2_v, ssb_v,
              L1_v, L2_v, se_v, de_v, off_v, outs_v, se2_v, de2_v,
              sem_a, sem_b, sem_c, sem_d):
    cid = lax.axis_index("c")
    sid = lax.axis_index("s")

    @pl.when(jnp.logical_and(cid == 0, sid == 0))
    def _():
        iota = lax.iota(I32, 16)
        zf16 = jnp.zeros((16,), F32)
        pltpu.sync_copy(off_hbm, off_v)

        pltpu.sync_copy(n_hbm, acc_v)
        pltpu.sync_copy(q_hbm, c1n_v)
        pltpu.sync_copy(s_hbm, ql_v)

        def pre1(i, _):
            gi = i * 16 + iota
            n_man = plsc.load_gather(acc_v, [gi]) * 0.29 + 0.01
            qsp = plsc.load_gather(c1n_v, [gi]) * 3.0
            s0 = jnp.maximum(plsc.load_gather(ql_v, [gi]), 1e-4)
            sq = _vsqrt(s0)
            plsc.store_scatter(A1_v, [gi], n_man * (qsp + 1.0) / (21.0 * sq + 1e-8))
            plsc.store_scatter(e1_v, [gi], 3.0 / (5.0 + 3.0 * qsp))
            plsc.store_scatter(iv_v, [gi], sq / n_man)
            return 0

        lax.fori_loop(0, NG, pre1, 0)
        pltpu.sync_copy(tw_hbm, tw_v)
        pltpu.sync_copy(ss_hbm, acc_v)

        def pre2(i, _):
            gi = i * 16 + iota
            ss = plsc.load_gather(acc_v, [gi])
            plsc.store_scatter(ss2_v, [gi], 2.0 * ss)
            plsc.store_scatter(ssb_v, [gi], 2.0 * _vsqrt(1.0 + ss * ss))
            return 0

        lax.fori_loop(0, NG, pre2, 0)
        pltpu.sync_copy(len_hbm, acc_v)
        pltpu.sync_copy(xs_hbm, c1n_v)

        def pre3(i, _):
            gi = i * 16 + iota
            ln = plsc.load_gather(acc_v, [gi])
            xs = plsc.load_gather(c1n_v, [gi])
            plsc.store_scatter(L1_v, [gi], 2.0 * ln * (1.0 - xs))
            plsc.store_scatter(L2_v, [gi], 2.0 * ln * xs)
            return 0

        lax.fori_loop(0, NG, pre3, 0)

        pltpu.sync_copy(qp_hbm.at[0], x_v)

        def zacc(i, _):
            plsc.store_scatter(acc_v, [i * 16 + iota], zf16)
            return 0

        lax.fori_loop(0, NG, zacc, 0)
        g0 = jnp.maximum(_sget(x_v, N - 1), LB)
        plsc.store_scatter(outs_v, [iota * 0], jnp.full((16,), g0, F32))

        def step(t, _):
            pltpu.sync_copy(qp_hbm.at[t - 1], ql_v)

            pltpu.async_copy(src_hbm.at[pl.ds(0, CHUNK)], se_v, sem_a)
            pltpu.async_copy(dst_hbm.at[pl.ds(0, CHUNK)], de_v, sem_b)
            pltpu.async_copy(src_hbm.at[pl.ds(CHUNK, CHUNK)], se2_v, sem_c)
            pltpu.async_copy(dst_hbm.at[pl.ds(CHUNK, CHUNK)], de2_v, sem_d)

            def mv_pair(cc, _c):
                c0 = 2 * cc
                sA = pl.multiple_of(jnp.minimum((c0 + 2) * CHUNK, E - CHUNK), 8)
                sB = pl.multiple_of(jnp.minimum((c0 + 3) * CHUNK, E - CHUNK), 8)
                pltpu.make_async_copy(src_hbm.at[pl.ds(0, CHUNK)], se_v, sem_a).wait()
                pltpu.make_async_copy(dst_hbm.at[pl.ds(0, CHUNK)], de_v, sem_b).wait()

                @plsc.parallel_loop(0, CHUNK // 16, unroll=4)
                def _mvA(g):
                    gi = g * 16 + iota
                    sv = plsc.load_gather(se_v, [gi])
                    dv = plsc.load_gather(de_v, [gi])
                    plsc.addupdate_scatter(acc_v, [dv], plsc.load_gather(x_v, [sv]))

                pltpu.async_copy(src_hbm.at[pl.ds(sA, CHUNK)], se_v, sem_a)
                pltpu.async_copy(dst_hbm.at[pl.ds(sA, CHUNK)], de_v, sem_b)
                pltpu.make_async_copy(src_hbm.at[pl.ds(0, CHUNK)], se2_v, sem_c).wait()
                pltpu.make_async_copy(dst_hbm.at[pl.ds(0, CHUNK)], de2_v, sem_d).wait()

                @plsc.parallel_loop(0, CHUNK // 16, unroll=4)
                def _mvB(g):
                    gi = g * 16 + iota
                    sv = plsc.load_gather(se2_v, [gi])
                    dv = plsc.load_gather(de2_v, [gi])
                    plsc.addupdate_scatter(acc_v, [dv], plsc.load_gather(x_v, [sv]))

                pltpu.async_copy(src_hbm.at[pl.ds(sB, CHUNK)], se2_v, sem_c)
                pltpu.async_copy(dst_hbm.at[pl.ds(sB, CHUNK)], de2_v, sem_d)
                return 0

            lax.fori_loop(0, E // CHUNK // 2, mv_pair, 0)
            pltpu.make_async_copy(src_hbm.at[pl.ds(0, CHUNK)], se_v, sem_a).wait()
            pltpu.make_async_copy(dst_hbm.at[pl.ds(0, CHUNK)], de_v, sem_b).wait()
            pltpu.make_async_copy(src_hbm.at[pl.ds(0, CHUNK)], se2_v, sem_c).wait()
            pltpu.make_async_copy(dst_hbm.at[pl.ds(0, CHUNK)], de2_v, sem_d).wait()

            @plsc.parallel_loop(0, NG, unroll=2)
            def binit(i):
                gi = i * 16 + iota
                disch = plsc.load_gather(x_v, [gi])
                e1 = plsc.load_gather(e1_v, [gi])
                depth = jnp.exp(e1 * _vln(disch * plsc.load_gather(A1_v, [gi])))
                depth = jnp.maximum(depth, 0.01)
                tw = plsc.load_gather(tw_v, [gi])
                bw = jnp.maximum(tw - plsc.load_gather(ss2_v, [gi]) * depth, 0.1)
                area = (tw + bw) * depth * 0.5
                wp = bw + depth * plsc.load_gather(ssb_v, [gi])
                v = plsc.load_gather(iv_v, [gi]) * jnp.exp((2.0 / 3.0) * _vln(area / wp))
                v = jnp.clip(v, 0.3, 15.0) * (5.0 / 3.0)
                invv = 1.0 / v
                kl1 = plsc.load_gather(L1_v, [gi]) * invv
                kl2 = plsc.load_gather(L2_v, [gi]) * invv
                rden = 1.0 / (kl1 + DT)
                c2 = (DT + kl2) * rden
                c3 = (kl1 - DT) * rden
                c4 = (2.0 * DT) * rden
                ql = jnp.maximum(plsc.load_gather(ql_v, [gi]), LB)
                b = c2 * plsc.load_gather(acc_v, [gi]) + c3 * disch + c4 * ql
                c1n = -((DT - kl2) * rden)
                c1n = jnp.where(gi == 0, 1.0, c1n)
                plsc.store_scatter(c1n_v, [gi], c1n)
                plsc.store_scatter(x_v, [gi], b)
                plsc.store_scatter(acc_v, [gi], zf16)

            def level(l, _l):
                e0 = _sget(off_v, l)
                e1x = _sget(off_v, l + 1)
                base = e0 - lax.rem(e0, 8)
                nch = lax.div(e1x - base + (CHUNK - 1), CHUNK)

                def ch(c, _ch):
                    s = pl.multiple_of(base + c * CHUNK, 8)
                    ca = pltpu.async_copy(src_hbm.at[pl.ds(s, CHUNK)], se_v, sem_a)
                    cb = pltpu.async_copy(dst_hbm.at[pl.ds(s, CHUNK)], de_v, sem_b)
                    ca.wait()
                    cb.wait()

                    @plsc.parallel_loop(0, CHUNK // 16, unroll=4)
                    def _grp(g):
                        gi = g * 16 + iota
                        gidx = s + gi
                        m = jnp.logical_and(gidx >= e0, gidx < e1x)
                        sv = plsc.load_gather(se_v, [gi])
                        dv = plsc.load_gather(de_v, [gi])
                        vals = jnp.where(m, plsc.load_gather(x_v, [sv]), 0.0)
                        plsc.addupdate_scatter(acc_v, [dv], vals)

                    return 0

                lax.fori_loop(0, nch, ch, 0)
                lo = l * BLOCK
                hi = jnp.minimum(lo + BLOCK, N)

                def upd(u, _u):
                    ui = lo + u * 16 + iota
                    m = ui < hi
                    bb = plsc.load_gather(x_v, [ui])
                    aa = plsc.load_gather(acc_v, [ui])
                    cc = plsc.load_gather(c1n_v, [ui])
                    plsc.store_scatter(x_v, [ui], jnp.where(m, bb - cc * aa, bb))
                    return 0

                lax.fori_loop(0, (BLOCK + 15) // 16, upd, 0)
                return 0

            lax.fori_loop(1, LEVELS, level, 0)

            @plsc.parallel_loop(0, NG, unroll=4)
            def clip_body(i):
                gi = i * 16 + iota
                plsc.store_scatter(x_v, [gi],
                                   jnp.maximum(plsc.load_gather(x_v, [gi]), LB))
                plsc.store_scatter(acc_v, [gi], zf16)
            gv = _sget(x_v, N - 1)
            plsc.store_scatter(outs_v, [jnp.full((16,), t, I32)],
                               jnp.full((16,), gv, F32))
            return 0

        lax.fori_loop(1, T, step, 0)
        pltpu.sync_copy(outs_v, out_hbm)


def kernel(q_prime, spatial_n, spatial_q, length, slope, top_width, side_slope,
           x_storage, edge_index):
    src = edge_index[0].astype(I32)
    dst = edge_index[1].astype(I32)
    lvl = dst // BLOCK
    order = jnp.argsort(lvl)
    src_s = jnp.pad(src[order], (0, EPAD - E))
    dst_s = jnp.pad(dst[order], (0, EPAD - E))
    off = jnp.searchsorted(lvl[order], jnp.arange(LEVELS + 1, dtype=I32))
    off = jnp.pad(off.astype(I32), (0, 48 - (LEVELS + 1)))

    pad1 = lambda a: jnp.pad(a.astype(F32), (0, NPAD - N))
    qp = jnp.pad(q_prime.astype(F32), ((0, 0), (0, NPAD - N)))
    out16 = _route_sc(qp, pad1(spatial_n), pad1(spatial_q), pad1(length),
                      pad1(slope), pad1(top_width), pad1(side_slope),
                      pad1(x_storage), src_s, dst_s, off)
    return out16[:T].reshape(1, T)

# --- scband reference (transcript-rebuilt; emitter-appended) ---
"""Pipeline reference for scband-dmc-23046794510620 (READ-ONLY COPY).

The authoritative reference and input builder live on the scoring server;
editing this copy changes nothing except your own understanding.
"""

import jax, jax.numpy as jnp
import numpy as np

N_NODES = 10000
N_EDGES = 160000
T_STEPS = 9
LEVELS = 32
SOLVE_ITERS = 34
DT = 3600.0
P_SPATIAL = 21.0
VELOCITY_LB = 0.3
DEPTH_LB = 0.01
DISCHARGE_LB = 1e-4
BTM_WIDTH_LB = 0.1
SLOPE_MIN = 1e-4
N_BOUNDS = (0.01, 0.3)
QSP_BOUNDS = (0.0, 3.0)


def setup_inputs(seed: int = 0):
    key = jax.random.key(seed)
    ks = jax.random.split(key, 10)
    rng = np.random.default_rng(0)
    # Leveled river-network DAG: edges always go from a strictly lower level block
    # to a higher one, so the adjacency is strictly lower-triangular and nilpotent
    # with index <= LEVELS (guarantees the iterative triangular solve is exact).
    block = (N_NODES + LEVELS - 1) // LEVELS
    dst = rng.integers(block, N_NODES, size=N_EDGES)
    lvl = np.minimum(dst // block, LEVELS - 1)
    src = (rng.random(N_EDGES) * (lvl * block)).astype(np.int64)
    edge_index = jnp.asarray(np.stack([src, dst]).astype(np.int64))
    q_prime = jax.random.uniform(ks[0], (T_STEPS, N_NODES), dtype=jnp.float32) * 20.0 + 0.5
    spatial_n = jax.random.uniform(ks[1], (N_NODES,), dtype=jnp.float32)
    spatial_q = jax.random.uniform(ks[2], (N_NODES,), dtype=jnp.float32)
    length = jax.random.uniform(ks[3], (N_NODES,), dtype=jnp.float32) * 5000.0 + 500.0
    slope = jax.random.uniform(ks[4], (N_NODES,), dtype=jnp.float32) * 0.05 + 1e-4
    top_width = jax.random.uniform(ks[5], (N_NODES,), dtype=jnp.float32) * 10.0 + 1.0
    side_slope = jax.random.uniform(ks[6], (N_NODES,), dtype=jnp.float32) * 2.0 + 0.5
    x_storage = jax.random.uniform(ks[7], (N_NODES,), dtype=jnp.float32) * 0.3 + 0.1
    return {"q_prime": q_prime, "spatial_n": spatial_n, "spatial_q": spatial_q,
            "length": length, "slope": slope, "top_width": top_width,
            "side_slope": side_slope, "x_storage": x_storage, "edge_index": edge_index}


def _trapezoid_velocity(q_t, n, top_width, side_slope, s0, q_spatial):
    numerator = q_t * n * (q_spatial + 1.0)
    denominator = P_SPATIAL * jnp.power(s0, 0.5)
    depth = jnp.maximum(jnp.power(numerator / (denominator + 1e-8), 3.0 / (5.0 + 3.0 * q_spatial)), DEPTH_LB)
    bw = jnp.maximum(top_width - 2.0 * side_slope * depth, BTM_WIDTH_LB)
    area = (top_width + bw) * depth / 2.0
    wetted_p = bw + 2.0 * depth * jnp.sqrt(1.0 + side_slope ** 2)
    R = area / wetted_p
    v = (1.0 / n) * jnp.power(R, 2.0 / 3.0) * jnp.power(s0, 0.5)
    return jnp.clip(v, VELOCITY_LB, 15.0) * 5.0 / 3.0


def _route(q_prime, spatial_n, spatial_q, length, slope, top_width, side_slope, x_storage, src, dst):
    T, N = q_prime.shape
    n_man = spatial_n * (N_BOUNDS[1] - N_BOUNDS[0]) + N_BOUNDS[0]   # denormalize n
    q_sp = spatial_q * (QSP_BOUNDS[1] - QSP_BOUNDS[0]) + QSP_BOUNDS[0]  # denormalize q_spatial
    s0 = jnp.maximum(slope, SLOPE_MIN)
    discharge_t = q_prime[0]
    # gage_indices = [-1]: output[i, 0] = sum(discharge_t[-1])
    outs = [jnp.maximum(discharge_t[-1], DISCHARGE_LB)]
    for t in range(1, T):
        q_l = jnp.maximum(q_prime[t - 1], DISCHARGE_LB)
        velocity = _trapezoid_velocity(discharge_t, n_man, top_width, side_slope, s0, q_sp)
        k = length / velocity
        denom = 2.0 * k * (1.0 - x_storage) + DT
        c2 = (DT + 2.0 * k * x_storage) / denom
        c3 = (2.0 * k * (1.0 - x_storage) - DT) / denom
        c4 = 2.0 * DT / denom
        i_t = jax.ops.segment_sum(discharge_t[src], dst, num_segments=N)  # network @ Q_t
        b = c2 * i_t + c3 * discharge_t + c4 * q_l
        c1 = (DT - 2.0 * k * x_storage) / denom
        c1n = (-c1).at[0].set(1.0)
        # Solve (I + diag(c1n) @ Network) x = b. Network is strictly lower-triangular
        # and nilpotent (index <= LEVELS), so fixed-point iteration x <- b - c1n*(N@x)
        # converges exactly within SOLVE_ITERS steps (== sparse triangular solve).
        def body(x, _):
            x = b - c1n * jax.ops.segment_sum(x[src], dst, num_segments=N)
            return x, None
        x_sol, _ = jax.lax.scan(body, b, None, length=SOLVE_ITERS)
        q_t1 = jnp.maximum(x_sol, DISCHARGE_LB)
        outs.append(q_t1[-1])
        discharge_t = q_t1
    return jnp.stack(outs).reshape(1, T)


def reference(q_prime, spatial_n, spatial_q, length, slope, top_width, side_slope, x_storage, edge_index):
    src = edge_index[0]
    dst = edge_index[1]
    return _route(q_prime, spatial_n, spatial_q, length, slope, top_width, side_slope, x_storage, src, dst)

if __name__ == "__main__":
    import jax
    _d = setup_inputs()
    print(jax.jit(kernel)(*tuple(_d.values())))

</pallas_src>

<mosaic_0001>
#map = affine_map<(d0, d1) -> (0, 0)>
#map1 = affine_map<(d0, d1) -> (0)>
module attributes {stable_mosaic.version = 14 : i64} {
  func.func @_route_sc(%arg0: i32, %arg1: i32, %arg2: memref<9x10240xf32, #tpu.memory_space<hbm>>, %arg3: memref<10240xf32, #tpu.memory_space<hbm>>, %arg4: memref<10240xf32, #tpu.memory_space<hbm>>, %arg5: memref<10240xf32, #tpu.memory_space<hbm>>, %arg6: memref<10240xf32, #tpu.memory_space<hbm>>, %arg7: memref<10240xf32, #tpu.memory_space<hbm>>, %arg8: memref<10240xf32, #tpu.memory_space<hbm>>, %arg9: memref<10240xf32, #tpu.memory_space<hbm>>, %arg10: memref<162048xi32, #tpu.memory_space<hbm>>, %arg11: memref<162048xi32, #tpu.memory_space<hbm>>, %arg12: memref<48xi32, #tpu.memory_space<hbm>>, %arg13: memref<16xf32, #tpu.memory_space<hbm>>, %arg14: memref<10240xf32, #tpu.memory_space<vmem>>, %arg15: memref<10240xf32, #tpu.memory_space<vmem>>, %arg16: memref<10240xf32, #tpu.memory_space<vmem>>, %arg17: memref<10240xf32, #tpu.memory_space<vmem>>, %arg18: memref<10240xf32, #tpu.memory_space<vmem>>, %arg19: memref<10240xf32, #tpu.memory_space<vmem>>, %arg20: memref<10240xf32, #tpu.memory_space<vmem>>, %arg21: memref<10240xf32, #tpu.memory_space<vmem>>, %arg22: memref<10240xf32, #tpu.memory_space<vmem>>, %arg23: memref<10240xf32, #tpu.memory_space<vmem>>, %arg24: memref<10240xf32, #tpu.memory_space<vmem>>, %arg25: memref<10240xf32, #tpu.memory_space<vmem>>, %arg26: memref<1600xi32, #tpu.memory_space<vmem>>, %arg27: memref<1600xi32, #tpu.memory_space<vmem>>, %arg28: memref<48xi32, #tpu.memory_space<vmem>>, %arg29: memref<16xf32, #tpu.memory_space<vmem>>, %arg30: memref<1600xi32, #tpu.memory_space<vmem>>, %arg31: memref<1600xi32, #tpu.memory_space<vmem>>, %arg32: memref<!tpu.dma_semaphore, #tpu.memory_space<semaphore_mem>>, %arg33: memref<!tpu.dma_semaphore, #tpu.memory_space<semaphore_mem>>, %arg34: memref<!tpu.dma_semaphore, #tpu.memory_space<semaphore_mem>>, %arg35: memref<!tpu.dma_semaphore, #tpu.memory_space<semaphore_mem>>) attributes {dimension_semantics = [#tpu.dimension_semantics<core_parallel>, #tpu.dimension_semantics<subcore_parallel>], iteration_bounds = array<i64: 2, 16>, scalar_prefetch = 0 : i64, scratch_operands = 22 : i64, tpu.core_type = #tpu.core_type<sc_vector_subcore>, window_params = [{transform_indices = #map}, {transform_indices = #map1}, {transform_indices = #map1}, {transform_indices = #map1}, {transform_indices = #map1}, {transform_indices = #map1}, {transform_indices = #map1}, {transform_indices = #map1}, {transform_indices = #map1}, {transform_indices = #map1}, {transform_indices = #map1}, {transform_indices = #map1}]} {
    %eq3A = arith.constant 0 : i32
    %eq3A_0 = arith.cmpi eq, %arg0, %eq3A : i32
    %eq3A_1 = arith.constant 0 : i32
    %eq3A_2 = arith.cmpi eq, %arg1, %eq3A_1 : i32
    %and3A = arith.andi %eq3A_0, %eq3A_2 : i1
    %convert_element_type3A = arith.extui %and3A : i1 to i32
    %cond3A = arith.constant 0 : i32
    %cond3A_3 = arith.cmpi ne, %convert_element_type3A, %cond3A : i32
    scf.if %cond3A_3 {
      %iota3A = tpu.iota {dimensions = array<i32: 0>} : vector<16xi32>
      %broadcast_in_dim3A = arith.constant 0.000000e+00 : f32
      %broadcast_in_dim3A_4 = vector.broadcast %broadcast_in_dim3A : f32 to vector<16xf32>
      "tpu.region"() ({
        %run_scoped3A_48 = tpu.sem_alloc : memref<!tpu.dma_semaphore, #tpu.memory_space<semaphore_mem>>
        tpu.enqueue_dma source(%arg12 : memref<48xi32, #tpu.memory_space<hbm>>) target(%arg28 : memref<48xi32, #tpu.memory_space<vmem>>) target_semaphore(%run_scoped3A_48 : memref<!tpu.dma_semaphore, #tpu.memory_space<semaphore_mem>>)
        tpu.wait_dma2 semaphore(%run_scoped3A_48 : memref<!tpu.dma_semaphore, #tpu.memory_space<semaphore_mem>>) src(%arg12 : memref<48xi32, #tpu.memory_space<hbm>>) dst(%arg28 : memref<48xi32, #tpu.memory_space<vmem>>)
        tpu.yield
      }) : () -> ()
      "tpu.region"() ({
        %run_scoped3A_48 = tpu.sem_alloc : memref<!tpu.dma_semaphore, #tpu.memory_space<semaphore_mem>>
        tpu.enqueue_dma source(%arg3 : memref<10240xf32, #tpu.memory_space<hbm>>) target(%arg15 : memref<10240xf32, #tpu.memory_space<vmem>>) target_semaphore(%run_scoped3A_48 : memref<!tpu.dma_semaphore, #tpu.memory_space<semaphore_mem>>)
        tpu.wait_dma2 semaphore(%run_scoped3A_48 : memref<!tpu.dma_semaphore, #tpu.memory_space<semaphore_mem>>) src(%arg3 : memref<10240xf32, #tpu.memory_space<hbm>>) dst(%arg15 : memref<10240xf32, #tpu.memory_space<vmem>>)
        tpu.yield
      }) : () -> ()
      "tpu.region"() ({
        %run_scoped3A_48 = tpu.sem_alloc : memref<!tpu.dma_semaphore, #tpu.memory_space<semaphore_mem>>
        tpu.enqueue_dma source(%arg4 : memref<10240xf32, #tpu.memory_space<hbm>>) target(%arg16 : memref<10240xf32, #tpu.memory_space<vmem>>) target_semaphore(%run_scoped3A_48 : memref<!tpu.dma_semaphore, #tpu.memory_space<semaphore_mem>>)
        tpu.wait_dma2 semaphore(%run_scoped3A_48 : memref<!tpu.dma_semaphore, #tpu.memory_space<semaphore_mem>>) src(%arg4 : memref<10240xf32, #tpu.memory_space<hbm>>) dst(%arg16 : memref<10240xf32, #tpu.memory_space<vmem>>)
        tpu.yield
      }) : () -> ()
      "tpu.region"() ({
        %run_scoped3A_48 = tpu.sem_alloc : memref<!tpu.dma_semaphore, #tpu.memory_space<semaphore_mem>>
        tpu.enqueue_dma source(%arg6 : memref<10240xf32, #tpu.memory_space<hbm>>) target(%arg17 : memref<10240xf32, #tpu.memory_space<vmem>>) target_semaphore(%run_scoped3A_48 : memref<!tpu.dma_semaphore, #tpu.memory_space<semaphore_mem>>)
        tpu.wait_dma2 semaphore(%run_scoped3A_48 : memref<!tpu.dma_semaphore, #tpu.memory_space<semaphore_mem>>) src(%arg6 : memref<10240xf32, #tpu.memory_space<hbm>>) dst(%arg17 : memref<10240xf32, #tpu.memory_space<vmem>>)
        tpu.yield
      }) : () -> ()
      %scan3A = arith.constant 0 : i32
      %scan3A_5 = arith.constant 0 : i32
      %scan3A_6 = arith.constant 640 : i32
      %scan3A_7 = arith.addi %scan3A_5, %scan3A_6 : i32
      %scan3A_8 = arith.constant 1 : i32
      %scan3A_9 = scf.for %scan3A_48 = %scan3A_5 to %scan3A_7 step %scan3A_8 iter_args(%scan3A_49 = %scan3A) -> (i32)  : i32 {
        %mul3A_50 = arith.constant 16 : i32
        %mul3A_51 = arith.muli %scan3A_48, %mul3A_50 : i32
        %add3A = vector.broadcast %mul3A_51 : i32 to vector<16xi32>
        %add3A_52 = arith.addi %add3A, %iota3A : vector<16xi32>
        %gather3A_53 = tpu.vector_load_idx %arg15[%add3A_52] : memref<10240xf32, #tpu.memory_space<vmem>>[vector<16xi32>], vector<16xf32>,
        %mul3A_54 = arith.constant 2.900000e-01 : f32
        %mul3A_55 = vector.broadcast %mul3A_54 : f32 to vector<16xf32>
        %mul3A_56 = arith.mulf %gather3A_53, %mul3A_55 : vector<16xf32>
        %add3A_57 = arith.constant 0.00999999977 : f32
        %add3A_58 = vector.broadcast %add3A_57 : f32 to vector<16xf32>
        %add3A_59 = arith.addf %mul3A_56, %add3A_58 : vector<16xf32>
        %gather3A_60 = tpu.vector_load_idx %arg16[%add3A_52] : memref<10240xf32, #tpu.memory_space<vmem>>[vector<16xi32>], vector<16xf32>,
        %mul3A_61 = arith.constant 3.000000e+00 : f32
        %mul3A_62 = vector.broadcast %mul3A_61 : f32 to vector<16xf32>
        %mul3A_63 = arith.mulf %gather3A_60, %mul3A_62 : vector<16xf32>
        %gather3A_64 = tpu.vector_load_idx %arg17[%add3A_52] : memref<10240xf32, #tpu.memory_space<vmem>>[vector<16xi32>], vector<16xf32>,
        %max3A_65 = arith.constant 9.99999974E-5 : f32
        %max3A_66 = vector.broadcast %max3A_65 : f32 to vector<16xf32>
        %max3A_67 = arith.maximumf %gather3A_64, %max3A_66 : vector<16xf32>
        %bitcast_convert_type3A = tpu.bitcast %max3A_67 : vector<16xf32> -> vector<16xi32>
        %shift_right_arithmetic3A = arith.constant 23 : i32
        %shift_right_arithmetic3A_68 = vector.broadcast %shift_right_arithmetic3A : i32 to vector<16xi32>
        %shift_right_arithmetic3A_69 = arith.shrsi %bitcast_convert_type3A, %shift_right_arithmetic3A_68 : vector<16xi32>
        %sub3A = arith.constant 127 : i32
        %sub3A_70 = vector.broadcast %sub3A : i32 to vector<16xi32>
        %sub3A_71 = arith.subi %shift_right_arithmetic3A_69, %sub3A_70 : vector<16xi32>
        %and3A_72 = arith.constant 8388607 : i32
        %and3A_73 = vector.broadcast %and3A_72 : i32 to vector<16xi32>
        %and3A_74 = arith.andi %bitcast_convert_type3A, %and3A_73 : vector<16xi32>
        %or3A = arith.constant 1065353216 : i32
        %or3A_75 = vector.broadcast %or3A : i32 to vector<16xi32>
        %or3A_76 = arith.ori %and3A_74, %or3A_75 : vector<16xi32>
        %bitcast_convert_type3A_77 = tpu.bitcast %or3A_76 : vector<16xi32> -> vector<16xf32>
        %gt3A = arith.constant 1.41421354 : f32
        %gt3A_78 = vector.broadcast %gt3A : f32 to vector<16xf32>
        %gt3A_79 = arith.cmpf ogt, %bitcast_convert_type3A_77, %gt3A_78 : vector<16xf32>
        %mul3A_80 = arith.constant 5.000000e-01 : f32
        %mul3A_81 = vector.broadcast %mul3A_80 : f32 to vector<16xf32>
        %mul3A_82 = arith.mulf %bitcast_convert_type3A_77, %mul3A_81 : vector<16xf32>
        %select_n3A = arith.select %gt3A_79, %mul3A_82, %bitcast_convert_type3A_77 : vector<16xi1>, vector<16xf32>
        %add3A_83 = arith.constant 1 : i32
        %add3A_84 = vector.broadcast %add3A_83 : i32 to vector<16xi32>
        %add3A_85 = arith.addi %sub3A_71, %add3A_84 : vector<16xi32>
        %select_n3A_86 = arith.select %gt3A_79, %add3A_85, %sub3A_71 : vector<16xi1>, vector<16xi32>
        %sub3A_87 = arith.constant 1.000000e+00 : f32
        %sub3A_88 = vector.broadcast %sub3A_87 : f32 to vector<16xf32>
        %sub3A_89 = arith.subf %select_n3A, %sub3A_88 : vector<16xf32>
        %add3A_90 = arith.constant 1.000000e+00 : f32
        %add3A_91 = vector.broadcast %add3A_90 : f32 to vector<16xf32>
        %add3A_92 = arith.addf %select_n3A, %add3A_91 : vector<16xf32>
        %div3A = arith.divf %sub3A_89, %add3A_92 : vector<16xf32>
        %mul3A_93 = arith.mulf %div3A, %div3A : vector<16xf32>
        %mul3A_94 = arith.constant 0.111111112 : f32
        %mul3A_95 = vector.broadcast %mul3A_94 : f32 to vector<16xf32>
        %mul3A_96 = arith.mulf %mul3A_93, %mul3A_95 : vector<16xf32>
        %add3A_97 = arith.constant 0.142857149 : f32
        %add3A_98 = vector.broadcast %add3A_97 : f32 to vector<16xf32>
        %add3A_99 = arith.addf %add3A_98, %mul3A_96 : vector<16xf32>
        %mul3A_100 = arith.mulf %mul3A_93, %add3A_99 : vector<16xf32>
        %add3A_101 = arith.constant 2.000000e-01 : f32
        %add3A_102 = vector.broadcast %add3A_101 : f32 to vector<16xf32>
        %add3A_103 = arith.addf %add3A_102, %mul3A_100 : vector<16xf32>
        %mul3A_104 = arith.mulf %mul3A_93, %add3A_103 : vector<16xf32>
        %add3A_105 = arith.constant 0.333333343 : f32
        %add3A_106 = vector.broadcast %add3A_105 : f32 to vector<16xf32>
        %add3A_107 = arith.addf %add3A_106, %mul3A_104 : vector<16xf32>
        %mul3A_108 = arith.mulf %mul3A_93, %add3A_107 : vector<16xf32>
        %add3A_109 = arith.constant 1.000000e+00 : f32
        %add3A_110 = vector.broadcast %add3A_109 : f32 to vector<16xf32>
        %add3A_111 = arith.addf %add3A_110, %mul3A_108 : vector<16xf32>
        %convert_element_type3A_112 = arith.sitofp %select_n3A_86 : vector<16xi32> to vector<16xf32>
        %mul3A_113 = arith.constant 0.693147182 : f32
        %mul3A_114 = vector.broadcast %mul3A_113 : f32 to vector<16xf32>
        %mul3A_115 = arith.mulf %convert_element_type3A_112, %mul3A_114 : vector<16xf32>
        %mul3A_116 = arith.constant 2.000000e+00 : f32
        %mul3A_117 = vector.broadcast %mul3A_116 : f32 to vector<16xf32>
        %mul3A_118 = arith.mulf %mul3A_117, %div3A : vector<16xf32>
        %mul3A_119 = arith.mulf %mul3A_118, %add3A_111 : vector<16xf32>
        %add3A_120 = arith.addf %mul3A_115, %mul3A_119 : vector<16xf32>
        %mul3A_121 = arith.constant 5.000000e-01 : f32
        %mul3A_122 = vector.broadcast %mul3A_121 : f32 to vector<16xf32>
        %mul3A_123 = arith.mulf %mul3A_122, %add3A_120 : vector<16xf32>
        %exp3A = math.exp %mul3A_123 : vector<16xf32>
        %add3A_124 = arith.constant 1.000000e+00 : f32
        %add3A_125 = vector.broadcast %add3A_124 : f32 to vector<16xf32>
        %add3A_126 = arith.addf %mul3A_63, %add3A_125 : vector<16xf32>
        %mul3A_127 = arith.mulf %add3A_59, %add3A_126 : vector<16xf32>
        %mul3A_128 = arith.constant 2.100000e+01 : f32
        %mul3A_129 = vector.broadcast %mul3A_128 : f32 to vector<16xf32>
        %mul3A_130 = arith.mulf %mul3A_129, %exp3A : vector<16xf32>
        %add3A_131 = arith.constant 9.99999993E-9 : f32
        %add3A_132 = vector.broadcast %add3A_131 : f32 to vector<16xf32>
        %add3A_133 = arith.addf %mul3A_130, %add3A_132 : vector<16xf32>
        %div3A_134 = arith.divf %mul3A_127, %add3A_133 : vector<16xf32>
        tpu.vector_store_idx %arg18[%add3A_52], %div3A_134 : memref<10240xf32, #tpu.memory_space<vmem>>[vector<16xi32>], vector<16xf32>,
        %mul3A_135 = arith.constant 3.000000e+00 : f32
        %mul3A_136 = vector.broadcast %mul3A_135 : f32 to vector<16xf32>
        %mul3A_137 = arith.mulf %mul3A_136, %mul3A_63 : vector<16xf32>
        %add3A_138 = arith.constant 5.000000e+00 : f32
        %add3A_139 = vector.broadcast %add3A_138 : f32 to vector<16xf32>
        %add3A_140 = arith.addf %add3A_139, %mul3A_137 : vector<16xf32>
        %div3A_141 = arith.constant 3.000000e+00 : f32
        %div3A_142 = vector.broadcast %div3A_141 : f32 to vector<16xf32>
        %div3A_143 = arith.divf %div3A_142, %add3A_140 : vector<16xf32>
        tpu.vector_store_idx %arg19[%add3A_52], %div3A_143 : memref<10240xf32, #tpu.memory_space<vmem>>[vector<16xi32>], vector<16xf32>,
        %div3A_144 = arith.divf %exp3A, %add3A_59 : vector<16xf32>
        tpu.vector_store_idx %arg20[%add3A_52], %div3A_144 : memref<10240xf32, #tpu.memory_space<vmem>>[vector<16xi32>], vector<16xf32>,
        %scan3A_145 = arith.constant 0 : i32
        scf.yield %scan3A_145 : i32
      }
      %scan3A_10 = arith.constant 640 : i32
      "tpu.region"() ({
        %run_scoped3A_48 = tpu.sem_alloc : memref<!tpu.dma_semaphore, #tpu.memory_space<semaphore_mem>>
        tpu.enqueue_dma source(%arg7 : memref<10240xf32, #tpu.memory_space<hbm>>) target(%arg21 : memref<10240xf32, #tpu.memory_space<vmem>>) target_semaphore(%run_scoped3A_48 : memref<!tpu.dma_semaphore, #tpu.memory_space<semaphore_mem>>)
        tpu.wait_dma2 semaphore(%run_scoped3A_48 : memref<!tpu.dma_semaphore, #tpu.memory_space<semaphore_mem>>) src(%arg7 : memref<10240xf32, #tpu.memory_space<hbm>>) dst(%arg21 : memref<10240xf32, #tpu.memory_space<vmem>>)
        tpu.yield
      }) : () -> ()
      "tpu.region"() ({
        %run_scoped3A_48 = tpu.sem_alloc : memref<!tpu.dma_semaphore, #tpu.memory_space<semaphore_mem>>
        tpu.enqueue_dma source(%arg8 : memref<10240xf32, #tpu.memory_space<hbm>>) target(%arg15 : memref<10240xf32, #tpu.memory_space<vmem>>) target_semaphore(%run_scoped3A_48 : memref<!tpu.dma_semaphore, #tpu.memory_space<semaphore_mem>>)
        tpu.wait_dma2 semaphore(%run_scoped3A_48 : memref<!tpu.dma_semaphore, #tpu.memory_space<semaphore_mem>>) src(%arg8 : memref<10240xf32, #tpu.memory_space<hbm>>) dst(%arg15 : memref<10240xf32, #tpu.memory_space<vmem>>)
        tpu.yield
      }) : () -> ()
      %scan3A_11 = arith.constant 0 : i32
      %scan3A_12 = arith.constant 0 : i32
      %scan3A_13 = arith.constant 640 : i32
      %scan3A_14 = arith.addi %scan3A_12, %scan3A_13 : i32
      %scan3A_15 = arith.constant 1 : i32
      %scan3A_16 = scf.for %scan3A_48 = %scan3A_12 to %scan3A_14 step %scan3A_15 iter_args(%scan3A_49 = %scan3A_11) -> (i32)  : i32 {
        %mul3A_50 = arith.constant 16 : i32
        %mul3A_51 = arith.muli %scan3A_48, %mul3A_50 : i32
        %add3A = vector.broadcast %mul3A_51 : i32 to vector<16xi32>
        %add3A_52 = arith.addi %add3A, %iota3A : vector<16xi32>
        %gather3A_53 = tpu.vector_load_idx %arg15[%add3A_52] : memref<10240xf32, #tpu.memory_space<vmem>>[vector<16xi32>], vector<16xf32>,
        %mul3A_54 = arith.constant 2.000000e+00 : f32
        %mul3A_55 = vector.broadcast %mul3A_54 : f32 to vector<16xf32>
        %mul3A_56 = arith.mulf %mul3A_55, %gather3A_53 : vector<16xf32>
        tpu.vector_store_idx %arg22[%add3A_52], %mul3A_56 : memref<10240xf32, #tpu.memory_space<vmem>>[vector<16xi32>], vector<16xf32>,
        %mul3A_57 = arith.mulf %gather3A_53, %gather3A_53 : vector<16xf32>
        %add3A_58 = arith.constant 1.000000e+00 : f32
        %add3A_59 = vector.broadcast %add3A_58 : f32 to vector<16xf32>
        %add3A_60 = arith.addf %add3A_59, %mul3A_57 : vector<16xf32>
        %bitcast_convert_type3A = tpu.bitcast %add3A_60 : vector<16xf32> -> vector<16xi32>
        %shift_right_arithmetic3A = arith.constant 23 : i32
        %shift_right_arithmetic3A_61 = vector.broadcast %shift_right_arithmetic3A : i32 to vector<16xi32>
        %shift_right_arithmetic3A_62 = arith.shrsi %bitcast_convert_type3A, %shift_right_arithmetic3A_61 : vector<16xi32>
        %sub3A = arith.constant 127 : i32
        %sub3A_63 = vector.broadcast %sub3A : i32 to vector<16xi32>
        %sub3A_64 = arith.subi %shift_right_arithmetic3A_62, %sub3A_63 : vector<16xi32>
        %and3A_65 = arith.constant 8388607 : i32
        %and3A_66 = vector.broadcast %and3A_65 : i32 to vector<16xi32>
        %and3A_67 = arith.andi %bitcast_convert_type3A, %and3A_66 : vector<16xi32>
        %or3A = arith.constant 1065353216 : i32
        %or3A_68 = vector.broadcast %or3A : i32 to vector<16xi32>
        %or3A_69 = arith.ori %and3A_67, %or3A_68 : vector<16xi32>
        %bitcast_convert_type3A_70 = tpu.bitcast %or3A_69 : vector<16xi32> -> vector<16xf32>
        %gt3A = arith.constant 1.41421354 : f32
        %gt3A_71 = vector.broadcast %gt3A : f32 to vector<16xf32>
        %gt3A_72 = arith.cmpf ogt, %bitcast_convert_type3A_70, %gt3A_71 : vector<16xf32>
        %mul3A_73 = arith.constant 5.000000e-01 : f32
        %mul3A_74 = vector.broadcast %mul3A_73 : f32 to vector<16xf32>
        %mul3A_75 = arith.mulf %bitcast_convert_type3A_70, %mul3A_74 : vector<16xf32>
        %select_n3A = arith.select %gt3A_72, %mul3A_75, %bitcast_convert_type3A_70 : vector<16xi1>, vector<16xf32>
        %add3A_76 = arith.constant 1 : i32
        %add3A_77 = vector.broadcast %add3A_76 : i32 to vector<16xi32>
        %add3A_78 = arith.addi %sub3A_64, %add3A_77 : vector<16xi32>
        %select_n3A_79 = arith.select %gt3A_72, %add3A_78, %sub3A_64 : vector<16xi1>, vector<16xi32>
        %sub3A_80 = arith.constant 1.000000e+00 : f32
        %sub3A_81 = vector.broadcast %sub3A_80 : f32 to vector<16xf32>
        %sub3A_82 = arith.subf %select_n3A, %sub3A_81 : vector<16xf32>
        %add3A_83 = arith.constant 1.000000e+00 : f32
        %add3A_84 = vector.broadcast %add3A_83 : f32 to vector<16xf32>
        %add3A_85 = arith.addf %select_n3A, %add3A_84 : vector<16xf32>
        %div3A = arith.divf %sub3A_82, %add3A_85 : vector<16xf32>
        %mul3A_86 = arith.mulf %div3A, %div3A : vector<16xf32>
        %mul3A_87 = arith.constant 0.111111112 : f32
        %mul3A_88 = vector.broadcast %mul3A_87 : f32 to vector<16xf32>
        %mul3A_89 = arith.mulf %mul3A_86, %mul3A_88 : vector<16xf32>
        %add3A_90 = arith.constant 0.142857149 : f32
        %add3A_91 = vector.broadcast %add3A_90 : f32 to vector<16xf32>
        %add3A_92 = arith.addf %add3A_91, %mul3A_89 : vector<16xf32>
        %mul3A_93 = arith.mulf %mul3A_86, %add3A_92 : vector<16xf32>
        %add3A_94 = arith.constant 2.000000e-01 : f32
        %add3A_95 = vector.broadcast %add3A_94 : f32 to vector<16xf32>
        %add3A_96 = arith.addf %add3A_95, %mul3A_93 : vector<16xf32>
        %mul3A_97 = arith.mulf %mul3A_86, %add3A_96 : vector<16xf32>
        %add3A_98 = arith.constant 0.333333343 : f32
        %add3A_99 = vector.broadcast %add3A_98 : f32 to vector<16xf32>
        %add3A_100 = arith.addf %add3A_99, %mul3A_97 : vector<16xf32>
        %mul3A_101 = arith.mulf %mul3A_86, %add3A_100 : vector<16xf32>
        %add3A_102 = arith.constant 1.000000e+00 : f32
        %add3A_103 = vector.broadcast %add3A_102 : f32 to vector<16xf32>
        %add3A_104 = arith.addf %add3A_103, %mul3A_101 : vector<16xf32>
        %convert_element_type3A_105 = arith.sitofp %select_n3A_79 : vector<16xi32> to vector<16xf32>
        %mul3A_106 = arith.constant 0.693147182 : f32
        %mul3A_107 = vector.broadcast %mul3A_106 : f32 to vector<16xf32>
        %mul3A_108 = arith.mulf %convert_element_type3A_105, %mul3A_107 : vector<16xf32>
        %mul3A_109 = arith.constant 2.000000e+00 : f32
        %mul3A_110 = vector.broadcast %mul3A_109 : f32 to vector<16xf32>
        %mul3A_111 = arith.mulf %mul3A_110, %div3A : vector<16xf32>
        %mul3A_112 = arith.mulf %mul3A_111, %add3A_104 : vector<16xf32>
        %add3A_113 = arith.addf %mul3A_108, %mul3A_112 : vector<16xf32>
        %mul3A_114 = arith.constant 5.000000e-01 : f32
        %mul3A_115 = vector.broadcast %mul3A_114 : f32 to vector<16xf32>
        %mul3A_116 = arith.mulf %mul3A_115, %add3A_113 : vector<16xf32>
        %exp3A = math.exp %mul3A_116 : vector<16xf32>
        %mul3A_117 = arith.constant 2.000000e+00 : f32
        %mul3A_118 = vector.broadcast %mul3A_117 : f32 to vector<16xf32>
        %mul3A_119 = arith.mulf %mul3A_118, %exp3A : vector<16xf32>
        tpu.vector_store_idx %arg23[%add3A_52], %mul3A_119 : memref<10240xf32, #tpu.memory_space<vmem>>[vector<16xi32>], vector<16xf32>,
        %scan3A_120 = arith.constant 0 : i32
        scf.yield %scan3A_120 : i32
      }
      %scan3A_17 = arith.constant 640 : i32
      "tpu.region"() ({
        %run_scoped3A_48 = tpu.sem_alloc : memref<!tpu.dma_semaphore, #tpu.memory_space<semaphore_mem>>
        tpu.enqueue_dma source(%arg5 : memref<10240xf32, #tpu.memory_space<hbm>>) target(%arg15 : memref<10240xf32, #tpu.memory_space<vmem>>) target_semaphore(%run_scoped3A_48 : memref<!tpu.dma_semaphore, #tpu.memory_space<semaphore_mem>>)
        tpu.wait_dma2 semaphore(%run_scoped3A_48 : memref<!tpu.dma_semaphore, #tpu.memory_space<semaphore_mem>>) src(%arg5 : memref<10240xf32, #tpu.memory_space<hbm>>) dst(%arg15 : memref<10240xf32, #tpu.memory_space<vmem>>)
        tpu.yield
      }) : () -> ()
      "tpu.region"() ({
        %run_scoped3A_48 = tpu.sem_alloc : memref<!tpu.dma_semaphore, #tpu.memory_space<semaphore_mem>>
        tpu.enqueue_dma source(%arg9 : memref<10240xf32, #tpu.memory_space<hbm>>) target(%arg16 : memref<10240xf32, #tpu.memory_space<vmem>>) target_semaphore(%run_scoped3A_48 : memref<!tpu.dma_semaphore, #tpu.memory_space<semaphore_mem>>)
        tpu.wait_dma2 semaphore(%run_scoped3A_48 : memref<!tpu.dma_semaphore, #tpu.memory_space<semaphore_mem>>) src(%arg9 : memref<10240xf32, #tpu.memory_space<hbm>>) dst(%arg16 : memref<10240xf32, #tpu.memory_space<vmem>>)
        tpu.yield
      }) : () -> ()
      %scan3A_18 = arith.constant 0 : i32
      %scan3A_19 = arith.constant 0 : i32
      %scan3A_20 = arith.constant 640 : i32
      %scan3A_21 = arith.addi %scan3A_19, %scan3A_20 : i32
      %scan3A_22 = arith.constant 1 : i32
      %scan3A_23 = scf.for %scan3A_48 = %scan3A_19 to %scan3A_21 step %scan3A_22 iter_args(%scan3A_49 = %scan3A_18) -> (i32)  : i32 {
        %mul3A_50 = arith.constant 16 : i32
        %mul3A_51 = arith.muli %scan3A_48, %mul3A_50 : i32
        %add3A = vector.broadcast %mul3A_51 : i32 to vector<16xi32>
        %add3A_52 = arith.addi %add3A, %iota3A : vector<16xi32>
        %gather3A_53 = tpu.vector_load_idx %arg15[%add3A_52] : memref<10240xf32, #tpu.memory_space<vmem>>[vector<16xi32>], vector<16xf32>,
        %gather3A_54 = tpu.vector_load_idx %arg16[%add3A_52] : memref<10240xf32, #tpu.memory_space<vmem>>[vector<16xi32>], vector<16xf32>,
        %mul3A_55 = arith.constant 2.000000e+00 : f32
        %mul3A_56 = vector.broadcast %mul3A_55 : f32 to vector<16xf32>
        %mul3A_57 = arith.mulf %mul3A_56, %gather3A_53 : vector<16xf32>
        %sub3A = arith.constant 1.000000e+00 : f32
        %sub3A_58 = vector.broadcast %sub3A : f32 to vector<16xf32>
        %sub3A_59 = arith.subf %sub3A_58, %gather3A_54 : vector<16xf32>
        %mul3A_60 = arith.mulf %mul3A_57, %sub3A_59 : vector<16xf32>
        tpu.vector_store_idx %arg24[%add3A_52], %mul3A_60 : memref<10240xf32, #tpu.memory_space<vmem>>[vector<16xi32>], vector<16xf32>,
        %mul3A_61 = arith.constant 2.000000e+00 : f32
        %mul3A_62 = vector.broadcast %mul3A_61 : f32 to vector<16xf32>
        %mul3A_63 = arith.mulf %mul3A_62, %gather3A_53 : vector<16xf32>
        %mul3A_64 = arith.mulf %mul3A_63, %gather3A_54 : vector<16xf32>
        tpu.vector_store_idx %arg25[%add3A_52], %mul3A_64 : memref<10240xf32, #tpu.memory_space<vmem>>[vector<16xi32>], vector<16xf32>,
        %scan3A_65 = arith.constant 0 : i32
        scf.yield %scan3A_65 : i32
      }
      %scan3A_24 = arith.constant 640 : i32
      %run_scoped3A = arith.constant 0 : i32
      "tpu.region"() ({
        %run_scoped3A_48 = tpu.sem_alloc : memref<!tpu.dma_semaphore, #tpu.memory_space<semaphore_mem>>
        %dma_start3A = arith.constant 0 : i32
        %dma_start3A_49 = tpu.memref_slice %arg2[%run_scoped3A, %dma_start3A] : memref<9x10240xf32, #tpu.memory_space<hbm>> -> memref<1x10240xf32, #tpu.memory_space<hbm>>
        %dma_start3A_50 = tpu.memref_squeeze %dma_start3A_49 : memref<1x10240xf32, #tpu.memory_space<hbm>> -> memref<10240xf32, #tpu.memory_space<hbm>>
        %dma_start3A_51 = arith.constant 0 : i32
        %dma_start3A_52 = tpu.memref_slice %arg2[%run_scoped3A, %dma_start3A_51] : memref<9x10240xf32, #tpu.memory_space<hbm>> -> memref<1x10240xf32, #tpu.memory_space<hbm>>
        %dma_start3A_53 = tpu.memref_squeeze %dma_start3A_52 : memref<1x10240xf32, #tpu.memory_space<hbm>> -> memref<10240xf32, #tpu.memory_space<hbm>>
        tpu.enqueue_dma source(%dma_start3A_53 : memref<10240xf32, #tpu.memory_space<hbm>>) target(%arg14 : memref<10240xf32, #tpu.memory_space<vmem>>) target_semaphore(%run_scoped3A_48 : memref<!tpu.dma_semaphore, #tpu.memory_space<semaphore_mem>>)
        %dma_wait3A = arith.constant 0 : i32
        %dma_wait3A_54 = tpu.memref_slice %arg2[%run_scoped3A, %dma_wait3A] : memref<9x10240xf32, #tpu.memory_space<hbm>> -> memref<1x10240xf32, #tpu.memory_space<hbm>>
        %dma_wait3A_55 = tpu.memref_squeeze %dma_wait3A_54 : memref<1x10240xf32, #tpu.memory_space<hbm>> -> memref<10240xf32, #tpu.memory_space<hbm>>
        %dma_wait3A_56 = arith.constant 0 : i32
        %dma_wait3A_57 = tpu.memref_slice %arg2[%run_scoped3A, %dma_wait3A_56] : memref<9x10240xf32, #tpu.memory_space<hbm>> -> memref<1x10240xf32, #tpu.memory_space<hbm>>
        %dma_wait3A_58 = tpu.memref_squeeze %dma_wait3A_57 : memref<1x10240xf32, #tpu.memory_space<hbm>> -> memref<10240xf32, #tpu.memory_space<hbm>>
        tpu.wait_dma2 semaphore(%run_scoped3A_48 : memref<!tpu.dma_semaphore, #tpu.memory_space<semaphore_mem>>) src(%dma_wait3A_58 : memref<10240xf32, #tpu.memory_space<hbm>>) dst(%arg14 : memref<10240xf32, #tpu.memory_space<vmem>>)
        tpu.yield
      }) : () -> ()
      %scan3A_25 = arith.constant 0 : i32
      %scan3A_26 = arith.constant 0 : i32
      %scan3A_27 = arith.constant 640 : i32
      %scan3A_28 = arith.addi %scan3A_26, %scan3A_27 : i32
      %scan3A_29 = arith.constant 1 : i32
      %scan3A_30 = scf.for %scan3A_48 = %scan3A_26 to %scan3A_28 step %scan3A_29 iter_args(%scan3A_49 = %scan3A_25) -> (i32)  : i32 {
        %mul3A_50 = arith.constant 16 : i32
        %mul3A_51 = arith.muli %scan3A_48, %mul3A_50 : i32
        %add3A = vector.broadcast %mul3A_51 : i32 to vector<16xi32>
        %add3A_52 = arith.addi %add3A, %iota3A : vector<16xi32>
        tpu.vector_store_idx %arg15[%add3A_52], %broadcast_in_dim3A_4 : memref<10240xf32, #tpu.memory_space<vmem>>[vector<16xi32>], vector<16xf32>,
        %scan3A_53 = arith.constant 0 : i32
        scf.yield %scan3A_53 : i32
      }
      %scan3A_31 = arith.constant 640 : i32
      %broadcast_in_dim3A_32 = arith.constant 9999 : i32
      %broadcast_in_dim3A_33 = vector.broadcast %broadcast_in_dim3A_32 : i32 to vector<16xi32>
      %gather3A = tpu.vector_load_idx %arg14[%broadcast_in_dim3A_33] : memref<10240xf32, #tpu.memory_space<vmem>>[vector<16xi32>], vector<16xf32>,
      %reduce_max3A = arith.constant true
      %reduce_max3A_34 = vector.broadcast %reduce_max3A : i1 to vector<16xi1>
      %reduce_max3A_35 = tpu.scan <max>, %gather3A masked %reduce_max3A_34 : vector<16xf32>, vector<16xi1> -> vector<16xf32>
      %reduce_max3A_36 = vector.extract %reduce_max3A_35[15] : f32 from vector<16xf32>
      %max3A = arith.constant 9.99999974E-5 : f32
      %max3A_37 = arith.maximumf %reduce_max3A_36, %max3A : f32
      %mul3A = arith.constant 0 : i32
      %mul3A_38 = vector.broadcast %mul3A : i32 to vector<16xi32>
      %mul3A_39 = arith.muli %iota3A, %mul3A_38 : vector<16xi32>
      %broadcast_in_dim3A_40 = vector.broadcast %max3A_37 : f32 to vector<16xf32>
      tpu.vector_store_idx %arg29[%mul3A_39], %broadcast_in_dim3A_40 : memref<16xf32, #tpu.memory_space<vmem>>[vector<16xi32>], vector<16xf32>,
      %scan3A_41 = arith.constant 0 : i32
      %scan3A_42 = arith.constant 1 : i32
      %scan3A_43 = arith.constant 8 : i32
      %scan3A_44 = arith.addi %scan3A_42, %scan3A_43 : i32
      %scan3A_45 = arith.constant 1 : i32
      %scan3A_46 = scf.for %scan3A_48 = %scan3A_42 to %scan3A_44 step %scan3A_45 iter_args(%scan3A_49 = %scan3A_41) -> (i32)  : i32 {
        %sub3A = arith.constant 1 : i32
        %sub3A_50 = arith.subi %scan3A_48, %sub3A : i32
        "tpu.region"() ({
          %run_scoped3A_110 = tpu.sem_alloc : memref<!tpu.dma_semaphore, #tpu.memory_space<semaphore_mem>>
          %dma_start3A_111 = arith.constant 0 : i32
          %dma_start3A_112 = tpu.memref_slice %arg2[%sub3A_50, %dma_start3A_111] : memref<9x10240xf32, #tpu.memory_space<hbm>> -> memref<1x10240xf32, #tpu.memory_space<hbm>>
          %dma_start3A_113 = tpu.memref_squeeze %dma_start3A_112 : memref<1x10240xf32, #tpu.memory_space<hbm>> -> memref<10240xf32, #tpu.memory_space<hbm>>
          %dma_start3A_114 = arith.constant 0 : i32
          %dma_start3A_115 = tpu.memref_slice %arg2[%sub3A_50, %dma_start3A_114] : memref<9x10240xf32, #tpu.memory_space<hbm>> -> memref<1x10240xf32, #tpu.memory_space<hbm>>
          %dma_start3A_116 = tpu.memref_squeeze %dma_start3A_115 : memref<1x10240xf32, #tpu.memory_space<hbm>> -> memref<10240xf32, #tpu.memory_space<hbm>>
          tpu.enqueue_dma source(%dma_start3A_116 : memref<10240xf32, #tpu.memory_space<hbm>>) target(%arg17 : memref<10240xf32, #tpu.memory_space<vmem>>) target_semaphore(%run_scoped3A_110 : memref<!tpu.dma_semaphore, #tpu.memory_space<semaphore_mem>>)
          %dma_wait3A_117 = arith.constant 0 : i32
          %dma_wait3A_118 = tpu.memref_slice %arg2[%sub3A_50, %dma_wait3A_117] : memref<9x10240xf32, #tpu.memory_space<hbm>> -> memref<1x10240xf32, #tpu.memory_space<hbm>>
          %dma_wait3A_119 = tpu.memref_squeeze %dma_wait3A_118 : memref<1x10240xf32, #tpu.memory_space<hbm>> -> memref<10240xf32, #tpu.memory_space<hbm>>
          %dma_wait3A_120 = arith.constant 0 : i32
          %dma_wait3A_121 = tpu.memref_slice %arg2[%sub3A_50, %dma_wait3A_120] : memref<9x10240xf32, #tpu.memory_space<hbm>> -> memref<1x10240xf32, #tpu.memory_space<hbm>>
          %dma_wait3A_122 = tpu.memref_squeeze %dma_wait3A_121 : memref<1x10240xf32, #tpu.memory_space<hbm>> -> memref<10240xf32, #tpu.memory_space<hbm>>
          tpu.wait_dma2 semaphore(%run_scoped3A_110 : memref<!tpu.dma_semaphore, #tpu.memory_space<semaphore_mem>>) src(%dma_wait3A_122 : memref<10240xf32, #tpu.memory_space<hbm>>) dst(%arg17 : memref<10240xf32, #tpu.memory_space<vmem>>)
          tpu.yield
        }) : () -> ()
        %dma_start3A = arith.constant 0 : i32
        %dma_start3A_51 = tpu.memref_slice %arg10[%dma_start3A] : memref<162048xi32, #tpu.memory_space<hbm>> -> memref<1600xi32, #tpu.memory_space<hbm>>
        %dma_start3A_52 = arith.constant 0 : i32
        %dma_start3A_53 = tpu.memref_slice %arg10[%dma_start3A_52] : memref<162048xi32, #tpu.memory_space<hbm>> -> memref<1600xi32, #tpu.memory_space<hbm>>
        tpu.enqueue_dma source(%dma_start3A_53 : memref<1600xi32, #tpu.memory_space<hbm>>) target(%arg26 : memref<1600xi32, #tpu.memory_space<vmem>>) target_semaphore(%arg32 : memref<!tpu.dma_semaphore, #tpu.memory_space<semaphore_mem>>)
        %dma_start3A_54 = arith.constant 0 : i32
        %dma_start3A_55 = tpu.memref_slice %arg11[%dma_start3A_54] : memref<162048xi32, #tpu.memory_space<hbm>> -> memref<1600xi32, #tpu.memory_space<hbm>>
        %dma_start3A_56 = arith.constant 0 : i32
        %dma_start3A_57 = tpu.memref_slice %arg11[%dma_start3A_56] : memref<162048xi32, #tpu.memory_space<hbm>> -> memref<1600xi32, #tpu.memory_space<hbm>>
        tpu.enqueue_dma source(%dma_start3A_57 : memref<1600xi32, #tpu.memory_space<hbm>>) target(%arg27 : memref<1600xi32, #tpu.memory_space<vmem>>) target_semaphore(%arg33 : memref<!tpu.dma_semaphore, #tpu.memory_space<semaphore_mem>>)
        %dma_start3A_58 = arith.constant 1600 : i32
        %dma_start3A_59 = tpu.memref_slice %arg10[%dma_start3A_58] : memref<162048xi32, #tpu.memory_space<hbm>> -> memref<1600xi32, #tpu.memory_space<hbm>>
        %dma_start3A_60 = arith.constant 1600 : i32
        %dma_start3A_61 = tpu.memref_slice %arg10[%dma_start3A_60] : memref<162048xi32, #tpu.memory_space<hbm>> -> memref<1600xi32, #tpu.memory_space<hbm>>
        tpu.enqueue_dma source(%dma_start3A_61 : memref<1600xi32, #tpu.memory_space<hbm>>) target(%arg30 : memref<1600xi32, #tpu.memory_space<vmem>>) target_semaphore(%arg34 : memref<!tpu.dma_semaphore, #tpu.memory_space<semaphore_mem>>)
        %dma_start3A_62 = arith.constant 1600 : i32
        %dma_start3A_63 = tpu.memref_slice %arg11[%dma_start3A_62] : memref<162048xi32, #tpu.memory_space<hbm>> -> memref<1600xi32, #tpu.memory_space<hbm>>
        %dma_start3A_64 = arith.constant 1600 : i32
        %dma_start3A_65 = tpu.memref_slice %arg11[%dma_start3A_64] : memref<162048xi32, #tpu.memory_space<hbm>> -> memref<1600xi32, #tpu.memory_space<hbm>>
        tpu.enqueue_dma source(%dma_start3A_65 : memref<1600xi32, #tpu.memory_space<hbm>>) target(%arg31 : memref<1600xi32, #tpu.memory_space<vmem>>) target_semaphore(%arg35 : memref<!tpu.dma_semaphore, #tpu.memory_space<semaphore_mem>>)
        %scan3A_66 = arith.constant 0 : i32
        %scan3A_67 = arith.constant 0 : i32
        %scan3A_68 = arith.constant 50 : i32
        %scan3A_69 = arith.addi %scan3A_67, %scan3A_68 : i32
        %scan3A_70 = arith.constant 1 : i32
        %scan3A_71 = scf.for %scan3A_110 = %scan3A_67 to %scan3A_69 step %scan3A_70 iter_args(%scan3A_111 = %scan3A_66) -> (i32)  : i32 {
          %mul3A_112 = arith.constant 2 : i32
          %mul3A_113 = arith.muli %mul3A_112, %scan3A_110 : i32
          %add3A = arith.constant 2 : i32
          %add3A_114 = arith.addi %mul3A_113, %add3A : i32
          %mul3A_115 = arith.constant 1600 : i32
          %mul3A_116 = arith.muli %add3A_114, %mul3A_115 : i32
          %min3A = arith.constant 158400 : i32
          %min3A_117 = arith.minsi %mul3A_116, %min3A : i32
          %multiple_of3A = tpu.assume_multiple %min3A_117, 8 : i32
          %add3A_118 = arith.constant 3 : i32
          %add3A_119 = arith.addi %mul3A_113, %add3A_118 : i32
          %mul3A_120 = arith.constant 1600 : i32
          %mul3A_121 = arith.muli %add3A_119, %mul3A_120 : i32
          %min3A_122 = arith.constant 158400 : i32
          %min3A_123 = arith.minsi %mul3A_121, %min3A_122 : i32
          %multiple_of3A_124 = tpu.assume_multiple %min3A_123, 8 : i32
          %dma_wait3A_125 = arith.constant 0 : i32
          %dma_wait3A_126 = tpu.memref_slice %arg10[%dma_wait3A_125] : memref<162048xi32, #tpu.memory_space<hbm>> -> memref<1600xi32, #tpu.memory_space<hbm>>
          %dma_wait3A_127 = arith.constant 0 : i32
          %dma_wait3A_128 = tpu.memref_slice %arg10[%dma_wait3A_127] : memref<162048xi32, #tpu.memory_space<hbm>> -> memref<1600xi32, #tpu.memory_space<hbm>>
          tpu.wait_dma2 semaphore(%arg32 : memref<!tpu.dma_semaphore, #tpu.memory_space<semaphore_mem>>) src(%dma_wait3A_128 : memref<1600xi32, #tpu.memory_space<hbm>>) dst(%arg26 : memref<1600xi32, #tpu.memory_space<vmem>>)
          %dma_wait3A_129 = arith.constant 0 : i32
          %dma_wait3A_130 = tpu.memref_slice %arg11[%dma_wait3A_129] : memref<162048xi32, #tpu.memory_space<hbm>> -> memref<1600xi32, #tpu.memory_space<hbm>>
          %dma_wait3A_131 = arith.constant 0 : i32
          %dma_wait3A_132 = tpu.memref_slice %arg11[%dma_wait3A_131] : memref<162048xi32, #tpu.memory_space<hbm>> -> memref<1600xi32, #tpu.memory_space<hbm>>
          tpu.wait_dma2 semaphore(%arg33 : memref<!tpu.dma_semaphore, #tpu.memory_space<semaphore_mem>>) src(%dma_wait3A_132 : memref<1600xi32, #tpu.memory_space<hbm>>) dst(%arg27 : memref<1600xi32, #tpu.memory_space<vmem>>)
          %parallel_loop3A_133 = arith.constant 0 : i32
          %parallel_loop3A_134 = arith.constant 100 : i32
          %parallel_loop3A_135 = arith.constant 1 : i32
          scf.for %parallel_loop3A_156 = %parallel_loop3A_133 to %parallel_loop3A_134 step %parallel_loop3A_135  : i32 {
            %parallel_loop3A_157 = arith.constant 16 : i32
            %parallel_loop3A_158 = arith.muli %parallel_loop3A_156, %parallel_loop3A_157 : i32
            %parallel_loop3A_159 = vector.broadcast %parallel_loop3A_158 : i32 to vector<16xi32>
            %parallel_loop3A_160 = arith.addi %parallel_loop3A_159, %iota3A : vector<16xi32>
            %parallel_loop3A_161 = tpu.vector_load_idx %arg26[%parallel_loop3A_160] : memref<1600xi32, #tpu.memory_space<vmem>>[vector<16xi32>], vector<16xi32>,
            %parallel_loop3A_162 = tpu.vector_load_idx %arg27[%parallel_loop3A_160] : memref<1600xi32, #tpu.memory_space<vmem>>[vector<16xi32>], vector<16xi32>,
            %parallel_loop3A_163 = tpu.vector_load_idx %arg14[%parallel_loop3A_161] : memref<10240xf32, #tpu.memory_space<vmem>>[vector<16xi32>], vector<16xf32>,
            tpu.vector_store_idx %arg15[%parallel_loop3A_162], %parallel_loop3A_163 {add = true} : memref<10240xf32, #tpu.memory_space<vmem>>[vector<16xi32>], vector<16xf32>,
          } {sc.loop_unroll_factor = 4 : i64, sc.parallel_access}
          %dma_start3A_136 = tpu.memref_slice %arg10[%multiple_of3A] : memref<162048xi32, #tpu.memory_space<hbm>> -> memref<1600xi32, #tpu.memory_space<hbm>>
          %dma_start3A_137 = tpu.memref_slice %arg10[%multiple_of3A] : memref<162048xi32, #tpu.memory_space<hbm>> -> memref<1600xi32, #tpu.memory_space<hbm>>
          tpu.enqueue_dma source(%dma_start3A_137 : memref<1600xi32, #tpu.memory_space<hbm>>) target(%arg26 : memref<1600xi32, #tpu.memory_space<vmem>>) target_semaphore(%arg32 : memref<!tpu.dma_semaphore, #tpu.memory_space<semaphore_mem>>)
          %dma_start3A_138 = tpu.memref_slice %arg11[%multiple_of3A] : memref<162048xi32, #tpu.memory_space<hbm>> -> memref<1600xi32, #tpu.memory_space<hbm>>
          %dma_start3A_139 = tpu.memref_slice %arg11[%multiple_of3A] : memref<162048xi32, #tpu.memory_space<hbm>> -> memref<1600xi32, #tpu.memory_space<hbm>>
          tpu.enqueue_dma source(%dma_start3A_139 : memref<1600xi32, #tpu.memory_space<hbm>>) target(%arg27 : memref<1600xi32, #tpu.memory_space<vmem>>) target_semaphore(%arg33 : memref<!tpu.dma_semaphore, #tpu.memory_space<semaphore_mem>>)
          %dma_wait3A_140 = arith.constant 0 : i32
          %dma_wait3A_141 = tpu.memref_slice %arg10[%dma_wait3A_140] : memref<162048xi32, #tpu.memory_space<hbm>> -> memref<1600xi32, #tpu.memory_space<hbm>>
          %dma_wait3A_142 = arith.constant 0 : i32
          %dma_wait3A_143 = tpu.memref_slice %arg10[%dma_wait3A_142] : memref<162048xi32, #tpu.memory_space<hbm>> -> memref<1600xi32, #tpu.memory_space<hbm>>
          tpu.wait_dma2 semaphore(%arg34 : memref<!tpu.dma_semaphore, #tpu.memory_space<semaphore_mem>>) src(%dma_wait3A_143 : memref<1600xi32, #tpu.memory_space<hbm>>) dst(%arg30 : memref<1600xi32, #tpu.memory_space<vmem>>)
          %dma_wait3A_144 = arith.constant 0 : i32
          %dma_wait3A_145 = tpu.memref_slice %arg11[%dma_wait3A_144] : memref<162048xi32, #tpu.memory_space<hbm>> -> memref<1600xi32, #tpu.memory_space<hbm>>
          %dma_wait3A_146 = arith.constant 0 : i32
          %dma_wait3A_147 = tpu.memref_slice %arg11[%dma_wait3A_146] : memref<162048xi32, #tpu.memory_space<hbm>> -> memref<1600xi32, #tpu.memory_space<hbm>>
          tpu.wait_dma2 semaphore(%arg35 : memref<!tpu.dma_semaphore, #tpu.memory_space<semaphore_mem>>) src(%dma_wait3A_147 : memref<1600xi32, #tpu.memory_space<hbm>>) dst(%arg31 : memref<1600xi32, #tpu.memory_space<vmem>>)
          %parallel_loop3A_148 = arith.constant 0 : i32
          %parallel_loop3A_149 = arith.constant 100 : i32
          %parallel_loop3A_150 = arith.constant 1 : i32
          scf.for %parallel_loop3A_156 = %parallel_loop3A_148 to %parallel_loop3A_149 step %parallel_loop3A_150  : i32 {
            %parallel_loop3A_157 = arith.constant 16 : i32
            %parallel_loop3A_158 = arith.muli %parallel_loop3A_156, %parallel_loop3A_157 : i32
            %parallel_loop3A_159 = vector.broadcast %parallel_loop3A_158 : i32 to vector<16xi32>
            %parallel_loop3A_160 = arith.addi %parallel_loop3A_159, %iota3A : vector<16xi32>
            %parallel_loop3A_161 = tpu.vector_load_idx %arg30[%parallel_loop3A_160] : memref<1600xi32, #tpu.memory_space<vmem>>[vector<16xi32>], vector<16xi32>,
            %parallel_loop3A_162 = tpu.vector_load_idx %arg31[%parallel_loop3A_160] : memref<1600xi32, #tpu.memory_space<vmem>>[vector<16xi32>], vector<16xi32>,
            %parallel_loop3A_163 = tpu.vector_load_idx %arg14[%parallel_loop3A_161] : memref<10240xf32, #tpu.memory_space<vmem>>[vector<16xi32>], vector<16xf32>,
            tpu.vector_store_idx %arg15[%parallel_loop3A_162], %parallel_loop3A_163 {add = true} : memref<10240xf32, #tpu.memory_space<vmem>>[vector<16xi32>], vector<16xf32>,
          } {sc.loop_unroll_factor = 4 : i64, sc.parallel_access}
          %dma_start3A_151 = tpu.memref_slice %arg10[%multiple_of3A_124] : memref<162048xi32, #tpu.memory_space<hbm>> -> memref<1600xi32, #tpu.memory_space<hbm>>
          %dma_start3A_152 = tpu.memref_slice %arg10[%multiple_of3A_124] : memref<162048xi32, #tpu.memory_space<hbm>> -> memref<1600xi32, #tpu.memory_space<hbm>>
          tpu.enqueue_dma source(%dma_start3A_152 : memref<1600xi32, #tpu.memory_space<hbm>>) target(%arg30 : memref<1600xi32, #tpu.memory_space<vmem>>) target_semaphore(%arg34 : memref<!tpu.dma_semaphore, #tpu.memory_space<semaphore_mem>>)
          %dma_start3A_153 = tpu.memref_slice %arg11[%multiple_of3A_124] : memref<162048xi32, #tpu.memory_space<hbm>> -> memref<1600xi32, #tpu.memory_space<hbm>>
          %dma_start3A_154 = tpu.memref_slice %arg11[%multiple_of3A_124] : memref<162048xi32, #tpu.memory_space<hbm>> -> memref<1600xi32, #tpu.memory_space<hbm>>
          tpu.enqueue_dma source(%dma_start3A_154 : memref<1600xi32, #tpu.memory_space<hbm>>) target(%arg31 : memref<1600xi32, #tpu.memory_space<vmem>>) target_semaphore(%arg35 : memref<!tpu.dma_semaphore, #tpu.memory_space<semaphore_mem>>)
          %scan3A_155 = arith.constant 0 : i32
          scf.yield %scan3A_155 : i32
        }
        %scan3A_72 = arith.constant 50 : i32
        %dma_wait3A = arith.constant 0 : i32
        %dma_wait3A_73 = tpu.memref_slice %arg10[%dma_wait3A] : memref<162048xi32, #tpu.memory_space<hbm>> -> memref<1600xi32, #tpu.memory_space<hbm>>
        %dma_wait3A_74 = arith.constant 0 : i32
        %dma_wait3A_75 = tpu.memref_slice %arg10[%dma_wait3A_74] : memref<162048xi32, #tpu.memory_space<hbm>> -> memref<1600xi32, #tpu.memory_space<hbm>>
        tpu.wait_dma2 semaphore(%arg32 : memref<!tpu.dma_semaphore, #tpu.memory_space<semaphore_mem>>) src(%dma_wait3A_75 : memref<1600xi32, #tpu.memory_space<hbm>>) dst(%arg26 : memref<1600xi32, #tpu.memory_space<vmem>>)
        %dma_wait3A_76 = arith.constant 0 : i32
        %dma_wait3A_77 = tpu.memref_slice %arg11[%dma_wait3A_76] : memref<162048xi32, #tpu.memory_space<hbm>> -> memref<1600xi32, #tpu.memory_space<hbm>>
        %dma_wait3A_78 = arith.constant 0 : i32
        %dma_wait3A_79 = tpu.memref_slice %arg11[%dma_wait3A_78] : memref<162048xi32, #tpu.memory_space<hbm>> -> memref<1600xi32, #tpu.memory_space<hbm>>
        tpu.wait_dma2 semaphore(%arg33 : memref<!tpu.dma_semaphore, #tpu.memory_space<semaphore_mem>>) src(%dma_wait3A_79 : memref<1600xi32, #tpu.memory_space<hbm>>) dst(%arg27 : memref<1600xi32, #tpu.memory_space<vmem>>)
        %dma_wait3A_80 = arith.constant 0 : i32
        %dma_wait3A_81 = tpu.memref_slice %arg10[%dma_wait3A_80] : memref<162048xi32, #tpu.memory_space<hbm>> -> memref<1600xi32, #tpu.memory_space<hbm>>
        %dma_wait3A_82 = arith.constant 0 : i32
        %dma_wait3A_83 = tpu.memref_slice %arg10[%dma_wait3A_82] : memref<162048xi32, #tpu.memory_space<hbm>> -> memref<1600xi32, #tpu.memory_space<hbm>>
        tpu.wait_dma2 semaphore(%arg34 : memref<!tpu.dma_semaphore, #tpu.memory_space<semaphore_mem>>) src(%dma_wait3A_83 : memref<1600xi32, #tpu.memory_space<hbm>>) dst(%arg30 : memref<1600xi32, #tpu.memory_space<vmem>>)
        %dma_wait3A_84 = arith.constant 0 : i32
        %dma_wait3A_85 = tpu.memref_slice %arg11[%dma_wait3A_84] : memref<162048xi32, #tpu.memory_space<hbm>> -> memref<1600xi32, #tpu.memory_space<hbm>>
        %dma_wait3A_86 = arith.constant 0 : i32
        %dma_wait3A_87 = tpu.memref_slice %arg11[%dma_wait3A_86] : memref<162048xi32, #tpu.memory_space<hbm>> -> memref<1600xi32, #tpu.memory_space<hbm>>
        tpu.wait_dma2 semaphore(%arg35 : memref<!tpu.dma_semaphore, #tpu.memory_space<semaphore_mem>>) src(%dma_wait3A_87 : memref<1600xi32, #tpu.memory_space<hbm>>) dst(%arg31 : memref<1600xi32, #tpu.memory_space<vmem>>)
        %parallel_loop3A = arith.constant 0 : i32
        %parallel_loop3A_88 = arith.constant 640 : i32
        %parallel_loop3A_89 = arith.constant 1 : i32
        scf.for %parallel_loop3A_110 = %parallel_loop3A to %parallel_loop3A_88 step %parallel_loop3A_89  : i32 {
          %parallel_loop3A_111 = arith.constant 16 : i32
          %parallel_loop3A_112 = arith.muli %parallel_loop3A_110, %parallel_loop3A_111 : i32
          %parallel_loop3A_113 = vector.broadcast %parallel_loop3A_112 : i32 to vector<16xi32>
          %parallel_loop3A_114 = arith.addi %parallel_loop3A_113, %iota3A : vector<16xi32>
          %parallel_loop3A_115 = tpu.vector_load_idx %arg14[%parallel_loop3A_114] : memref<10240xf32, #tpu.memory_space<vmem>>[vector<16xi32>], vector<16xf32>,
          %parallel_loop3A_116 = tpu.vector_load_idx %arg19[%parallel_loop3A_114] : memref<10240xf32, #tpu.memory_space<vmem>>[vector<16xi32>], vector<16xf32>,
          %parallel_loop3A_117 = tpu.vector_load_idx %arg18[%parallel_loop3A_114] : memref<10240xf32, #tpu.memory_space<vmem>>[vector<16xi32>], vector<16xf32>,
          %parallel_loop3A_118 = arith.mulf %parallel_loop3A_115, %parallel_loop3A_117 : vector<16xf32>
          %parallel_loop3A_119 = tpu.bitcast %parallel_loop3A_118 : vector<16xf32> -> vector<16xi32>
          %parallel_loop3A_120 = arith.constant 23 : i32
          %parallel_loop3A_121 = vector.broadcast %parallel_loop3A_120 : i32 to vector<16xi32>
          %parallel_loop3A_122 = arith.shrsi %parallel_loop3A_119, %parallel_loop3A_121 : vector<16xi32>
          %parallel_loop3A_123 = arith.constant 127 : i32
          %parallel_loop3A_124 = vector.broadcast %parallel_loop3A_123 : i32 to vector<16xi32>
          %parallel_loop3A_125 = arith.subi %parallel_loop3A_122, %parallel_loop3A_124 : vector<16xi32>
          %parallel_loop3A_126 = arith.constant 8388607 : i32
          %parallel_loop3A_127 = vector.broadcast %parallel_loop3A_126 : i32 to vector<16xi32>
          %parallel_loop3A_128 = arith.andi %parallel_loop3A_119, %parallel_loop3A_127 : vector<16xi32>
          %parallel_loop3A_129 = arith.constant 1065353216 : i32
          %parallel_loop3A_130 = vector.broadcast %parallel_loop3A_129 : i32 to vector<16xi32>
          %parallel_loop3A_131 = arith.ori %parallel_loop3A_128, %parallel_loop3A_130 : vector<16xi32>
          %parallel_loop3A_132 = tpu.bitcast %parallel_loop3A_131 : vector<16xi32> -> vector<16xf32>
          %parallel_loop3A_133 = arith.constant 1.41421354 : f32
          %parallel_loop3A_134 = vector.broadcast %parallel_loop3A_133 : f32 to vector<16xf32>
          %parallel_loop3A_135 = arith.cmpf ogt, %parallel_loop3A_132, %parallel_loop3A_134 : vector<16xf32>
          %parallel_loop3A_136 = arith.constant 5.000000e-01 : f32
          %parallel_loop3A_137 = vector.broadcast %parallel_loop3A_136 : f32 to vector<16xf32>
          %parallel_loop3A_138 = arith.mulf %parallel_loop3A_132, %parallel_loop3A_137 : vector<16xf32>
          %parallel_loop3A_139 = arith.select %parallel_loop3A_135, %parallel_loop3A_138, %parallel_loop3A_132 : vector<16xi1>, vector<16xf32>
          %parallel_loop3A_140 = arith.constant 1 : i32
          %parallel_loop3A_141 = vector.broadcast %parallel_loop3A_140 : i32 to vector<16xi32>
          %parallel_loop3A_142 = arith.addi %parallel_loop3A_125, %parallel_loop3A_141 : vector<16xi32>
          %parallel_loop3A_143 = arith.select %parallel_loop3A_135, %parallel_loop3A_142, %parallel_loop3A_125 : vector<16xi1>, vector<16xi32>
          %parallel_loop3A_144 = arith.constant 1.000000e+00 : f32
          %parallel_loop3A_145 = vector.broadcast %parallel_loop3A_144 : f32 to vector<16xf32>
          %parallel_loop3A_146 = arith.subf %parallel_loop3A_139, %parallel_loop3A_145 : vector<16xf32>
          %parallel_loop3A_147 = arith.constant 1.000000e+00 : f32
          %parallel_loop3A_148 = vector.broadcast %parallel_loop3A_147 : f32 to vector<16xf32>
          %parallel_loop3A_149 = arith.addf %parallel_loop3A_139, %parallel_loop3A_148 : vector<16xf32>
          %parallel_loop3A_150 = arith.divf %parallel_loop3A_146, %parallel_loop3A_149 : vector<16xf32>
          %parallel_loop3A_151 = arith.mulf %parallel_loop3A_150, %parallel_loop3A_150 : vector<16xf32>
          %parallel_loop3A_152 = arith.constant 0.111111112 : f32
          %parallel_loop3A_153 = vector.broadcast %parallel_loop3A_152 : f32 to vector<16xf32>
          %parallel_loop3A_154 = arith.mulf %parallel_loop3A_151, %parallel_loop3A_153 : vector<16xf32>
          %parallel_loop3A_155 = arith.constant 0.142857149 : f32
          %parallel_loop3A_156 = vector.broadcast %parallel_loop3A_155 : f32 to vector<16xf32>
          %parallel_loop3A_157 = arith.addf %parallel_loop3A_156, %parallel_loop3A_154 : vector<16xf32>
          %parallel_loop3A_158 = arith.mulf %parallel_loop3A_151, %parallel_loop3A_157 : vector<16xf32>
          %parallel_loop3A_159 = arith.constant 2.000000e-01 : f32
          %parallel_loop3A_160 = vector.broadcast %parallel_loop3A_159 : f32 to vector<16xf32>
          %parallel_loop3A_161 = arith.addf %parallel_loop3A_160, %parallel_loop3A_158 : vector<16xf32>
          %parallel_loop3A_162 = arith.mulf %parallel_loop3A_151, %parallel_loop3A_161 : vector<16xf32>
          %parallel_loop3A_163 = arith.constant 0.333333343 : f32
          %parallel_loop3A_164 = vector.broadcast %parallel_loop3A_163 : f32 to vector<16xf32>
          %parallel_loop3A_165 = arith.addf %parallel_loop3A_164, %parallel_loop3A_162 : vector<16xf32>
          %parallel_loop3A_166 = arith.mulf %parallel_loop3A_151, %parallel_loop3A_165 : vector<16xf32>
          %parallel_loop3A_167 = arith.constant 1.000000e+00 : f32
          %parallel_loop3A_168 = vector.broadcast %parallel_loop3A_167 : f32 to vector<16xf32>
          %parallel_loop3A_169 = arith.addf %parallel_loop3A_168, %parallel_loop3A_166 : vector<16xf32>
          %parallel_loop3A_170 = arith.sitofp %parallel_loop3A_143 : vector<16xi32> to vector<16xf32>
          %parallel_loop3A_171 = arith.constant 0.693147182 : f32
          %parallel_loop3A_172 = vector.broadcast %parallel_loop3A_171 : f32 to vector<16xf32>
          %parallel_loop3A_173 = arith.mulf %parallel_loop3A_170, %parallel_loop3A_172 : vector<16xf32>
          %parallel_loop3A_174 = arith.constant 2.000000e+00 : f32
          %parallel_loop3A_175 = vector.broadcast %parallel_loop3A_174 : f32 to vector<16xf32>
          %parallel_loop3A_176 = arith.mulf %parallel_loop3A_175, %parallel_loop3A_150 : vector<16xf32>
          %parallel_loop3A_177 = arith.mulf %parallel_loop3A_176, %parallel_loop3A_169 : vector<16xf32>
          %parallel_loop3A_178 = arith.addf %parallel_loop3A_173, %parallel_loop3A_177 : vector<16xf32>
          %parallel_loop3A_179 = arith.mulf %parallel_loop3A_116, %parallel_loop3A_178 : vector<16xf32>
          %parallel_loop3A_180 = math.exp %parallel_loop3A_179 : vector<16xf32>
          %parallel_loop3A_181 = arith.constant 0.00999999977 : f32
          %parallel_loop3A_182 = vector.broadcast %parallel_loop3A_181 : f32 to vector<16xf32>
          %parallel_loop3A_183 = arith.maximumf %parallel_loop3A_180, %parallel_loop3A_182 : vector<16xf32>
          %parallel_loop3A_184 = tpu.vector_load_idx %arg21[%parallel_loop3A_114] : memref<10240xf32, #tpu.memory_space<vmem>>[vector<16xi32>], vector<16xf32>,
          %parallel_loop3A_185 = tpu.vector_load_idx %arg22[%parallel_loop3A_114] : memref<10240xf32, #tpu.memory_space<vmem>>[vector<16xi32>], vector<16xf32>,
          %parallel_loop3A_186 = arith.mulf %parallel_loop3A_185, %parallel_loop3A_183 : vector<16xf32>
          %parallel_loop3A_187 = arith.subf %parallel_loop3A_184, %parallel_loop3A_186 : vector<16xf32>
          %parallel_loop3A_188 = arith.constant 1.000000e-01 : f32
          %parallel_loop3A_189 = vector.broadcast %parallel_loop3A_188 : f32 to vector<16xf32>
          %parallel_loop3A_190 = arith.maximumf %parallel_loop3A_187, %parallel_loop3A_189 : vector<16xf32>
          %parallel_loop3A_191 = arith.addf %parallel_loop3A_184, %parallel_loop3A_190 : vector<16xf32>
          %parallel_loop3A_192 = arith.mulf %parallel_loop3A_191, %parallel_loop3A_183 : vector<16xf32>
          %parallel_loop3A_193 = arith.constant 5.000000e-01 : f32
          %parallel_loop3A_194 = vector.broadcast %parallel_loop3A_193 : f32 to vector<16xf32>
          %parallel_loop3A_195 = arith.mulf %parallel_loop3A_192, %parallel_loop3A_194 : vector<16xf32>
          %parallel_loop3A_196 = tpu.vector_load_idx %arg23[%parallel_loop3A_114] : memref<10240xf32, #tpu.memory_space<vmem>>[vector<16xi32>], vector<16xf32>,
          %parallel_loop3A_197 = arith.mulf %parallel_loop3A_183, %parallel_loop3A_196 : vector<16xf32>
          %parallel_loop3A_198 = arith.addf %parallel_loop3A_190, %parallel_loop3A_197 : vector<16xf32>
          %parallel_loop3A_199 = tpu.vector_load_idx %arg20[%parallel_loop3A_114] : memref<10240xf32, #tpu.memory_space<vmem>>[vector<16xi32>], vector<16xf32>,
          %parallel_loop3A_200 = arith.divf %parallel_loop3A_195, %parallel_loop3A_198 : vector<16xf32>
          %parallel_loop3A_201 = tpu.bitcast %parallel_loop3A_200 : vector<16xf32> -> vector<16xi32>
          %parallel_loop3A_202 = arith.constant 23 : i32
          %parallel_loop3A_203 = vector.broadcast %parallel_loop3A_202 : i32 to vector<16xi32>
          %parallel_loop3A_204 = arith.shrsi %parallel_loop3A_201, %parallel_loop3A_203 : vector<16xi32>
          %parallel_loop3A_205 = arith.constant 127 : i32
          %parallel_loop3A_206 = vector.broadcast %parallel_loop3A_205 : i32 to vector<16xi32>
          %parallel_loop3A_207 = arith.subi %parallel_loop3A_204, %parallel_loop3A_206 : vector<16xi32>
          %parallel_loop3A_208 = arith.constant 8388607 : i32
          %parallel_loop3A_209 = vector.broadcast %parallel_loop3A_208 : i32 to vector<16xi32>
          %parallel_loop3A_210 = arith.andi %parallel_loop3A_201, %parallel_loop3A_209 : vector<16xi32>
          %parallel_loop3A_211 = arith.constant 1065353216 : i32
          %parallel_loop3A_212 = vector.broadcast %parallel_loop3A_211 : i32 to vector<16xi32>
          %parallel_loop3A_213 = arith.ori %parallel_loop3A_210, %parallel_loop3A_212 : vector<16xi32>
          %parallel_loop3A_214 = tpu.bitcast %parallel_loop3A_213 : vector<16xi32> -> vector<16xf32>
          %parallel_loop3A_215 = arith.constant 1.41421354 : f32
          %parallel_loop3A_216 = vector.broadcast %parallel_loop3A_215 : f32 to vector<16xf32>
          %parallel_loop3A_217 = arith.cmpf ogt, %parallel_loop3A_214, %parallel_loop3A_216 : vector<16xf32>
          %parallel_loop3A_218 = arith.constant 5.000000e-01 : f32
          %parallel_loop3A_219 = vector.broadcast %parallel_loop3A_218 : f32 to vector<16xf32>
          %parallel_loop3A_220 = arith.mulf %parallel_loop3A_214, %parallel_loop3A_219 : vector<16xf32>
          %parallel_loop3A_221 = arith.select %parallel_loop3A_217, %parallel_loop3A_220, %parallel_loop3A_214 : vector<16xi1>, vector<16xf32>
          %parallel_loop3A_222 = arith.constant 1 : i32
          %parallel_loop3A_223 = vector.broadcast %parallel_loop3A_222 : i32 to vector<16xi32>
          %parallel_loop3A_224 = arith.addi %parallel_loop3A_207, %parallel_loop3A_223 : vector<16xi32>
          %parallel_loop3A_225 = arith.select %parallel_loop3A_217, %parallel_loop3A_224, %parallel_loop3A_207 : vector<16xi1>, vector<16xi32>
          %parallel_loop3A_226 = arith.constant 1.000000e+00 : f32
          %parallel_loop3A_227 = vector.broadcast %parallel_loop3A_226 : f32 to vector<16xf32>
          %parallel_loop3A_228 = arith.subf %parallel_loop3A_221, %parallel_loop3A_227 : vector<16xf32>
          %parallel_loop3A_229 = arith.constant 1.000000e+00 : f32
          %parallel_loop3A_230 = vector.broadcast %parallel_loop3A_229 : f32 to vector<16xf32>
          %parallel_loop3A_231 = arith.addf %parallel_loop3A_221, %parallel_loop3A_230 : vector<16xf32>
          %parallel_loop3A_232 = arith.divf %parallel_loop3A_228, %parallel_loop3A_231 : vector<16xf32>
          %parallel_loop3A_233 = arith.mulf %parallel_loop3A_232, %parallel_loop3A_232 : vector<16xf32>
          %parallel_loop3A_234 = arith.constant 0.111111112 : f32
          %parallel_loop3A_235 = vector.broadcast %parallel_loop3A_234 : f32 to vector<16xf32>
          %parallel_loop3A_236 = arith.mulf %parallel_loop3A_233, %parallel_loop3A_235 : vector<16xf32>
          %parallel_loop3A_237 = arith.constant 0.142857149 : f32
          %parallel_loop3A_238 = vector.broadcast %parallel_loop3A_237 : f32 to vector<16xf32>
          %parallel_loop3A_239 = arith.addf %parallel_loop3A_238, %parallel_loop3A_236 : vector<16xf32>
          %parallel_loop3A_240 = arith.mulf %parallel_loop3A_233, %parallel_loop3A_239 : vector<16xf32>
          %parallel_loop3A_241 = arith.constant 2.000000e-01 : f32
          %parallel_loop3A_242 = vector.broadcast %parallel_loop3A_241 : f32 to vector<16xf32>
          %parallel_loop3A_243 = arith.addf %parallel_loop3A_242, %parallel_loop3A_240 : vector<16xf32>
          %parallel_loop3A_244 = arith.mulf %parallel_loop3A_233, %parallel_loop3A_243 : vector<16xf32>
          %parallel_loop3A_245 = arith.constant 0.333333343 : f32
          %parallel_loop3A_246 = vector.broadcast %parallel_loop3A_245 : f32 to vector<16xf32>
          %parallel_loop3A_247 = arith.addf %parallel_loop3A_246, %parallel_loop3A_244 : vector<16xf32>
          %parallel_loop3A_248 = arith.mulf %parallel_loop3A_233, %parallel_loop3A_247 : vector<16xf32>
          %parallel_loop3A_249 = arith.constant 1.000000e+00 : f32
          %parallel_loop3A_250 = vector.broadcast %parallel_loop3A_249 : f32 to vector<16xf32>
          %parallel_loop3A_251 = arith.addf %parallel_loop3A_250, %parallel_loop3A_248 : vector<16xf32>
          %parallel_loop3A_252 = arith.sitofp %parallel_loop3A_225 : vector<16xi32> to vector<16xf32>
          %parallel_loop3A_253 = arith.constant 0.693147182 : f32
          %parallel_loop3A_254 = vector.broadcast %parallel_loop3A_253 : f32 to vector<16xf32>
          %parallel_loop3A_255 = arith.mulf %parallel_loop3A_252, %parallel_loop3A_254 : vector<16xf32>
          %parallel_loop3A_256 = arith.constant 2.000000e+00 : f32
          %parallel_loop3A_257 = vector.broadcast %parallel_loop3A_256 : f32 to vector<16xf32>
          %parallel_loop3A_258 = arith.mulf %parallel_loop3A_257, %parallel_loop3A_232 : vector<16xf32>
          %parallel_loop3A_259 = arith.mulf %parallel_loop3A_258, %parallel_loop3A_251 : vector<16xf32>
          %parallel_loop3A_260 = arith.addf %parallel_loop3A_255, %parallel_loop3A_259 : vector<16xf32>
          %parallel_loop3A_261 = arith.constant 0.666666686 : f32
          %parallel_loop3A_262 = vector.broadcast %parallel_loop3A_261 : f32 to vector<16xf32>
          %parallel_loop3A_263 = arith.mulf %parallel_loop3A_262, %parallel_loop3A_260 : vector<16xf32>
          %parallel_loop3A_264 = math.exp %parallel_loop3A_263 : vector<16xf32>
          %parallel_loop3A_265 = arith.mulf %parallel_loop3A_199, %parallel_loop3A_264 : vector<16xf32>
          %parallel_loop3A_266 = arith.constant 3.000000e-01 : f32
          %parallel_loop3A_267 = arith.constant 1.500000e+01 : f32
          %parallel_loop3A_268 = vector.broadcast %parallel_loop3A_266 : f32 to vector<16xf32>
          %parallel_loop3A_269 = arith.maximumf %parallel_loop3A_268, %parallel_loop3A_265 : vector<16xf32>
          %parallel_loop3A_270 = vector.broadcast %parallel_loop3A_267 : f32 to vector<16xf32>
          %parallel_loop3A_271 = arith.minimumf %parallel_loop3A_270, %parallel_loop3A_269 : vector<16xf32>
          %parallel_loop3A_272 = arith.constant 1.66666663 : f32
          %parallel_loop3A_273 = vector.broadcast %parallel_loop3A_272 : f32 to vector<16xf32>
          %parallel_loop3A_274 = arith.mulf %parallel_loop3A_271, %parallel_loop3A_273 : vector<16xf32>
          %parallel_loop3A_275 = arith.constant 1.000000e+00 : f32
          %parallel_loop3A_276 = vector.broadcast %parallel_loop3A_275 : f32 to vector<16xf32>
          %parallel_loop3A_277 = arith.divf %parallel_loop3A_276, %parallel_loop3A_274 : vector<16xf32>
          %parallel_loop3A_278 = tpu.vector_load_idx %arg24[%parallel_loop3A_114] : memref<10240xf32, #tpu.memory_space<vmem>>[vector<16xi32>], vector<16xf32>,
          %parallel_loop3A_279 = arith.mulf %parallel_loop3A_278, %parallel_loop3A_277 : vector<16xf32>
          %parallel_loop3A_280 = tpu.vector_load_idx %arg25[%parallel_loop3A_114] : memref<10240xf32, #tpu.memory_space<vmem>>[vector<16xi32>], vector<16xf32>,
          %parallel_loop3A_281 = arith.mulf %parallel_loop3A_280, %parallel_loop3A_277 : vector<16xf32>
          %parallel_loop3A_282 = arith.constant 3.600000e+03 : f32
          %parallel_loop3A_283 = vector.broadcast %parallel_loop3A_282 : f32 to vector<16xf32>
          %parallel_loop3A_284 = arith.addf %parallel_loop3A_279, %parallel_loop3A_283 : vector<16xf32>
          %parallel_loop3A_285 = arith.constant 1.000000e+00 : f32
          %parallel_loop3A_286 = vector.broadcast %parallel_loop3A_285 : f32 to vector<16xf32>
          %parallel_loop3A_287 = arith.divf %parallel_loop3A_286, %parallel_loop3A_284 : vector<16xf32>
          %parallel_loop3A_288 = arith.constant 3.600000e+03 : f32
          %parallel_loop3A_289 = vector.broadcast %parallel_loop3A_288 : f32 to vector<16xf32>
          %parallel_loop3A_290 = arith.addf %parallel_loop3A_289, %parallel_loop3A_281 : vector<16xf32>
          %parallel_loop3A_291 = arith.mulf %parallel_loop3A_290, %parallel_loop3A_287 : vector<16xf32>
          %parallel_loop3A_292 = arith.constant 3.600000e+03 : f32
          %parallel_loop3A_293 = vector.broadcast %parallel_loop3A_292 : f32 to vector<16xf32>
          %parallel_loop3A_294 = arith.subf %parallel_loop3A_279, %parallel_loop3A_293 : vector<16xf32>
          %parallel_loop3A_295 = arith.mulf %parallel_loop3A_294, %parallel_loop3A_287 : vector<16xf32>
          %parallel_loop3A_296 = arith.constant 7.200000e+03 : f32
          %parallel_loop3A_297 = vector.broadcast %parallel_loop3A_296 : f32 to vector<16xf32>
          %parallel_loop3A_298 = arith.mulf %parallel_loop3A_297, %parallel_loop3A_287 : vector<16xf32>
          %parallel_loop3A_299 = tpu.vector_load_idx %arg17[%parallel_loop3A_114] : memref<10240xf32, #tpu.memory_space<vmem>>[vector<16xi32>], vector<16xf32>,
          %parallel_loop3A_300 = arith.constant 9.99999974E-5 : f32
          %parallel_loop3A_301 = vector.broadcast %parallel_loop3A_300 : f32 to vector<16xf32>
          %parallel_loop3A_302 = arith.maximumf %parallel_loop3A_299, %parallel_loop3A_301 : vector<16xf32>
          %parallel_loop3A_303 = tpu.vector_load_idx %arg15[%parallel_loop3A_114] : memref<10240xf32, #tpu.memory_space<vmem>>[vector<16xi32>], vector<16xf32>,
          %parallel_loop3A_304 = arith.mulf %parallel_loop3A_291, %parallel_loop3A_303 : vector<16xf32>
          %parallel_loop3A_305 = arith.mulf %parallel_loop3A_295, %parallel_loop3A_115 : vector<16xf32>
          %parallel_loop3A_306 = arith.addf %parallel_loop3A_304, %parallel_loop3A_305 : vector<16xf32>
          %parallel_loop3A_307 = arith.mulf %parallel_loop3A_298, %parallel_loop3A_302 : vector<16xf32>
          %parallel_loop3A_308 = arith.addf %parallel_loop3A_306, %parallel_loop3A_307 : vector<16xf32>
          %parallel_loop3A_309 = arith.constant 3.600000e+03 : f32
          %parallel_loop3A_310 = vector.broadcast %parallel_loop3A_309 : f32 to vector<16xf32>
          %parallel_loop3A_311 = arith.subf %parallel_loop3A_310, %parallel_loop3A_281 : vector<16xf32>
          %parallel_loop3A_312 = arith.mulf %parallel_loop3A_311, %parallel_loop3A_287 : vector<16xf32>
          %parallel_loop3A_313 = arith.constant 0.000000e+00 : f32
          %parallel_loop3A_314 = vector.broadcast %parallel_loop3A_313 : f32 to vector<16xf32>
          %parallel_loop3A_315 = arith.subf %parallel_loop3A_314, %parallel_loop3A_312 : vector<16xf32>
          %parallel_loop3A_316 = arith.constant 0 : i32
          %parallel_loop3A_317 = vector.broadcast %parallel_loop3A_316 : i32 to vector<16xi32>
          %parallel_loop3A_318 = arith.cmpi eq, %parallel_loop3A_114, %parallel_loop3A_317 : vector<16xi32>
          %parallel_loop3A_319 = arith.constant 1.000000e+00 : f32
          %parallel_loop3A_320 = vector.broadcast %parallel_loop3A_319 : f32 to vector<16xf32>
          %parallel_loop3A_321 = arith.select %parallel_loop3A_318, %parallel_loop3A_320, %parallel_loop3A_315 : vector<16xi1>, vector<16xf32>
          tpu.vector_store_idx %arg16[%parallel_loop3A_114], %parallel_loop3A_321 : memref<10240xf32, #tpu.memory_space<vmem>>[vector<16xi32>], vector<16xf32>,
          tpu.vector_store_idx %arg14[%parallel_loop3A_114], %parallel_loop3A_308 : memref<10240xf32, #tpu.memory_space<vmem>>[vector<16xi32>], vector<16xf32>,
          tpu.vector_store_idx %arg15[%parallel_loop3A_114], %broadcast_in_dim3A_4 : memref<10240xf32, #tpu.memory_space<vmem>>[vector<16xi32>], vector<16xf32>,
        } {sc.loop_unroll_factor = 2 : i64, sc.parallel_access}
        %scan3A_90 = arith.constant 0 : i32
        %scan3A_91 = arith.constant 1 : i32
        %scan3A_92 = arith.constant 31 : i32
        %scan3A_93 = arith.addi %scan3A_91, %scan3A_92 : i32
        %scan3A_94 = arith.constant 1 : i32
        %scan3A_95 = scf.for %scan3A_110 = %scan3A_91 to %scan3A_93 step %scan3A_94 iter_args(%scan3A_111 = %scan3A_90) -> (i32)  : i32 {
          %broadcast_in_dim3A_112 = vector.broadcast %scan3A_110 : i32 to vector<16xi32>
          %gather3A_113 = tpu.vector_load_idx %arg28[%broadcast_in_dim3A_112] : memref<48xi32, #tpu.memory_space<vmem>>[vector<16xi32>], vector<16xi32>,
          %reduce_max3A_114 = arith.constant true
          %reduce_max3A_115 = vector.broadcast %reduce_max3A_114 : i1 to vector<16xi1>
          %reduce_max3A_116 = arith.constant -2147483648 : i32
          %reduce_max3A_117 = vector.broadcast %reduce_max3A_116 : i32 to vector<16xi32>
          %reduce_max3A_118 = arith.xori %gather3A_113, %reduce_max3A_117 : vector<16xi32>
          %reduce_max3A_119 = tpu.scan <max>, %reduce_max3A_118 masked %reduce_max3A_115 : vector<16xi32>, vector<16xi1> -> vector<16xi32>
          %reduce_max3A_120 = arith.xori %reduce_max3A_119, %reduce_max3A_117 : vector<16xi32>
          %reduce_max3A_121 = vector.extract %reduce_max3A_120[15] : i32 from vector<16xi32>
          %add3A = arith.constant 1 : i32
          %add3A_122 = arith.addi %scan3A_110, %add3A : i32
          %broadcast_in_dim3A_123 = vector.broadcast %add3A_122 : i32 to vector<16xi32>
          %gather3A_124 = tpu.vector_load_idx %arg28[%broadcast_in_dim3A_123] : memref<48xi32, #tpu.memory_space<vmem>>[vector<16xi32>], vector<16xi32>,
          %reduce_max3A_125 = arith.constant true
          %reduce_max3A_126 = vector.broadcast %reduce_max3A_125 : i1 to vector<16xi1>
          %reduce_max3A_127 = arith.constant -2147483648 : i32
          %reduce_max3A_128 = vector.broadcast %reduce_max3A_127 : i32 to vector<16xi32>
          %reduce_max3A_129 = arith.xori %gather3A_124, %reduce_max3A_128 : vector<16xi32>
          %reduce_max3A_130 = tpu.scan <max>, %reduce_max3A_129 masked %reduce_max3A_126 : vector<16xi32>, vector<16xi1> -> vector<16xi32>
          %reduce_max3A_131 = arith.xori %reduce_max3A_130, %reduce_max3A_128 : vector<16xi32>
          %reduce_max3A_132 = vector.extract %reduce_max3A_131[15] : i32 from vector<16xi32>
          %rem3A = arith.constant 8 : i32
          %rem3A_133 = arith.remsi %reduce_max3A_121, %rem3A : i32
          %sub3A_134 = arith.subi %reduce_max3A_121, %rem3A_133 : i32
          %sub3A_135 = arith.subi %reduce_max3A_132, %sub3A_134 : i32
          %add3A_136 = arith.constant 1599 : i32
          %add3A_137 = arith.addi %sub3A_135, %add3A_136 : i32
          %div3A = arith.constant 1600 : i32
          %div3A_138 = arith.divsi %add3A_137, %div3A : i32
          %while3A = arith.constant 0 : i32
          %while3A_139 = arith.constant 0 : i32
          %while3A_140 = arith.subi %div3A_138, %while3A : i32
          %while3A_141 = arith.addi %while3A, %while3A_140 : i32
          %while3A_142 = arith.constant 1 : i32
          %while3A_143 = arith.divsi %while3A_140, %while3A_142 : i32
          %while3A_144 = arith.muli %while3A_143, %while3A_142 : i32
          %while3A_145 = arith.addi %while3A, %while3A_144 : i32
          %while3A_146 = arith.constant 1 : i32
          %while3A_147 = scf.for %while3A_163 = %while3A to %while3A_145 step %while3A_146 iter_args(%while3A_164 = %while3A_139) -> (i32)  : i32 {
            %mul3A_165 = arith.constant 1600 : i32
            %mul3A_166 = arith.muli %while3A_163, %mul3A_165 : i32
            %add3A_167 = arith.addi %sub3A_134, %mul3A_166 : i32
            %multiple_of3A = tpu.assume_multiple %add3A_167, 8 : i32
            %dma_start3A_168 = tpu.memref_slice %arg10[%multiple_of3A] : memref<162048xi32, #tpu.memory_space<hbm>> -> memref<1600xi32, #tpu.memory_space<hbm>>
            %dma_start3A_169 = tpu.memref_slice %arg10[%multiple_of3A] : memref<162048xi32, #tpu.memory_space<hbm>> -> memref<1600xi32, #tpu.memory_space<hbm>>
            tpu.enqueue_dma source(%dma_start3A_169 : memref<1600xi32, #tpu.memory_space<hbm>>) target(%arg26 : memref<1600xi32, #tpu.memory_space<vmem>>) target_semaphore(%arg32 : memref<!tpu.dma_semaphore, #tpu.memory_space<semaphore_mem>>)
            %dma_start3A_170 = tpu.memref_slice %arg11[%multiple_of3A] : memref<162048xi32, #tpu.memory_space<hbm>> -> memref<1600xi32, #tpu.memory_space<hbm>>
            %dma_start3A_171 = tpu.memref_slice %arg11[%multiple_of3A] : memref<162048xi32, #tpu.memory_space<hbm>> -> memref<1600xi32, #tpu.memory_space<hbm>>
            tpu.enqueue_dma source(%dma_start3A_171 : memref<1600xi32, #tpu.memory_space<hbm>>) target(%arg27 : memref<1600xi32, #tpu.memory_space<vmem>>) target_semaphore(%arg33 : memref<!tpu.dma_semaphore, #tpu.memory_space<semaphore_mem>>)
            %dma_wait3A_172 = tpu.memref_slice %arg10[%multiple_of3A] : memref<162048xi32, #tpu.memory_space<hbm>> -> memref<1600xi32, #tpu.memory_space<hbm>>
            %dma_wait3A_173 = tpu.memref_slice %arg10[%multiple_of3A] : memref<162048xi32, #tpu.memory_space<hbm>> -> memref<1600xi32, #tpu.memory_space<hbm>>
            tpu.wait_dma2 semaphore(%arg32 : memref<!tpu.dma_semaphore, #tpu.memory_space<semaphore_mem>>) src(%dma_wait3A_173 : memref<1600xi32, #tpu.memory_space<hbm>>) dst(%arg26 : memref<1600xi32, #tpu.memory_space<vmem>>)
            %dma_wait3A_174 = tpu.memref_slice %arg11[%multiple_of3A] : memref<162048xi32, #tpu.memory_space<hbm>> -> memref<1600xi32, #tpu.memory_space<hbm>>
            %dma_wait3A_175 = tpu.memref_slice %arg11[%multiple_of3A] : memref<162048xi32, #tpu.memory_space<hbm>> -> memref<1600xi32, #tpu.memory_space<hbm>>
            tpu.wait_dma2 semaphore(%arg33 : memref<!tpu.dma_semaphore, #tpu.memory_space<semaphore_mem>>) src(%dma_wait3A_175 : memref<1600xi32, #tpu.memory_space<hbm>>) dst(%arg27 : memref<1600xi32, #tpu.memory_space<vmem>>)
            %parallel_loop3A_176 = arith.constant 0 : i32
            %parallel_loop3A_177 = arith.constant 100 : i32
            %parallel_loop3A_178 = arith.constant 1 : i32
            scf.for %parallel_loop3A_180 = %parallel_loop3A_176 to %parallel_loop3A_177 step %parallel_loop3A_178  : i32 {
              %parallel_loop3A_181 = arith.constant 16 : i32
              %parallel_loop3A_182 = arith.muli %parallel_loop3A_180, %parallel_loop3A_181 : i32
              %parallel_loop3A_183 = vector.broadcast %parallel_loop3A_182 : i32 to vector<16xi32>
              %parallel_loop3A_184 = arith.addi %parallel_loop3A_183, %iota3A : vector<16xi32>
              %parallel_loop3A_185 = vector.broadcast %multiple_of3A : i32 to vector<16xi32>
              %parallel_loop3A_186 = arith.addi %parallel_loop3A_185, %parallel_loop3A_184 : vector<16xi32>
              %parallel_loop3A_187 = vector.broadcast %reduce_max3A_121 : i32 to vector<16xi32>
              %parallel_loop3A_188 = arith.cmpi sge, %parallel_loop3A_186, %parallel_loop3A_187 : vector<16xi32>
              %parallel_loop3A_189 = vector.broadcast %reduce_max3A_132 : i32 to vector<16xi32>
              %parallel_loop3A_190 = arith.cmpi slt, %parallel_loop3A_186, %parallel_loop3A_189 : vector<16xi32>
              %parallel_loop3A_191 = arith.andi %parallel_loop3A_188, %parallel_loop3A_190 : vector<16xi1>
              %parallel_loop3A_192 = tpu.vector_load_idx %arg26[%parallel_loop3A_184] : memref<1600xi32, #tpu.memory_space<vmem>>[vector<16xi32>], vector<16xi32>,
              %parallel_loop3A_193 = tpu.vector_load_idx %arg27[%parallel_loop3A_184] : memref<1600xi32, #tpu.memory_space<vmem>>[vector<16xi32>], vector<16xi32>,
              %parallel_loop3A_194 = tpu.vector_load_idx %arg14[%parallel_loop3A_192] : memref<10240xf32, #tpu.memory_space<vmem>>[vector<16xi32>], vector<16xf32>,
              %parallel_loop3A_195 = arith.constant 0.000000e+00 : f32
              %parallel_loop3A_196 = vector.broadcast %parallel_loop3A_195 : f32 to vector<16xf32>
              %parallel_loop3A_197 = arith.select %parallel_loop3A_191, %parallel_loop3A_194, %parallel_loop3A_196 : vector<16xi1>, vector<16xf32>
              tpu.vector_store_idx %arg15[%parallel_loop3A_193], %parallel_loop3A_197 {add = true} : memref<10240xf32, #tpu.memory_space<vmem>>[vector<16xi32>], vector<16xf32>,
            } {sc.loop_unroll_factor = 4 : i64, sc.parallel_access}
            %while3A_179 = arith.constant 0 : i32
            scf.yield %while3A_179 : i32
          }
          %while3A_148 = arith.constant 1 : i32
          %while3A_149 = scf.for %while3A_163 = %while3A_145 to %while3A_141 step %while3A_148 iter_args(%while3A_164 = %while3A_147) -> (i32)  : i32 {
            %mul3A_165 = arith.constant 1600 : i32
            %mul3A_166 = arith.muli %while3A_163, %mul3A_165 : i32
            %add3A_167 = arith.addi %sub3A_134, %mul3A_166 : i32
            %multiple_of3A = tpu.assume_multiple %add3A_167, 8 : i32
            %dma_start3A_168 = tpu.memref_slice %arg10[%multiple_of3A] : memref<162048xi32, #tpu.memory_space<hbm>> -> memref<1600xi32, #tpu.memory_space<hbm>>
            %dma_start3A_169 = tpu.memref_slice %arg10[%multiple_of3A] : memref<162048xi32, #tpu.memory_space<hbm>> -> memref<1600xi32, #tpu.memory_space<hbm>>
            tpu.enqueue_dma source(%dma_start3A_169 : memref<1600xi32, #tpu.memory_space<hbm>>) target(%arg26 : memref<1600xi32, #tpu.memory_space<vmem>>) target_semaphore(%arg32 : memref<!tpu.dma_semaphore, #tpu.memory_space<semaphore_mem>>)
            %dma_start3A_170 = tpu.memref_slice %arg11[%multiple_of3A] : memref<162048xi32, #tpu.memory_space<hbm>> -> memref<1600xi32, #tpu.memory_space<hbm>>
            %dma_start3A_171 = tpu.memref_slice %arg11[%multiple_of3A] : memref<162048xi32, #tpu.memory_space<hbm>> -> memref<1600xi32, #tpu.memory_space<hbm>>
            tpu.enqueue_dma source(%dma_start3A_171 : memref<1600xi32, #tpu.memory_space<hbm>>) target(%arg27 : memref<1600xi32, #tpu.memory_space<vmem>>) target_semaphore(%arg33 : memref<!tpu.dma_semaphore, #tpu.memory_space<semaphore_mem>>)
            %dma_wait3A_172 = tpu.memref_slice %arg10[%multiple_of3A] : memref<162048xi32, #tpu.memory_space<hbm>> -> memref<1600xi32, #tpu.memory_space<hbm>>
            %dma_wait3A_173 = tpu.memref_slice %arg10[%multiple_of3A] : memref<162048xi32, #tpu.memory_space<hbm>> -> memref<1600xi32, #tpu.memory_space<hbm>>
            tpu.wait_dma2 semaphore(%arg32 : memref<!tpu.dma_semaphore, #tpu.memory_space<semaphore_mem>>) src(%dma_wait3A_173 : memref<1600xi32, #tpu.memory_space<hbm>>) dst(%arg26 : memref<1600xi32, #tpu.memory_space<vmem>>)
            %dma_wait3A_174 = tpu.memref_slice %arg11[%multiple_of3A] : memref<162048xi32, #tpu.memory_space<hbm>> -> memref<1600xi32, #tpu.memory_space<hbm>>
            %dma_wait3A_175 = tpu.memref_slice %arg11[%multiple_of3A] : memref<162048xi32, #tpu.memory_space<hbm>> -> memref<1600xi32, #tpu.memory_space<hbm>>
            tpu.wait_dma2 semaphore(%arg33 : memref<!tpu.dma_semaphore, #tpu.memory_space<semaphore_mem>>) src(%dma_wait3A_175 : memref<1600xi32, #tpu.memory_space<hbm>>) dst(%arg27 : memref<1600xi32, #tpu.memory_space<vmem>>)
            %parallel_loop3A_176 = arith.constant 0 : i32
            %parallel_loop3A_177 = arith.constant 100 : i32
            %parallel_loop3A_178 = arith.constant 1 : i32
            scf.for %parallel_loop3A_180 = %parallel_loop3A_176 to %parallel_loop3A_177 step %parallel_loop3A_178  : i32 {
              %parallel_loop3A_181 = arith.constant 16 : i32
              %parallel_loop3A_182 = arith.muli %parallel_loop3A_180, %parallel_loop3A_181 : i32
              %parallel_loop3A_183 = vector.broadcast %parallel_loop3A_182 : i32 to vector<16xi32>
              %parallel_loop3A_184 = arith.addi %parallel_loop3A_183, %iota3A : vector<16xi32>
              %parallel_loop3A_185 = vector.broadcast %multiple_of3A : i32 to vector<16xi32>
              %parallel_loop3A_186 = arith.addi %parallel_loop3A_185, %parallel_loop3A_184 : vector<16xi32>
              %parallel_loop3A_187 = vector.broadcast %reduce_max3A_121 : i32 to vector<16xi32>
              %parallel_loop3A_188 = arith.cmpi sge, %parallel_loop3A_186, %parallel_loop3A_187 : vector<16xi32>
              %parallel_loop3A_189 = vector.broadcast %reduce_max3A_132 : i32 to vector<16xi32>
              %parallel_loop3A_190 = arith.cmpi slt, %parallel_loop3A_186, %parallel_loop3A_189 : vector<16xi32>
              %parallel_loop3A_191 = arith.andi %parallel_loop3A_188, %parallel_loop3A_190 : vector<16xi1>
              %parallel_loop3A_192 = tpu.vector_load_idx %arg26[%parallel_loop3A_184] : memref<1600xi32, #tpu.memory_space<vmem>>[vector<16xi32>], vector<16xi32>,
              %parallel_loop3A_193 = tpu.vector_load_idx %arg27[%parallel_loop3A_184] : memref<1600xi32, #tpu.memory_space<vmem>>[vector<16xi32>], vector<16xi32>,
              %parallel_loop3A_194 = tpu.vector_load_idx %arg14[%parallel_loop3A_192] : memref<10240xf32, #tpu.memory_space<vmem>>[vector<16xi32>], vector<16xf32>,
              %parallel_loop3A_195 = arith.constant 0.000000e+00 : f32
              %parallel_loop3A_196 = vector.broadcast %parallel_loop3A_195 : f32 to vector<16xf32>
              %parallel_loop3A_197 = arith.select %parallel_loop3A_191, %parallel_loop3A_194, %parallel_loop3A_196 : vector<16xi1>, vector<16xf32>
              tpu.vector_store_idx %arg15[%parallel_loop3A_193], %parallel_loop3A_197 {add = true} : memref<10240xf32, #tpu.memory_space<vmem>>[vector<16xi32>], vector<16xf32>,
            } {sc.loop_unroll_factor = 4 : i64, sc.parallel_access}
            %while3A_179 = arith.constant 0 : i32
            scf.yield %while3A_179 : i32
          }
          %mul3A_150 = arith.constant 313 : i32
          %mul3A_151 = arith.muli %scan3A_110, %mul3A_150 : i32
          %add3A_152 = arith.constant 313 : i32
          %add3A_153 = arith.addi %mul3A_151, %add3A_152 : i32
          %min3A = arith.constant 10000 : i32
          %min3A_154 = arith.minsi %add3A_153, %min3A : i32
          %scan3A_155 = arith.constant 0 : i32
          %scan3A_156 = arith.constant 0 : i32
          %scan3A_157 = arith.constant 20 : i32
          %scan3A_158 = arith.addi %scan3A_156, %scan3A_157 : i32
          %scan3A_159 = arith.constant 1 : i32
          %scan3A_160 = scf.for %scan3A_163 = %scan3A_156 to %scan3A_158 step %scan3A_159 iter_args(%scan3A_164 = %scan3A_155) -> (i32)  : i32 {
            %mul3A_165 = arith.constant 16 : i32
            %mul3A_166 = arith.muli %scan3A_163, %mul3A_165 : i32
            %add3A_167 = arith.addi %mul3A_151, %mul3A_166 : i32
            %add3A_168 = vector.broadcast %add3A_167 : i32 to vector<16xi32>
            %add3A_169 = arith.addi %add3A_168, %iota3A : vector<16xi32>
            %lt3A = vector.broadcast %min3A_154 : i32 to vector<16xi32>
            %lt3A_170 = arith.cmpi slt, %add3A_169, %lt3A : vector<16xi32>
            %gather3A_171 = tpu.vector_load_idx %arg14[%add3A_169] : memref<10240xf32, #tpu.memory_space<vmem>>[vector<16xi32>], vector<16xf32>,
            %gather3A_172 = tpu.vector_load_idx %arg15[%add3A_169] : memref<10240xf32, #tpu.memory_space<vmem>>[vector<16xi32>], vector<16xf32>,
            %gather3A_173 = tpu.vector_load_idx %arg16[%add3A_169] : memref<10240xf32, #tpu.memory_space<vmem>>[vector<16xi32>], vector<16xf32>,
            %mul3A_174 = arith.mulf %gather3A_173, %gather3A_172 : vector<16xf32>
            %sub3A_175 = arith.subf %gather3A_171, %mul3A_174 : vector<16xf32>
            %select_n3A = arith.select %lt3A_170, %sub3A_175, %gather3A_171 : vector<16xi1>, vector<16xf32>
            tpu.vector_store_idx %arg14[%add3A_169], %select_n3A : memref<10240xf32, #tpu.memory_space<vmem>>[vector<16xi32>], vector<16xf32>,
            %scan3A_176 = arith.constant 0 : i32
            scf.yield %scan3A_176 : i32
          }
          %scan3A_161 = arith.constant 20 : i32
          %scan3A_162 = arith.constant 0 : i32
          scf.yield %scan3A_162 : i32
        }
        %scan3A_96 = arith.constant 31 : i32
        %parallel_loop3A_97 = arith.constant 0 : i32
        %parallel_loop3A_98 = arith.constant 640 : i32
        %parallel_loop3A_99 = arith.constant 1 : i32
        scf.for %parallel_loop3A_110 = %parallel_loop3A_97 to %parallel_loop3A_98 step %parallel_loop3A_99  : i32 {
          %parallel_loop3A_111 = arith.constant 16 : i32
          %parallel_loop3A_112 = arith.muli %parallel_loop3A_110, %parallel_loop3A_111 : i32
          %parallel_loop3A_113 = vector.broadcast %parallel_loop3A_112 : i32 to vector<16xi32>
          %parallel_loop3A_114 = arith.addi %parallel_loop3A_113, %iota3A : vector<16xi32>
          %parallel_loop3A_115 = tpu.vector_load_idx %arg14[%parallel_loop3A_114] : memref<10240xf32, #tpu.memory_space<vmem>>[vector<16xi32>], vector<16xf32>,
          %parallel_loop3A_116 = arith.constant 9.99999974E-5 : f32
          %parallel_loop3A_117 = vector.broadcast %parallel_loop3A_116 : f32 to vector<16xf32>
          %parallel_loop3A_118 = arith.maximumf %parallel_loop3A_115, %parallel_loop3A_117 : vector<16xf32>
          tpu.vector_store_idx %arg14[%parallel_loop3A_114], %parallel_loop3A_118 : memref<10240xf32, #tpu.memory_space<vmem>>[vector<16xi32>], vector<16xf32>,
          tpu.vector_store_idx %arg15[%parallel_loop3A_114], %broadcast_in_dim3A_4 : memref<10240xf32, #tpu.memory_space<vmem>>[vector<16xi32>], vector<16xf32>,
        } {sc.loop_unroll_factor = 4 : i64, sc.parallel_access}
        %broadcast_in_dim3A_100 = arith.constant 9999 : i32
        %broadcast_in_dim3A_101 = vector.broadcast %broadcast_in_dim3A_100 : i32 to vector<16xi32>
        %gather3A_102 = tpu.vector_load_idx %arg14[%broadcast_in_dim3A_101] : memref<10240xf32, #tpu.memory_space<vmem>>[vector<16xi32>], vector<16xf32>,
        %reduce_max3A_103 = arith.constant true
        %reduce_max3A_104 = vector.broadcast %reduce_max3A_103 : i1 to vector<16xi1>
        %reduce_max3A_105 = tpu.scan <max>, %gather3A_102 masked %reduce_max3A_104 : vector<16xf32>, vector<16xi1> -> vector<16xf32>
        %reduce_max3A_106 = vector.extract %reduce_max3A_105[15] : f32 from vector<16xf32>
        %broadcast_in_dim3A_107 = vector.broadcast %scan3A_48 : i32 to vector<16xi32>
        %broadcast_in_dim3A_108 = vector.broadcast %reduce_max3A_106 : f32 to vector<16xf32>
        tpu.vector_store_idx %arg29[%broadcast_in_dim3A_107], %broadcast_in_dim3A_108 : memref<16xf32, #tpu.memory_space<vmem>>[vector<16xi32>], vector<16xf32>,
        %scan3A_109 = arith.constant 0 : i32
        scf.yield %scan3A_109 : i32
      }
      %scan3A_47 = arith.constant 8 : i32
      "tpu.region"() ({
        %run_scoped3A_48 = tpu.sem_alloc : memref<!tpu.dma_semaphore, #tpu.memory_space<semaphore_mem>>
        tpu.enqueue_dma source(%arg29 : memref<16xf32, #tpu.memory_space<vmem>>) target(%arg13 : memref<16xf32, #tpu.memory_space<hbm>>) target_semaphore(%run_scoped3A_48 : memref<!tpu.dma_semaphore, #tpu.memory_space<semaphore_mem>>)
        tpu.wait_dma2 semaphore(%run_scoped3A_48 : memref<!tpu.dma_semaphore, #tpu.memory_space<semaphore_mem>>) src(%arg29 : memref<16xf32, #tpu.memory_space<vmem>>) dst(%arg13 : memref<16xf32, #tpu.memory_space<hbm>>)
        tpu.yield
      }) : () -> ()
    } else {
    }
    return
  }
}

</mosaic_0001>

<sc_bundles>
// kernel: gather_offload_async_start.1
scs
__scs_entry_jumppad:
0x0: {  	(pc) =	sbr.rel $0x88, $3  }
0x1: {  	(tag) =	ssettag $0x0;
	lr =	simm.s32 $0x1  }
0x2: {  	[smem:$0x3F98] =	sst lr;
	_ =	strace $0xD0000000  }
0x3: {  	_ = 	snop  }
0x4: {  	_ = 	snop  }
0x5: {  	_ = 	snop  }
0x6: {  	_ = 	snop  }
0x7: {  	_ = 	snop  }
__scs_overlays_trampoline_lowered:
0x8: {  	[smem:$0x3FA7] =	sst s0  }
0x9: {  	[smem:$0x3FA8] =	sst s1  }
0xa: {  	[smem:$0x3FA9] =	sst s2  }
0xb: {  	[smem:$0x3FAA] =	sst s3  }
0xc: {  	[smem:$0x3FAB] =	sst s4  }
0xd: {  	[smem:$0x3FAC] =	sst s5  }
0xe: {  	[smem:$0x3FAD] =	sst s6  }
0xf: {  	[smem:$0x3FAE] =	sst s7  }
0x10: {  	[smem:$0x3FAF] =	sst s8  }
0x11: {  	[smem:$0x3FB0] =	sst s9;
	s0 =	simm.s32 @!p0 $0x0  }
0x12: {  	s1 =	sld [smem:$0x3F96];
	s0 =	simm.s32 @p0 $0x1  }
0x13: {  	[smem:$0x3FB1] =	sst s0;
	s0 =	simm.s32 @!p1 $0x0  }
0x14: {  	s2 =	sld [smem:$0x3F95];
	s0 =	simm.s32 @p1 $0x1  }
0x15: {  	[smem:$0x3FB2] =	sst s0;
	s0 =	simm.s32 @!p2 $0x0  }
0x16: {  	s3 =	sld [smem:$0x3FDB];
	s0 =	simm.s32 @p2 $0x1  }
0x17: {  	s4 =	simm.s32 $0x1BF5;
	[smem:$0x3FB4] =	sst s0  }
0x18: {  	s0 =	sld [smem:$0x3F97];
	_ =	swait.ge [sflag:s4], $0x0  }
0x19: {  	s7 =	sld [smem:$0x3F98]  }
0x1a: {  	s8 =	sadd.s32 $0xFFFFE003, lr  }
0x1b: {  	s9 =	sadd.s32 $0xFFFFFEF7, lr;
	s5 =	simm.s32 $0xFFFFFFFF;
	p2 =	slt.u32 s8, $0xFFFFF086  }
0x1c: {  	p1 =	slt.u32 s9, $0xF7A;
	s5 =	simm.s32 @!p2 $0x0  }
0x1d: {  	s5 =	simm.s32 @p1 $0x1;
	p0 =	seq.s32 s7, s2  }
0x1e: {  	s7 =	smul.u32 @!p0 $0xF7A, s2;
	p2 =	seq.s32 @!p0 s5, $0x0  }
0x1f: {  	s9 =	smul.u32 $0xF7A, s1;
	s8 =	simm.s32 @!p0 $0x1BF5;
	p2 =	por !p2, p0  }
0x20: {  	[sflag:s8] =	ssyncset.s32 @!p0 $0xFFFFF086;
	s6 =	sadd.s32 @!p0 s3, s7;
	s7 =	simm.s32 @!p0 $0x108  }
0x21: {  	s3 =	sadd.s32 s3, s9;
	s6 =	sadd.s32 @!p0 $0x88, s6;
	s7 =	simm.s32 @p2 $0x1082  }
0x22: {  	[simem:s7], [sflag:s8] =	dma.local @!p0 [hbm:s6], $0xF7A  }
0x23: {  	s9 =	sor.u32 $0xD0000000, s2;
	s6 =	simm.s32 $0x108;
	_ =	swait.ge @!p0 [sflag:s8], $0x0  }
0x24: {  	s3 =	sadd.s32 $0x88, s3;
	s6 =	simm.s32 @!p1 $0x1082;
	[sflag:s4] =	ssyncset.s32 $0xFFFFF086  }
0x25: {  	[simem:s6], [sflag:s4] =	dma.local [hbm:s3], $0xF7A  }
0x26: {  	[smem:$0x3F98] =	sst s1;
	(tag) =	ssettag s2;
	_ =	strace s9  }
0x27: {  	s1 =	sld [smem:$0x3FA8]  }
0x28: {  	s2 =	sld [smem:$0x3FA9]  }
0x29: {  	s4 =	sld [smem:$0x3FAB]  }
0x2a: {  	p0 =	seq.s32 s5, $0x0;
	s5 =	sld [smem:$0x3FAC]  }
0x2b: {  	s6 =	sld [smem:$0x3FAD]  }
0x2c: {  	s7 =	sld [smem:$0x3FAE]  }
0x2d: {  	s3 =	simm.s32 $0x108;
	s8 =	sld [smem:$0x3FAF]  }
0x2e: {  	s3 =	simm.s32 @!p0 $0x1082;
	s9 =	sld [smem:$0x3FB0]  }
0x2f: {  	lr =	sadd.s32 s0, s3;
	s0 =	sld [smem:$0x3FA7]  }
0x30: {  	s3 =	sld [smem:$0x3FAA]  }
0x31: {  	[smem:$0x3FB3] =	sst s10  }
0x32: {  	s10 =	sld [smem:$0x3FB1];
	_ =	sdelay $0x3  }
0x33: {  	p0 =	seq.s32 s10, $0x1;
	s10 =	sld [smem:$0x3FB3];
	_ =	sdelay $0x3  }
0x34: {  	[smem:$0x3FB3] =	sst s10  }
0x35: {  	s10 =	sld [smem:$0x3FB2];
	_ =	sdelay $0x3  }
0x36: {  	p1 =	seq.s32 s10, $0x1;
	s10 =	sld [smem:$0x3FB3];
	_ =	sdelay $0x3  }
0x37: {  	[smem:$0x3FB3] =	sst s10  }
0x38: {  	s10 =	sld [smem:$0x3FB4]  }
0x39: {  	_ = 	snop;
	(pc) =	sbr.ind lr, $3  }
0x3a: {  	_ = 	snop  }
0x3b: {  	_ = 	snop  }
0x3c: {  	p2 =	seq.s32 s10, $0x1;
	s10 =	sld [smem:$0x3FB3]  }
0x3d: {  	_ =	shalt  }
0x3e: {  	_ =	shalt  }
0x3f: {  	_ =	shalt  }
0x40: {  	_ =	shalt  }
0x41: {  	_ =	shalt  }
0x42: {  	_ =	shalt  }
0x43: {  	_ =	shalt  }
0x44: {  	_ =	shalt  }
0x45: {  	_ =	shalt  }
0x46: {  	_ =	shalt  }
0x47: {  	_ =	shalt  }
0x48: {  	_ =	shalt  }
0x49: {  	_ =	shalt  }
0x4a: {  	_ =	shalt  }
0x4b: {  	_ =	shalt  }
0x4c: {  	_ =	shalt  }
0x4d: {  	_ =	shalt  }
0x4e: {  	_ =	shalt  }
0x4f: {  	_ =	shalt  }
0x50: {  	_ =	shalt  }
0x51: {  	_ =	shalt  }
0x52: {  	_ =	shalt  }
0x53: {  	_ =	shalt  }
0x54: {  	_ =	shalt  }
0x55: {  	_ =	shalt  }
0x56: {  	_ =	shalt  }
0x57: {  	_ =	shalt  }
0x58: {  	_ =	shalt  }
0x59: {  	_ =	shalt  }
0x5a: {  	_ =	shalt  }
0x5b: {  	_ =	shalt  }
0x5c: {  	_ =	shalt  }
0x5d: {  	_ =	shalt  }
0x5e: {  	_ =	shalt  }
0x5f: {  	_ =	shalt  }
0x60: {  	_ =	shalt  }
0x61: {  	_ =	shalt  }
0x62: {  	_ =	shalt  }
0x63: {  	_ =	shalt  }
0x64: {  	_ =	shalt  }
0x65: {  	_ =	shalt  }
0x66: {  	_ =	shalt  }
0x67: {  	_ =	shalt  }
0x68: {  	_ =	shalt  }
0x69: {  	_ =	shalt  }
0x6a: {  	_ =	shalt  }
0x6b: {  	_ =	shalt  }
0x6c: {  	_ =	shalt  }
0x6d: {  	_ =	shalt  }
0x6e: {  	_ =	shalt  }
0x6f: {  	_ =	shalt  }
0x70: {  	_ =	shalt  }
0x71: {  	_ =	shalt  }
0x72: {  	_ =	shalt  }
0x73: {  	_ =	shalt  }
0x74: {  	_ =	shalt  }
0x75: {  	_ =	shalt  }
0x76: {  	_ =	shalt  }
0x77: {  	_ =	shalt  }
0x78: {  	_ =	shalt  }
0x79: {  	_ =	shalt  }
0x7a: {  	_ =	shalt  }
0x7b: {  	_ =	shalt  }
0x7c: {  	_ =	shalt  }
0x7d: {  	_ =	shalt  }
0x7e: {  	_ =	shalt  }
0x7f: {  	_ =	shalt  }
0x80: {  	_ =	shalt  }
0x81: {  	_ =	shalt  }
0x82: {  	_ =	shalt  }
0x83: {  	_ =	shalt  }
0x84: {  	_ =	shalt  }
0x85: {  	_ =	shalt  }
0x86: {  	_ =	shalt  }
0x87: {  	_ =	shalt  }
.Lfunc_end0:
.L_simem_size_0:
called_computation.1_lowered:
.L_overlay_start_0:
0x88: {  	s2 =	sld [smem:$0x3FD9]  }
0x89: {  	s3 =	sld [smem:$0x3FFE];
	_ =	sdelay $0x1  }
0x8a: {  	s1 =	srdreg.scid  }
0x8b: {  	s0 =	sand.u32 $0x1, s1  }
0x8c: {  	s16 =	sshll.u32 s0, $0xA;
	s2 =	sadd.s32 s3, s2  }
0x8d: {  	s2 =	sadd.s32 s2, s16  }
0x8e: {  	[smem:$0x3FBF] =	sst s2  }
0x8f: {  	_ = 	snop  }
0x90: {  	(tm) =	ssettm $0x1  }
0x91: {  	s17 =	sld [smem:$0x3FFB];
	_ =	sdelay $0x3  }
0x92: {  	_ =	strace s17  }
0x93: {  	s2 =	sld [smem:$0x3FFC];
	_ =	sdelay $0x3  }
0x94: {  	_ =	strace s2  }
0x95: {  	s2 =	sld [smem:$0x3FFD];
	_ =	sdelay $0x3  }
0x96: {  	_ =	strace s2  }
0x97: {  	_ =	strace $0x8FFFFFFF  }
0x98: {  	s18 =	sld [smem:$0x3FDB];
	_ =	sdelay $0x1  }
0x99: {  	s19 =	simm.s32 $_scs_section_size  }
0x9a: {  	s4 =	simm.s32 $_size__tile_overlayer_lowered;
	s5 =	simm.s32 $_tile_overlayer_lowered  }
0x9b: {  	s22 =	simm.s32 $0x1BFF;
	s21 =	sshll.u32 s5, $0x1;
	s2 =	sadd.s32 s19, s18  }
0x9c: {  	s6 =	simm.s32 $0x0;
	s20 =	sshll.u32 s4, $0x1;
	s4 =	sadd.s32 s21, s2  }
0x9d: {  	[timem:s6], [sflag:s22] =	dma.local [hbm:s4], s20  }
0x9e: {  	_ =	swait.ge [sflag:s22], s20  }
0x9f: {  	s3 =	ssub.s32 $0x0, s20;
	[sflag:s22] =	ssyncset.done $0x0  }
0xa0: {  	[sflag:s22] =	ssyncadd.s32 s3;
	_ =	sdelay $0x1  }
0xa1: {  	s23 =	simm.s32 $0x1B8B  }
0xa2: {  	_ =	swait.ge [sflag:s23], $0x1  }
0xa3: {  	[sflag:s23] =	ssyncset.done $0x0  }
0xa4: {  	s25 =	simm.s32 $0x1B8E;
	s24 =	sld [smem:$0x3FFE];
	[sflag:s23] =	ssyncadd.s32 $0xFFFFFFFF  }
0xa5: {  	s26 =	simm.s32 $execute0_lowered;
	[smem:$0x3FD2] =	sst s25  }
0xa6: {  	s4 =	sshll.u32 s26, $0x1;
	_ =	strace $0x80000049;
	[dreg:$0x1] =	wrdreg $0xFFFFFFFF  }
0xa7: {  	s28 =	simm.s32 $_size_execute0_lowered;
	s2 =	sadd.s32 s2, s4;
	[dreg:$0x0] =	wrdreg $0x0  }
0xa8: {  	s4 =	sshll.u32 s28, $0x1;
	[dreg:$0x2] =	wrdreg s2  }
0xa9: {  	[dreg:$0x3] =	wrdreg s4  }
0xaa: {  	[dreg:$0x4] =	wrdreg $0xC0  }
0xab: {  	_ =	task [dreg:s6], $0x5FFFF  }
0xac: {  	[dreg:$0x1] =	wrdreg $0xFFFFFFFF  }
0xad: {  	[dreg:$0x0] =	wrdreg $0x60  }
0xae: {  	[dreg:$0x2] =	wrdreg s24  }
0xaf: {  	[dreg:$0x3] =	wrdreg $0xA  }
0xb0: {  	_ =	task.clear_ibuf [dreg:s6], $0x4FFFF;
	_ =	strace $0x90000049  }
0xb1: {  	s29 =	simm.s32 $0xA;
	_ =	strace $0x8000004B  }
0xb2: {  	_ =	swait.ge [sflag:s29], $0x1  }
0xb3: {  	[sflag:s29] =	ssyncadd.s32 $0xFFFFFFFF  }
0xb4: {  	_ =	strace $0x9000004B  }
0xb5: {  	_ =	sfence  }
0xb6: {  	s30 =	sld [smem:$0x0];
	_ =	sdelay $0x2  }
0xb7: {  	s31 =	sshll.u32 s1, $0xD;
	s1 =	sshrl.u32 s1, $0x2  }
0xb8: {  	s3 =	sand.u32 $0x4000, s31;
	s1 =	sadd.s32 s1, s30  }
0xb9: {  	s0 =	sor.u32 s3, s0;
	s1 =	sshll.u32 s1, $0x11  }
0xba: {  	s0 =	sor.u32 s1, s0  }
0xbb: {  	s0 =	sadd.s32 $0x8F2B, s0  }
0xbc: {  	[sflag:s0] =	ssyncadd.remote.s32 $0x1  }
0xbd: {  	_ =	sfence.sel $0xFFFF  }
0xbe: {  	[dreg:$0x0] =	wrdreg $0xFFFFFFFF;
	(pc) =	sbr.abs _section_cstart, $3  }
0xbf: {  	[dreg:$0x1] =	wrdreg $0xFFFFFFFF  }
0xc0: {  	_ =	task.clear_ibuf [dreg:s6], $0x2FFFF;
	_ =	strace $0x9FFFFFFF  }
0xc1: {  	(tm) =	ssettm $0x7FFFFFFF  }
tec
execute0_lowered:
.L_overlay_start_1:
0x0: {  	(tag) =	ssettag $0x1  }
0x1: {  	s8 =	rddreg [dreg:$0x0]  }
0x2: {  	s0 =	rddreg [dreg:$0x1];
	_ =	strace $0x8000004A;
	s1 =	stileid.u32  }
0x3: {  	s3 =	srdreg.scid;
	s4 =	simm.s32 $0x1;
	s7 =	simm.s32 $0x1  }
0x4: {  	s9 =	simm.s32 $0x1;
	s10 =	simm.s32 $0x3;
	s13 =	simm.s32 $0x0  }
0x5: {  	s12 =	simm.s32 $0x0;
	s5 =	sand.u32 $0x1, s3;
	s6 =	sshll.u32 s1, $0x1  }
0x6: {  	s2 =	sadd.s32 $0x6800, s8;
	s3 =	sadd.s32 $0x10800, s8;
	s5 =	sor.u32 s6, s5  }
.Ltmp0:
0x7: {  	[sflag:s4] =	ssyncpa.u1 $0x0;
	p0 =	slt.u32 s5, $0x9;
	(pc) =	sbr.rel .LBB2_1-.Ltmp0, $4  }
0x8: {  	s6 =	simm.s32 $0x2;
	s7 =	simm.s32 @!p0 $0x0;
	p0 =	sne.s32 s5, $0x8  }
0x9: {  	[sflag:s6] =	ssyncpa.u1 $0x0;
	s5 =	smul.u32 $0xFA0, s5;
	s9 =	simm.s32 @!p0 $0x0  }
0xa: {  	s8 =	sadd.s32 $0xB800, s8;
	[sflag:s10] =	ssyncpa.u1 $0x0;
	s7 =	sadd.s32 s9, s7  }
0xb: {  	vm0 =	vmmov $0xffff;
	s10 =	simm.s32 $0x0;
	s11 =	smov.u32 s5;
	s9 =	sadd.s32 $0x1, s7  }
.LBB2_4:
0xc: {  	v2 =	vnsel vm1, $0x0, v2  }
0xd: {  	vm1 =	vgt.s32 v0, $0x0;
	v2 =	vmin.u32 v2, $0x270FF  }
0xe: {  	v0 =	vnsel vm1, $0x0, v0  }
0xf: {  	v0 =	vmin.u32 v0, $0x270FF  }
0x10: {  	[tilespmem:s18], [sflag:$0x1] =	stream.indirect_vreg.gather [hbm4b:s2+s10], $0x1, v1, vm0, $0x4038;
	[tilespmem:$0x3E80] =	vst v63  }
0x11: {  	(ifvalue) =	ssetifvalue $0x7FFFFFFF  }
0x12: {  	[tilespmem:s15], [sflag:$0x1] =	stream.indirect_vreg.gather [hbm4b:s2+s10], $0x1, v2, vm0, $0x4038;
	[tilespmem:$0x3E80] =	vst v63  }
0x13: {  	s29 =	sadd.s32 $0x10, s15;
	(ifvalue) =	ssetifvalue $0x7FFFFFFF  }
0x14: {  	[tilespmem:s29], [sflag:$0x1] =	stream.indirect_vreg.gather [hbm4b:s2+s10], $0x1, v0, vm0, $0x4038;
	[tilespmem:$0x3E80] =	vst v63  }
0x15: {  	_ =	swait.ge [sflag:s4], $0xFA0  }
0x16: {  	s30 =	sshrl.u32 s13, $0x3;
	[sflag:s4] =	ssyncset.done $0x0  }
0x17: {  	s31 =	sand.u32 $0x7, s13;
	s15 =	sadd.s32 s8, s30;
	[sflag:s4] =	ssyncadd.s32 $0xFFFFF060  }
0x18: {  	[hbm4b:s15+s31] =	stream.linear.scatter [tilespmem:s14], [sflag:$0x3], $0xFA0, $0x38;
	[tilespmem:$0x3E80] =	vst v63  }
.LBB2_5:
0x19: {  	s15 =	sadd.s32 $0x1F400, s11  }
0x1a: {  	p1 =	sgt.s32 s15, $0x270FF  }
0x1b: {  	s15 =	smov.u32 @p1 s5;
	p1 =	sne.s32 s12, s9  }
.Ltmp1:
0x1c: {  	p0 =	slt.u32 s12, $0x2;
	(pc) =	sbr.rel @!p1 .LBB2_6-.Ltmp1, $4  }
0x1d: {  	s14 =	simm.s32 @!p0 $0x3  }
0x1e: {  	_ =	swait.ge @!p0 [sflag:s14], $0xFA0  }
0x1f: {  	s16 =	sadd.s32 $0x1, s12;
	s13 =	smov.u32 s11;
	[sflag:s14] =	ssyncset.done @!p0 $0x0  }
0x20: {  	s12 =	smov.u32 s16;
	s11 =	smov.u32 s15;
	[sflag:s14] =	ssyncadd.s32 @!p0 $0xFFFFF060  }
.LBB2_1:
0x21: {  	p0 =	sge.u32 s12, s7  }
0x22: {  	s14 =	sxor.u32 @!p0 $0x1, s12  }
0x23: {  	s14 =	smul.u32 @!p0 $0x3E80, s14  }
0x24: {  	s31 =	sadd.s32 $0xFFFFFFFF, s12;
	s15 =	sshrl.u32 @!p0 s11, $0x3  }
0x25: {  	s16 =	sand.u32 @!p0 $0x7, s11;
	s15 =	sadd.s32 @!p0 s3, s15;
	s14 =	sshra.s32 @!p0 s14, $0x2  }
0x26: {  	[tilespmem:s14], [sflag:$0x2] =	stream.linear.gather @!p0 [hbm4b:s15+s16], $0xFA0, $0x38;
	[tilespmem:$0x3E80] =	vst v63  }
0x27: {  	p0 =	sge.u32 s31, s7  }
.Ltmp2:
0x28: {  	_ = 	snop;
	(pc) =	sbr.rel @p0 .LBB2_5-.Ltmp2, $1  }
0x29: {  	_ =	sdelay $0x3  }
0x2a: {  	s14 =	sand.u32 $0x1, s12  }
0x2b: {  	_ =	swait.ge [sflag:s6], $0xFA0;
	p0 =	seq.s32 s14, $0x1;
	s14 =	simm.s32 $0xFA0  }
0x2c: {  	[sflag:s6] =	ssyncset.done $0x0;
	s14 =	simm.s32 @!p0 $0x0  }
0x2d: {  	[sflag:s6] =	ssyncadd.s32 $0xFFFFF060;
	(ifvalue) =	ssetifvalue $0x7FFFFFFF;
	v0 =	vld.msk [tilespmem:s14+$0x0 ss:$0x1], $0xffff;
	_ =	sdelay $0x4  }
0x2e: {  	s15 =	sadd.s32 $0x10, s14;
	vm1 =	vgt.s32 v0, $0x0  }
0x2f: {  	v2 =	vld.msk [tilespmem:s15+$0x0 ss:$0x1], $0xffff;
	v1 =	vnsel vm1, $0x0, v0  }
0x30: {  	v1 =	vmin.u32 v1, $0x270FF;
	_ =	sdelay $0x2  }
0x31: {  	s17 =	simm.s32 $0x20;
	s14 =	sadd.s32 $0x1F40, s14;
	s16 =	sadd.s32 $0x10, s15  }
0x32: {  	s15 =	sadd.s32 $0x10, s14;
	s18 =	smov.u32 s14;
	v0 =	vld.msk [tilespmem:s16+$0x0 ss:$0x1], $0xffff;
	vm1 =	vgt.s32 v2, $0x0;
	(ifvalue) =	ssetifvalue $0x7FFFFFFF  }
.LBB2_3:
0x33: {  	[tilespmem:s18], [sflag:$0x1] =	stream.indirect_vreg.gather [hbm4b:s2+s10], $0x1, v1, vm0, $0x4038;
	[tilespmem:$0x3E80] =	vst v63  }
0x34: {  	s17 =	sadd.s32 $0x10, s17  }
0x35: {  	v2 =	vnsel vm1, $0x0, v2;
	p0 =	slt.u32 s17, $0xF90  }
.Ltmp3:
0x36: {  	s18 =	smov.u32 s15;
	v1 =	vmin.u32 v2, $0x270FF;
	(pc) =	sbr.rel @p0 .LBB2_3-.Ltmp3, $3  }
0x37: {  	_ =	sdelay $0x1  }
0x38: {  	s16 =	sadd.s32 $0x10, s16  }
0x39: {  	vm1 =	vgt.s32 v0, $0x0;
	s15 =	sadd.s32 $0x10, s15;
	v2 =	vmov v0;
	(ifvalue) =	ssetifvalue $0x7FFFFFFF;
	v0 =	vld.msk [tilespmem:s16+$0x0 ss:$0x1], $0xffff  }
.Ltmp4:
0x3a: {  	_ = 	snop;
	(pc) =	sbr.rel .LBB2_4-.Ltmp4, $1  }
0x3b: {  	_ =	sdelay $0x3  }
.LBB2_6:
0x3c: {  	_ =	sfence.sel $0x180000  }
0x3d: {  	s2 =	simm.s32 $0x2;
	[bflag:$0x0] =	sbarrier.arrive $0xFFFF  }
0x3e: {  	s30 =	simm.s32 $0x3;
	[sflag:s2] =	ssyncpa.u1 $0x1  }
0x3f: {  	s31 =	simm.s32 $0x1;
	[sflag:s30] =	ssyncpa.u1 $0x1  }
0x40: {  	[sflag:s31] =	ssyncpa.u1 $0x1  }
0x41: {  	p0 =	sne.s32 s1, $0x0;
	_ =	strace $0x9000004A  }
0x42: {  	s0 =	sadd.s32 @!p0 $0x100000, s0;
	[bflag:$0x2] =	sbarrier.arrive $0xFFFF  }
0x43: {  	[sflag:s0] =	ssyncadd.tile.s32 @!p0 $0x1;
	_ =	shalt  }
.Lfunc_end2:
_tile_overlayer_lowered:
.L_overlay_start_2:
0x44: {  	(tag) =	ssettag $0x2  }
0x45: {  	s0 =	rddreg [dreg:$0x0];
	s2 =	stileid.u32  }
0x46: {  	s1 =	rddreg [dreg:$0x1];
	p0 =	sne.s32 s2, $0x0  }
0x47: {  	s3 =	rddreg [dreg:$0x2];
	[bflag:$0x3] =	sbarrier.arrive $0xFFFF;
	s2 =	simm.s32 @!p0 $0x1C01  }
0x48: {  	[timem:s3], [sflag:s2] =	dma.local @!p0 [hbm:s0], s1  }
0x49: {  	s0 =	simm.s32 @!p0 $0x1  }
0x4a: {  	_ =	swait.ge @!p0 [sflag:s0], s1  }
0x4b: {  	s1 =	ssub.s32 @!p0 $0x0, s1;
	[sflag:s0] =	ssyncset.done @!p0 $0x0  }
0x4c: {  	[sflag:s0] =	ssyncadd.s32 @!p0 s1  }
0x4d: {  	[bflag:$0x3] =	sbarrier.arrive $0xFFFF  }
0x4e: {  	_ =	shalt  }

// kernel: gather_offload_async_start.2
scs
__scs_entry_jumppad:
0x0: {  	(pc) =	sbr.rel $0x88, $3  }
0x1: {  	(tag) =	ssettag $0x0;
	lr =	simm.s32 $0x1  }
0x2: {  	[smem:$0x3F98] =	sst lr;
	_ =	strace $0xD0000000  }
0x3: {  	_ = 	snop  }
0x4: {  	_ = 	snop  }
0x5: {  	_ = 	snop  }
0x6: {  	_ = 	snop  }
0x7: {  	_ = 	snop  }
__scs_overlays_trampoline_lowered:
0x8: {  	[smem:$0x3FA7] =	sst s0  }
0x9: {  	[smem:$0x3FA8] =	sst s1  }
0xa: {  	[smem:$0x3FA9] =	sst s2  }
0xb: {  	[smem:$0x3FAA] =	sst s3  }
0xc: {  	[smem:$0x3FAB] =	sst s4  }
0xd: {  	[smem:$0x3FAC] =	sst s5  }
0xe: {  	[smem:$0x3FAD] =	sst s6  }
0xf: {  	[smem:$0x3FAE] =	sst s7  }
0x10: {  	[smem:$0x3FAF] =	sst s8  }
0x11: {  	[smem:$0x3FB0] =	sst s9;
	s0 =	simm.s32 @!p0 $0x0  }
0x12: {  	s1 =	sld [smem:$0x3F96];
	s0 =	simm.s32 @p0 $0x1  }
0x13: {  	[smem:$0x3FB1] =	sst s0;
	s0 =	simm.s32 @!p1 $0x0  }
0x14: {  	s2 =	sld [smem:$0x3F95];
	s0 =	simm.s32 @p1 $0x1  }
0x15: {  	[smem:$0x3FB2] =	sst s0;
	s0 =	simm.s32 @!p2 $0x0  }
0x16: {  	s3 =	sld [smem:$0x3FDB];
	s0 =	simm.s32 @p2 $0x1  }
0x17: {  	s4 =	simm.s32 $0x1BF5;
	[smem:$0x3FB4] =	sst s0  }
0x18: {  	s0 =	sld [smem:$0x3F97];
	_ =	swait.ge [sflag:s4], $0x0  }
0x19: {  	s7 =	sld [smem:$0x3F98]  }
0x1a: {  	s8 =	sadd.s32 $0xFFFFE003, lr  }
0x1b: {  	s9 =	sadd.s32 $0xFFFFFEF7, lr;
	s5 =	simm.s32 $0xFFFFFFFF;
	p2 =	slt.u32 s8, $0xFFFFF086  }
0x1c: {  	p1 =	slt.u32 s9, $0xF7A;
	s5 =	simm.s32 @!p2 $0x0  }
0x1d: {  	s5 =	simm.s32 @p1 $0x1;
	p0 =	seq.s32 s7, s2  }
0x1e: {  	s7 =	smul.u32 @!p0 $0xF7A, s2;
	p2 =	seq.s32 @!p0 s5, $0x0  }
0x1f: {  	s9 =	smul.u32 $0xF7A, s1;
	s8 =	simm.s32 @!p0 $0x1BF5;
	p2 =	por !p2, p0  }
0x20: {  	[sflag:s8] =	ssyncset.s32 @!p0 $0xFFFFF086;
	s6 =	sadd.s32 @!p0 s3, s7;
	s7 =	simm.s32 @!p0 $0x108  }
0x21: {  	s3 =	sadd.s32 s3, s9;
	s6 =	sadd.s32 @!p0 $0x88, s6;
	s7 =	simm.s32 @p2 $0x1082  }
0x22: {  	[simem:s7], [sflag:s8] =	dma.local @!p0 [hbm:s6], $0xF7A  }
0x23: {  	s9 =	sor.u32 $0xD0000000, s2;
	s6 =	simm.s32 $0x108;
	_ =	swait.ge @!p0 [sflag:s8], $0x0  }
0x24: {  	s3 =	sadd.s32 $0x88, s3;
	s6 =	simm.s32 @!p1 $0x1082;
	[sflag:s4] =	ssyncset.s32 $0xFFFFF086  }
0x25: {  	[simem:s6], [sflag:s4] =	dma.local [hbm:s3], $0xF7A  }
0x26: {  	[smem:$0x3F98] =	sst s1;
	(tag) =	ssettag s2;
	_ =	strace s9  }
0x27: {  	s1 =	sld [smem:$0x3FA8]  }
0x28: {  	s2 =	sld [smem:$0x3FA9]  }
0x29: {  	s4 =	sld [smem:$0x3FAB]  }
0x2a: {  	p0 =	seq.s32 s5, $0x0;
	s5 =	sld [smem:$0x3FAC]  }
0x2b: {  	s6 =	sld [smem:$0x3FAD]  }
0x2c: {  	s7 =	sld [smem:$0x3FAE]  }
0x2d: {  	s3 =	simm.s32 $0x108;
	s8 =	sld [smem:$0x3FAF]  }
0x2e: {  	s3 =	simm.s32 @!p0 $0x1082;
	s9 =	sld [smem:$0x3FB0]  }
0x2f: {  	lr =	sadd.s32 s0, s3;
	s0 =	sld [smem:$0x3FA7]  }
0x30: {  	s3 =	sld [smem:$0x3FAA]  }
0x31: {  	[smem:$0x3FB3] =	sst s10  }
0x32: {  	s10 =	sld [smem:$0x3FB1];
	_ =	sdelay $0x3  }
0x33: {  	p0 =	seq.s32 s10, $0x1;
	s10 =	sld [smem:$0x3FB3];
	_ =	sdelay $0x3  }
0x34: {  	[smem:$0x3FB3] =	sst s10  }
0x35: {  	s10 =	sld [smem:$0x3FB2];
	_ =	sdelay $0x3  }
0x36: {  	p1 =	seq.s32 s10, $0x1;
	s10 =	sld [smem:$0x3FB3];
	_ =	sdelay $0x3  }
0x37: {  	[smem:$0x3FB3] =	sst s10  }
0x38: {  	s10 =	sld [smem:$0x3FB4]  }
0x39: {  	_ = 	snop;
	(pc) =	sbr.ind lr, $3  }
0x3a: {  	_ = 	snop  }
0x3b: {  	_ = 	snop  }
0x3c: {  	p2 =	seq.s32 s10, $0x1;
	s10 =	sld [smem:$0x3FB3]  }
0x3d: {  	_ =	shalt  }
0x3e: {  	_ =	shalt  }
0x3f: {  	_ =	shalt  }
0x40: {  	_ =	shalt  }
0x41: {  	_ =	shalt  }
0x42: {  	_ =	shalt  }
0x43: {  	_ =	shalt  }
0x44: {  	_ =	shalt  }
0x45: {  	_ =	shalt  }
0x46: {  	_ =	shalt  }
0x47: {  	_ =	shalt  }
0x48: {  	_ =	shalt  }
0x49: {  	_ =	shalt  }
0x4a: {  	_ =	shalt  }
0x4b: {  	_ =	shalt  }
0x4c: {  	_ =	shalt  }
0x4d: {  	_ =	shalt  }
0x4e: {  	_ =	shalt  }
0x4f: {  	_ =	shalt  }
0x50: {  	_ =	shalt  }
0x51: {  	_ =	shalt  }
0x52: {  	_ =	shalt  }
0x53: {  	_ =	shalt  }
0x54: {  	_ =	shalt  }
0x55: {  	_ =	shalt  }
0x56: {  	_ =	shalt  }
0x57: {  	_ =	shalt  }
0x58: {  	_ =	shalt  }
0x59: {  	_ =	shalt  }
0x5a: {  	_ =	shalt  }
0x5b: {  	_ =	shalt  }
0x5c: {  	_ =	shalt  }
0x5d: {  	_ =	shalt  }
0x5e: {  	_ =	shalt  }
0x5f: {  	_ =	shalt  }
0x60: {  	_ =	shalt  }
0x61: {  	_ =	shalt  }
0x62: {  	_ =	shalt  }
0x63: {  	_ =	shalt  }
0x64: {  	_ =	shalt  }
0x65: {  	_ =	shalt  }
0x66: {  	_ =	shalt  }
0x67: {  	_ =	shalt  }
0x68: {  	_ =	shalt  }
0x69: {  	_ =	shalt  }
0x6a: {  	_ =	shalt  }
0x6b: {  	_ =	shalt  }
0x6c: {  	_ =	shalt  }
0x6d: {  	_ =	shalt  }
0x6e: {  	_ =	shalt  }
0x6f: {  	_ =	shalt  }
0x70: {  	_ =	shalt  }
0x71: {  	_ =	shalt  }
0x72: {  	_ =	shalt  }
0x73: {  	_ =	shalt  }
0x74: {  	_ =	shalt  }
0x75: {  	_ =	shalt  }
0x76: {  	_ =	shalt  }
0x77: {  	_ =	shalt  }
0x78: {  	_ =	shalt  }
0x79: {  	_ =	shalt  }
0x7a: {  	_ =	shalt  }
0x7b: {  	_ =	shalt  }
0x7c: {  	_ =	shalt  }
0x7d: {  	_ =	shalt  }
0x7e: {  	_ =	shalt  }
0x7f: {  	_ =	shalt  }
0x80: {  	_ =	shalt  }
0x81: {  	_ =	shalt  }
0x82: {  	_ =	shalt  }
0x83: {  	_ =	shalt  }
0x84: {  	_ =	shalt  }
0x85: {  	_ =	shalt  }
0x86: {  	_ =	shalt  }
0x87: {  	_ =	shalt  }
.Lfunc_end0:
.L_simem_size_0:
called_computation.2_lowered:
.L_overlay_start_0:
0x88: {  	s2 =	sld [smem:$0x3FD9]  }
0x89: {  	s3 =	sld [smem:$0x3FFE];
	_ =	sdelay $0x1  }
0x8a: {  	s1 =	srdreg.scid  }
0x8b: {  	s0 =	sand.u32 $0x1, s1  }
0x8c: {  	s16 =	sshll.u32 s0, $0xA;
	s2 =	sadd.s32 s3, s2  }
0x8d: {  	s2 =	sadd.s32 s2, s16  }
0x8e: {  	[smem:$0x3FBF] =	sst s2  }
0x8f: {  	_ = 	snop  }
0x90: {  	(tm) =	ssettm $0x1  }
0x91: {  	s17 =	sld [smem:$0x3FFB];
	_ =	sdelay $0x3  }
0x92: {  	_ =	strace s17  }
0x93: {  	s2 =	sld [smem:$0x3FFC];
	_ =	sdelay $0x3  }
0x94: {  	_ =	strace s2  }
0x95: {  	s2 =	sld [smem:$0x3FFD];
	_ =	sdelay $0x3  }
0x96: {  	_ =	strace s2  }
0x97: {  	_ =	strace $0x8FFFFFFF  }
0x98: {  	s18 =	sld [smem:$0x3FDB];
	_ =	sdelay $0x1  }
0x99: {  	s19 =	simm.s32 $_scs_section_size  }
0x9a: {  	s4 =	simm.s32 $_size__tile_overlayer_lowered;
	s5 =	simm.s32 $_tile_overlayer_lowered  }
0x9b: {  	s22 =	simm.s32 $0x1BFF;
	s21 =	sshll.u32 s5, $0x1;
	s2 =	sadd.s32 s19, s18  }
0x9c: {  	s6 =	simm.s32 $0x0;
	s20 =	sshll.u32 s4, $0x1;
	s4 =	sadd.s32 s21, s2  }
0x9d: {  	[timem:s6], [sflag:s22] =	dma.local [hbm:s4], s20  }
0x9e: {  	_ =	swait.ge [sflag:s22], s20  }
0x9f: {  	s3 =	ssub.s32 $0x0, s20;
	[sflag:s22] =	ssyncset.done $0x0  }
0xa0: {  	[sflag:s22] =	ssyncadd.s32 s3;
	_ =	sdelay $0x1  }
0xa1: {  	s23 =	simm.s32 $0x1B8B  }
0xa2: {  	_ =	swait.ge [sflag:s23], $0x1  }
0xa3: {  	[sflag:s23] =	ssyncset.done $0x0  }
0xa4: {  	s25 =	simm.s32 $0x1B8E;
	s24 =	sld [smem:$0x3FFE];
	[sflag:s23] =	ssyncadd.s32 $0xFFFFFFFF  }
0xa5: {  	s26 =	simm.s32 $execute0_lowered;
	[smem:$0x3FD2] =	sst s25  }
0xa6: {  	s4 =	sshll.u32 s26, $0x1;
	_ =	strace $0x80000046;
	[dreg:$0x1] =	wrdreg $0xFFFFFFFF  }
0xa7: {  	s28 =	simm.s32 $_size_execute0_lowered;
	s2 =	sadd.s32 s2, s4;
	[dreg:$0x0] =	wrdreg $0x0  }
0xa8: {  	s4 =	sshll.u32 s28, $0x1;
	[dreg:$0x2] =	wrdreg s2  }
0xa9: {  	[dreg:$0x3] =	wrdreg s4  }
0xaa: {  	[dreg:$0x4] =	wrdreg $0xC0  }
0xab: {  	_ =	task [dreg:s6], $0x5FFFF  }
0xac: {  	[dreg:$0x1] =	wrdreg $0xFFFFFFFF  }
0xad: {  	[dreg:$0x0] =	wrdreg $0x60  }
0xae: {  	[dreg:$0x2] =	wrdreg s24  }
0xaf: {  	[dreg:$0x3] =	wrdreg $0x9  }
0xb0: {  	_ =	task.clear_ibuf [dreg:s6], $0x4FFFF;
	_ =	strace $0x90000046  }
0xb1: {  	s29 =	simm.s32 $0x9;
	_ =	strace $0x80000048  }
0xb2: {  	_ =	swait.ge [sflag:s29], $0x1  }
0xb3: {  	[sflag:s29] =	ssyncadd.s32 $0xFFFFFFFF  }
0xb4: {  	_ =	strace $0x90000048  }
0xb5: {  	_ =	sfence  }
0xb6: {  	s30 =	sld [smem:$0x0];
	_ =	sdelay $0x2  }
0xb7: {  	s31 =	sshll.u32 s1, $0xD;
	s1 =	sshrl.u32 s1, $0x2  }
0xb8: {  	s3 =	sand.u32 $0x4000, s31;
	s1 =	sadd.s32 s1, s30  }
0xb9: {  	s0 =	sor.u32 s3, s0;
	s1 =	sshll.u32 s1, $0x11  }
0xba: {  	s0 =	sor.u32 s1, s0  }
0xbb: {  	s0 =	sadd.s32 $0x8F2B, s0  }
0xbc: {  	[sflag:s0] =	ssyncadd.remote.s32 $0x1  }
0xbd: {  	_ =	sfence.sel $0xFFFF  }
0xbe: {  	[dreg:$0x0] =	wrdreg $0xFFFFFFFF;
	(pc) =	sbr.abs _section_cstart, $3  }
0xbf: {  	[dreg:$0x1] =	wrdreg $0xFFFFFFFF  }
0xc0: {  	_ =	task.clear_ibuf [dreg:s6], $0x2FFFF;
	_ =	strace $0x9FFFFFFF  }
0xc1: {  	(tm) =	ssettm $0x7FFFFFFF  }
tec
execute0_lowered:
.L_overlay_start_1:
0x0: {  	(tag) =	ssettag $0x1  }
0x1: {  	s8 =	rddreg [dreg:$0x0]  }
0x2: {  	s0 =	rddreg [dreg:$0x1];
	_ =	strace $0x80000047;
	s1 =	stileid.u32  }
0x3: {  	s3 =	srdreg.scid;
	s4 =	simm.s32 $0x1;
	s7 =	simm.s32 $0x1  }
0x4: {  	s9 =	simm.s32 $0x1;
	s10 =	simm.s32 $0x3;
	s13 =	simm.s32 $0x0  }
0x5: {  	s12 =	simm.s32 $0x0;
	s5 =	sand.u32 $0x1, s3;
	s6 =	sshll.u32 s1, $0x1  }
0x6: {  	s2 =	sadd.s32 $0xB800, s8;
	s3 =	sadd.s32 $0x10800, s8;
	s5 =	sor.u32 s6, s5  }
.Ltmp0:
0x7: {  	[sflag:s4] =	ssyncpa.u1 $0x0;
	p0 =	slt.u32 s5, $0x9;
	(pc) =	sbr.rel .LBB2_1-.Ltmp0, $4  }
0x8: {  	s6 =	simm.s32 $0x2;
	s7 =	simm.s32 @!p0 $0x0;
	p0 =	sne.s32 s5, $0x8  }
0x9: {  	[sflag:s6] =	ssyncpa.u1 $0x0;
	s5 =	smul.u32 $0xFA0, s5;
	s9 =	simm.s32 @!p0 $0x0  }
0xa: {  	s8 =	sadd.s32 $0x1CC00, s8;
	[sflag:s10] =	ssyncpa.u1 $0x0;
	s7 =	sadd.s32 s9, s7  }
0xb: {  	vm0 =	vmmov $0xffff;
	s10 =	simm.s32 $0x0;
	s11 =	smov.u32 s5;
	s9 =	sadd.s32 $0x1, s7  }
.LBB2_4:
0xc: {  	v2 =	vnsel vm1, $0x0, v2  }
0xd: {  	vm1 =	vgt.s32 v0, $0x0;
	v2 =	vmin.u32 v2, $0x270FF  }
0xe: {  	v0 =	vnsel vm1, $0x0, v0  }
0xf: {  	v0 =	vmin.u32 v0, $0x270FF  }
0x10: {  	[tilespmem:s18], [sflag:$0x1] =	stream.indirect_vreg.gather [hbm4b:s2+s10], $0x1, v1, vm0, $0x4038;
	[tilespmem:$0x3E80] =	vst v63  }
0x11: {  	(ifvalue) =	ssetifvalue $0x7FFFFFFF  }
0x12: {  	[tilespmem:s15], [sflag:$0x1] =	stream.indirect_vreg.gather [hbm4b:s2+s10], $0x1, v2, vm0, $0x4038;
	[tilespmem:$0x3E80] =	vst v63  }
0x13: {  	s29 =	sadd.s32 $0x10, s15;
	(ifvalue) =	ssetifvalue $0x7FFFFFFF  }
0x14: {  	[tilespmem:s29], [sflag:$0x1] =	stream.indirect_vreg.gather [hbm4b:s2+s10], $0x1, v0, vm0, $0x4038;
	[tilespmem:$0x3E80] =	vst v63  }
0x15: {  	_ =	swait.ge [sflag:s4], $0xFA0  }
0x16: {  	s30 =	sshrl.u32 s13, $0x3;
	[sflag:s4] =	ssyncset.done $0x0  }
0x17: {  	s31 =	sand.u32 $0x7, s13;
	s15 =	sadd.s32 s8, s30;
	[sflag:s4] =	ssyncadd.s32 $0xFFFFF060  }
0x18: {  	[hbm4b:s15+s31] =	stream.linear.scatter [tilespmem:s14], [sflag:$0x3], $0xFA0, $0x38;
	[tilespmem:$0x3E80] =	vst v63  }
.LBB2_5:
0x19: {  	s15 =	sadd.s32 $0x1F400, s11  }
0x1a: {  	p1 =	sgt.s32 s15, $0x270FF  }
0x1b: {  	s15 =	smov.u32 @p1 s5;
	p1 =	sne.s32 s12, s9  }
.Ltmp1:
0x1c: {  	p0 =	slt.u32 s12, $0x2;
	(pc) =	sbr.rel @!p1 .LBB2_6-.Ltmp1, $4  }
0x1d: {  	s14 =	simm.s32 @!p0 $0x3  }
0x1e: {  	_ =	swait.ge @!p0 [sflag:s14], $0xFA0  }
0x1f: {  	s16 =	sadd.s32 $0x1, s12;
	s13 =	smov.u32 s11;
	[sflag:s14] =	ssyncset.done @!p0 $0x0  }
0x20: {  	s12 =	smov.u32 s16;
	s11 =	smov.u32 s15;
	[sflag:s14] =	ssyncadd.s32 @!p0 $0xFFFFF060  }
.LBB2_1:
0x21: {  	p0 =	sge.u32 s12, s7  }
0x22: {  	s14 =	sxor.u32 @!p0 $0x1, s12  }
0x23: {  	s14 =	smul.u32 @!p0 $0x3E80, s14  }
0x24: {  	s31 =	sadd.s32 $0xFFFFFFFF, s12;
	s15 =	sshrl.u32 @!p0 s11, $0x3  }
0x25: {  	s16 =	sand.u32 @!p0 $0x7, s11;
	s15 =	sadd.s32 @!p0 s3, s15;
	s14 =	sshra.s32 @!p0 s14, $0x2  }
0x26: {  	[tilespmem:s14], [sflag:$0x2] =	stream.linear.gather @!p0 [hbm4b:s15+s16], $0xFA0, $0x38;
	[tilespmem:$0x3E80] =	vst v63  }
0x27: {  	p0 =	sge.u32 s31, s7  }
.Ltmp2:
0x28: {  	_ = 	snop;
	(pc) =	sbr.rel @p0 .LBB2_5-.Ltmp2, $1  }
0x29: {  	_ =	sdelay $0x3  }
0x2a: {  	s14 =	sand.u32 $0x1, s12  }
0x2b: {  	_ =	swait.ge [sflag:s6], $0xFA0;
	p0 =	seq.s32 s14, $0x1;
	s14 =	simm.s32 $0xFA0  }
0x2c: {  	[sflag:s6] =	ssyncset.done $0x0;
	s14 =	simm.s32 @!p0 $0x0  }
0x2d: {  	[sflag:s6] =	ssyncadd.s32 $0xFFFFF060;
	(ifvalue) =	ssetifvalue $0x7FFFFFFF;
	v0 =	vld.msk [tilespmem:s14+$0x0 ss:$0x1], $0xffff;
	_ =	sdelay $0x4  }
0x2e: {  	s15 =	sadd.s32 $0x10, s14;
	vm1 =	vgt.s32 v0, $0x0  }
0x2f: {  	v2 =	vld.msk [tilespmem:s15+$0x0 ss:$0x1], $0xffff;
	v1 =	vnsel vm1, $0x0, v0  }
0x30: {  	v1 =	vmin.u32 v1, $0x270FF;
	_ =	sdelay $0x2  }
0x31: {  	s17 =	simm.s32 $0x20;
	s14 =	sadd.s32 $0x1F40, s14;
	s16 =	sadd.s32 $0x10, s15  }
0x32: {  	s15 =	sadd.s32 $0x10, s14;
	s18 =	smov.u32 s14;
	v0 =	vld.msk [tilespmem:s16+$0x0 ss:$0x1], $0xffff;
	vm1 =	vgt.s32 v2, $0x0;
	(ifvalue) =	ssetifvalue $0x7FFFFFFF  }
.LBB2_3:
0x33: {  	[tilespmem:s18], [sflag:$0x1] =	stream.indirect_vreg.gather [hbm4b:s2+s10], $0x1, v1, vm0, $0x4038;
	[tilespmem:$0x3E80] =	vst v63  }
0x34: {  	s17 =	sadd.s32 $0x10, s17  }
0x35: {  	v2 =	vnsel vm1, $0x0, v2;
	p0 =	slt.u32 s17, $0xF90  }
.Ltmp3:
0x36: {  	s18 =	smov.u32 s15;
	v1 =	vmin.u32 v2, $0x270FF;
	(pc) =	sbr.rel @p0 .LBB2_3-.Ltmp3, $3  }
0x37: {  	_ =	sdelay $0x1  }
0x38: {  	s16 =	sadd.s32 $0x10, s16  }
0x39: {  	vm1 =	vgt.s32 v0, $0x0;
	s15 =	sadd.s32 $0x10, s15;
	v2 =	vmov v0;
	(ifvalue) =	ssetifvalue $0x7FFFFFFF;
	v0 =	vld.msk [tilespmem:s16+$0x0 ss:$0x1], $0xffff  }
.Ltmp4:
0x3a: {  	_ = 	snop;
	(pc) =	sbr.rel .LBB2_4-.Ltmp4, $1  }
0x3b: {  	_ =	sdelay $0x3  }
.LBB2_6:
0x3c: {  	_ =	sfence.sel $0x180000  }
0x3d: {  	s2 =	simm.s32 $0x2;
	[bflag:$0x0] =	sbarrier.arrive $0xFFFF  }
0x3e: {  	s30 =	simm.s32 $0x3;
	[sflag:s2] =	ssyncpa.u1 $0x1  }
0x3f: {  	s31 =	simm.s32 $0x1;
	[sflag:s30] =	ssyncpa.u1 $0x1  }
0x40: {  	[sflag:s31] =	ssyncpa.u1 $0x1  }
0x41: {  	p0 =	sne.s32 s1, $0x0;
	_ =	strace $0x90000047  }
0x42: {  	s0 =	sadd.s32 @!p0 $0x100000, s0;
	[bflag:$0x2] =	sbarrier.arrive $0xFFFF  }
0x43: {  	[sflag:s0] =	ssyncadd.tile.s32 @!p0 $0x1;
	_ =	shalt  }
.Lfunc_end2:
_tile_overlayer_lowered:
.L_overlay_start_2:
0x44: {  	(tag) =	ssettag $0x2  }
0x45: {  	s0 =	rddreg [dreg:$0x0];
	s2 =	stileid.u32  }
0x46: {  	s1 =	rddreg [dreg:$0x1];
	p0 =	sne.s32 s2, $0x0  }
0x47: {  	s3 =	rddreg [dreg:$0x2];
	[bflag:$0x3] =	sbarrier.arrive $0xFFFF;
	s2 =	simm.s32 @!p0 $0x1C01  }
0x48: {  	[timem:s3], [sflag:s2] =	dma.local @!p0 [hbm:s0], s1  }
0x49: {  	s0 =	simm.s32 @!p0 $0x1  }
0x4a: {  	_ =	swait.ge @!p0 [sflag:s0], s1  }
0x4b: {  	s1 =	ssub.s32 @!p0 $0x0, s1;
	[sflag:s0] =	ssyncset.done @!p0 $0x0  }
0x4c: {  	[sflag:s0] =	ssyncadd.s32 @!p0 s1  }
0x4d: {  	[bflag:$0x3] =	sbarrier.arrive $0xFFFF  }
0x4e: {  	_ =	shalt  }

// kernel: gather_offload_async_start
scs
__scs_entry_jumppad:
0x0: {  	(pc) =	sbr.rel $0x88, $3  }
0x1: {  	(tag) =	ssettag $0x0;
	lr =	simm.s32 $0x1  }
0x2: {  	[smem:$0x3F98] =	sst lr;
	_ =	strace $0xD0000000  }
0x3: {  	_ = 	snop  }
0x4: {  	_ = 	snop  }
0x5: {  	_ = 	snop  }
0x6: {  	_ = 	snop  }
0x7: {  	_ = 	snop  }
__scs_overlays_trampoline_lowered:
0x8: {  	[smem:$0x3FA7] =	sst s0  }
0x9: {  	[smem:$0x3FA8] =	sst s1  }
0xa: {  	[smem:$0x3FA9] =	sst s2  }
0xb: {  	[smem:$0x3FAA] =	sst s3  }
0xc: {  	[smem:$0x3FAB] =	sst s4  }
0xd: {  	[smem:$0x3FAC] =	sst s5  }
0xe: {  	[smem:$0x3FAD] =	sst s6  }
0xf: {  	[smem:$0x3FAE] =	sst s7  }
0x10: {  	[smem:$0x3FAF] =	sst s8  }
0x11: {  	[smem:$0x3FB0] =	sst s9;
	s0 =	simm.s32 @!p0 $0x0  }
0x12: {  	s1 =	sld [smem:$0x3F96];
	s0 =	simm.s32 @p0 $0x1  }
0x13: {  	[smem:$0x3FB1] =	sst s0;
	s0 =	simm.s32 @!p1 $0x0  }
0x14: {  	s2 =	sld [smem:$0x3F95];
	s0 =	simm.s32 @p1 $0x1  }
0x15: {  	[smem:$0x3FB2] =	sst s0;
	s0 =	simm.s32 @!p2 $0x0  }
0x16: {  	s3 =	sld [smem:$0x3FDB];
	s0 =	simm.s32 @p2 $0x1  }
0x17: {  	s4 =	simm.s32 $0x1BF5;
	[smem:$0x3FB4] =	sst s0  }
0x18: {  	s0 =	sld [smem:$0x3F97];
	_ =	swait.ge [sflag:s4], $0x0  }
0x19: {  	s7 =	sld [smem:$0x3F98]  }
0x1a: {  	s8 =	sadd.s32 $0xFFFFE003, lr  }
0x1b: {  	s9 =	sadd.s32 $0xFFFFFEF7, lr;
	s5 =	simm.s32 $0xFFFFFFFF;
	p2 =	slt.u32 s8, $0xFFFFF086  }
0x1c: {  	p1 =	slt.u32 s9, $0xF7A;
	s5 =	simm.s32 @!p2 $0x0  }
0x1d: {  	s5 =	simm.s32 @p1 $0x1;
	p0 =	seq.s32 s7, s2  }
0x1e: {  	s7 =	smul.u32 @!p0 $0xF7A, s2;
	p2 =	seq.s32 @!p0 s5, $0x0  }
0x1f: {  	s9 =	smul.u32 $0xF7A, s1;
	s8 =	simm.s32 @!p0 $0x1BF5;
	p2 =	por !p2, p0  }
0x20: {  	[sflag:s8] =	ssyncset.s32 @!p0 $0xFFFFF086;
	s6 =	sadd.s32 @!p0 s3, s7;
	s7 =	simm.s32 @!p0 $0x108  }
0x21: {  	s3 =	sadd.s32 s3, s9;
	s6 =	sadd.s32 @!p0 $0x88, s6;
	s7 =	simm.s32 @p2 $0x1082  }
0x22: {  	[simem:s7], [sflag:s8] =	dma.local @!p0 [hbm:s6], $0xF7A  }
0x23: {  	s9 =	sor.u32 $0xD0000000, s2;
	s6 =	simm.s32 $0x108;
	_ =	swait.ge @!p0 [sflag:s8], $0x0  }
0x24: {  	s3 =	sadd.s32 $0x88, s3;
	s6 =	simm.s32 @!p1 $0x1082;
	[sflag:s4] =	ssyncset.s32 $0xFFFFF086  }
0x25: {  	[simem:s6], [sflag:s4] =	dma.local [hbm:s3], $0xF7A  }
0x26: {  	[smem:$0x3F98] =	sst s1;
	(tag) =	ssettag s2;
	_ =	strace s9  }
0x27: {  	s1 =	sld [smem:$0x3FA8]  }
0x28: {  	s2 =	sld [smem:$0x3FA9]  }
0x29: {  	s4 =	sld [smem:$0x3FAB]  }
0x2a: {  	p0 =	seq.s32 s5, $0x0;
	s5 =	sld [smem:$0x3FAC]  }
0x2b: {  	s6 =	sld [smem:$0x3FAD]  }
0x2c: {  	s7 =	sld [smem:$0x3FAE]  }
0x2d: {  	s3 =	simm.s32 $0x108;
	s8 =	sld [smem:$0x3FAF]  }
0x2e: {  	s3 =	simm.s32 @!p0 $0x1082;
	s9 =	sld [smem:$0x3FB0]  }
0x2f: {  	lr =	sadd.s32 s0, s3;
	s0 =	sld [smem:$0x3FA7]  }
0x30: {  	s3 =	sld [smem:$0x3FAA]  }
0x31: {  	[smem:$0x3FB3] =	sst s10  }
0x32: {  	s10 =	sld [smem:$0x3FB1];
	_ =	sdelay $0x3  }
0x33: {  	p0 =	seq.s32 s10, $0x1;
	s10 =	sld [smem:$0x3FB3];
	_ =	sdelay $0x3  }
0x34: {  	[smem:$0x3FB3] =	sst s10  }
0x35: {  	s10 =	sld [smem:$0x3FB2];
	_ =	sdelay $0x3  }
0x36: {  	p1 =	seq.s32 s10, $0x1;
	s10 =	sld [smem:$0x3FB3];
	_ =	sdelay $0x3  }
0x37: {  	[smem:$0x3FB3] =	sst s10  }
0x38: {  	s10 =	sld [smem:$0x3FB4]  }
0x39: {  	_ = 	snop;
	(pc) =	sbr.ind lr, $3  }
0x3a: {  	_ = 	snop  }
0x3b: {  	_ = 	snop  }
0x3c: {  	p2 =	seq.s32 s10, $0x1;
	s10 =	sld [smem:$0x3FB3]  }
0x3d: {  	_ =	shalt  }
0x3e: {  	_ =	shalt  }
0x3f: {  	_ =	shalt  }
0x40: {  	_ =	shalt  }
0x41: {  	_ =	shalt  }
0x42: {  	_ =	shalt  }
0x43: {  	_ =	shalt  }
0x44: {  	_ =	shalt  }
0x45: {  	_ =	shalt  }
0x46: {  	_ =	shalt  }
0x47: {  	_ =	shalt  }
0x48: {  	_ =	shalt  }
0x49: {  	_ =	shalt  }
0x4a: {  	_ =	shalt  }
0x4b: {  	_ =	shalt  }
0x4c: {  	_ =	shalt  }
0x4d: {  	_ =	shalt  }
0x4e: {  	_ =	shalt  }
0x4f: {  	_ =	shalt  }
0x50: {  	_ =	shalt  }
0x51: {  	_ =	shalt  }
0x52: {  	_ =	shalt  }
0x53: {  	_ =	shalt  }
0x54: {  	_ =	shalt  }
0x55: {  	_ =	shalt  }
0x56: {  	_ =	shalt  }
0x57: {  	_ =	shalt  }
0x58: {  	_ =	shalt  }
0x59: {  	_ =	shalt  }
0x5a: {  	_ =	shalt  }
0x5b: {  	_ =	shalt  }
0x5c: {  	_ =	shalt  }
0x5d: {  	_ =	shalt  }
0x5e: {  	_ =	shalt  }
0x5f: {  	_ =	shalt  }
0x60: {  	_ =	shalt  }
0x61: {  	_ =	shalt  }
0x62: {  	_ =	shalt  }
0x63: {  	_ =	shalt  }
0x64: {  	_ =	shalt  }
0x65: {  	_ =	shalt  }
0x66: {  	_ =	shalt  }
0x67: {  	_ =	shalt  }
0x68: {  	_ =	shalt  }
0x69: {  	_ =	shalt  }
0x6a: {  	_ =	shalt  }
0x6b: {  	_ =	shalt  }
0x6c: {  	_ =	shalt  }
0x6d: {  	_ =	shalt  }
0x6e: {  	_ =	shalt  }
0x6f: {  	_ =	shalt  }
0x70: {  	_ =	shalt  }
0x71: {  	_ =	shalt  }
0x72: {  	_ =	shalt  }
0x73: {  	_ =	shalt  }
0x74: {  	_ =	shalt  }
0x75: {  	_ =	shalt  }
0x76: {  	_ =	shalt  }
0x77: {  	_ =	shalt  }
0x78: {  	_ =	shalt  }
0x79: {  	_ =	shalt  }
0x7a: {  	_ =	shalt  }
0x7b: {  	_ =	shalt  }
0x7c: {  	_ =	shalt  }
0x7d: {  	_ =	shalt  }
0x7e: {  	_ =	shalt  }
0x7f: {  	_ =	shalt  }
0x80: {  	_ =	shalt  }
0x81: {  	_ =	shalt  }
0x82: {  	_ =	shalt  }
0x83: {  	_ =	shalt  }
0x84: {  	_ =	shalt  }
0x85: {  	_ =	shalt  }
0x86: {  	_ =	shalt  }
0x87: {  	_ =	shalt  }
.Lfunc_end0:
.L_simem_size_0:
called_computation_lowered:
.L_overlay_start_0:
0x88: {  	s2 =	sld [smem:$0x3FD9]  }
0x89: {  	s3 =	sld [smem:$0x3FFE];
	_ =	sdelay $0x1  }
0x8a: {  	s1 =	srdreg.scid  }
0x8b: {  	s0 =	sand.u32 $0x1, s1  }
0x8c: {  	s17 =	sshll.u32 s0, $0xA;
	s2 =	sadd.s32 s3, s2  }
0x8d: {  	s2 =	sadd.s32 s2, s17  }
0x8e: {  	[smem:$0x3FBF] =	sst s2  }
0x8f: {  	_ = 	snop  }
0x90: {  	(tm) =	ssettm $0x1  }
0x91: {  	s18 =	sld [smem:$0x3FFB];
	_ =	sdelay $0x3  }
0x92: {  	_ =	strace s18  }
0x93: {  	s2 =	sld [smem:$0x3FFC];
	_ =	sdelay $0x3  }
0x94: {  	_ =	strace s2  }
0x95: {  	s2 =	sld [smem:$0x3FFD];
	_ =	sdelay $0x3  }
0x96: {  	_ =	strace s2  }
0x97: {  	_ =	strace $0x8FFFFFFF  }
0x98: {  	s19 =	sld [smem:$0x3FDB];
	_ =	sdelay $0x1  }
0x99: {  	s20 =	simm.s32 $_scs_section_size  }
0x9a: {  	s4 =	simm.s32 $_size__tile_overlayer_lowered;
	s5 =	simm.s32 $_tile_overlayer_lowered  }
0x9b: {  	s6 =	simm.s32 $0x1BFF;
	s21 =	sshll.u32 s5, $0x1;
	s3 =	sadd.s32 s20, s19  }
0x9c: {  	s22 =	simm.s32 $0x0;
	s4 =	sshll.u32 s4, $0x1;
	s5 =	sadd.s32 s21, s3  }
0x9d: {  	[timem:s22], [sflag:s6] =	dma.local [hbm:s5], s4  }
0x9e: {  	_ =	swait.ge [sflag:s6], s4  }
0x9f: {  	s4 =	ssub.s32 $0x0, s4;
	[sflag:s6] =	ssyncset.done $0x0  }
0xa0: {  	[sflag:s6] =	ssyncadd.s32 s4;
	_ =	sdelay $0x1  }
0xa1: {  	s23 =	simm.s32 $0x1B8B  }
0xa2: {  	_ =	swait.ge [sflag:s23], $0x1  }
0xa3: {  	[sflag:s23] =	ssyncset.done $0x0  }
0xa4: {  	[sflag:s23] =	ssyncadd.s32 $0xFFFFFFFF  }
0xa5: {  	s4 =	sld [smem:$0x0]  }
0xa6: {  	s5 =	sand.u32 $0xFFFFFFFE, s1  }
0xa7: {  	p0 =	sne.s32 s1, s5  }
0xa8: {  	s5 =	sshll.u32 @p0 s5, $0xE  }
0xa9: {  	s5 =	sadd.s32 @p0 $0x11B8D, s5;
	s6 =	sshll.u32 @p0 s4, $0x11  }
0xaa: {  	s5 =	sor.u32 @p0 s6, s5  }
0xab: {  	[sflag:s5] =	ssyncadd.remote.s32 @p0 $0x1;
	_ =	sdelay $0x1  }
0xac: {  	s5 =	simm.s32 @p0 $0x1B8D  }
0xad: {  	_ =	swait.eq @p0 [sflag:s5], $0x1  }
0xae: {  	[sflag:s5] =	ssyncadd.s32 @p0 $0xFFFFFFFF  }
0xaf: {  	s6 =	sshll.u32 @!p0 s1, $0xE  }
0xb0: {  	s6 =	sor.u32 @!p0 $0x4000, s6;
	s5 =	simm.s32 @!p0 $0x1B8D  }
0xb1: {  	s4 =	sshll.u32 @!p0 s4, $0x11;
	s6 =	sadd.s32 @!p0 $0x11B8D, s6;
	_ =	swait.eq @!p0 [sflag:s5], $0x1  }
0xb2: {  	s4 =	sor.u32 @!p0 s4, s6;
	[sflag:s5] =	ssyncadd.s32 @!p0 $0xFFFFFFFF  }
0xb3: {  	s25 =	simm.s32 $0x1B8E;
	s24 =	sld [smem:$0x3FFE];
	[sflag:s4] =	ssyncadd.remote.s32 @!p0 $0x1  }
0xb4: {  	s26 =	simm.s32 $execute0_lowered;
	[smem:$0x3FD2] =	sst s25  }
0xb5: {  	s5 =	sshll.u32 s26, $0x1;
	_ =	strace $0x8000004C;
	[dreg:$0x1] =	wrdreg $0xFFFFFFFF  }
0xb6: {  	s28 =	simm.s32 $_size_execute0_lowered;
	s3 =	sadd.s32 s3, s5;
	[dreg:$0x0] =	wrdreg $0x0  }
0xb7: {  	s5 =	sshll.u32 s28, $0x1;
	[dreg:$0x2] =	wrdreg s3  }
0xb8: {  	[dreg:$0x3] =	wrdreg s5  }
0xb9: {  	[dreg:$0x4] =	wrdreg $0xC0  }
0xba: {  	_ =	task [dreg:s22], $0x5FFFF  }
0xbb: {  	[dreg:$0x1] =	wrdreg $0xFFFFFFFF  }
0xbc: {  	[dreg:$0x0] =	wrdreg $0x60  }
0xbd: {  	[dreg:$0x2] =	wrdreg s24  }
0xbe: {  	[dreg:$0x3] =	wrdreg $0x9  }
0xbf: {  	_ =	task.clear_ibuf [dreg:s22], $0x4FFFF;
	_ =	strace $0x9000004C  }
0xc0: {  	s29 =	simm.s32 $0x9;
	_ =	strace $0x8000004E  }
0xc1: {  	_ =	swait.ge [sflag:s29], $0x1  }
0xc2: {  	[sflag:s29] =	ssyncadd.s32 $0xFFFFFFFF  }
0xc3: {  	_ =	strace $0x9000004E  }
0xc4: {  	_ =	sfence  }
0xc5: {  	s30 =	sld [smem:$0x0];
	_ =	sdelay $0x2  }
0xc6: {  	s31 =	sshll.u32 s1, $0xD;
	s1 =	sshrl.u32 s1, $0x2  }
0xc7: {  	s4 =	sand.u32 $0x4000, s31;
	s1 =	sadd.s32 s1, s30  }
0xc8: {  	s0 =	sor.u32 s4, s0;
	s1 =	sshll.u32 s1, $0x11  }
0xc9: {  	s0 =	sor.u32 s1, s0  }
0xca: {  	s0 =	sadd.s32 $0x8F2B, s0  }
0xcb: {  	[sflag:s0] =	ssyncadd.remote.s32 $0x1  }
0xcc: {  	_ =	sfence.sel $0xFFFF  }
0xcd: {  	[dreg:$0x0] =	wrdreg $0xFFFFFFFF;
	(pc) =	sbr.abs _section_cstart, $3  }
0xce: {  	[dreg:$0x1] =	wrdreg $0xFFFFFFFF  }
0xcf: {  	_ =	task.clear_ibuf [dreg:s22], $0x2FFFF;
	_ =	strace $0x9FFFFFFF  }
0xd0: {  	(tm) =	ssettm $0x7FFFFFFF  }
0xd1: {  	_ =	shalt  }
tec
execute0_lowered:
.L_overlay_start_1:
0x0: {  	(tag) =	ssettag $0x1  }
0x1: {  	s8 =	rddreg [dreg:$0x0]  }
0x2: {  	s0 =	rddreg [dreg:$0x1];
	_ =	strace $0x8000004D;
	s1 =	stileid.u32  }
0x3: {  	s3 =	srdreg.scid;
	s4 =	simm.s32 $0x1;
	s7 =	simm.s32 $0x1  }
0x4: {  	s9 =	simm.s32 $0x1;
	s10 =	simm.s32 $0x3;
	s13 =	simm.s32 $0x0  }
0x5: {  	s12 =	simm.s32 $0x0;
	s5 =	sand.u32 $0x1, s3;
	s6 =	sshll.u32 s1, $0x1  }
0x6: {  	s2 =	sadd.s32 $0x1800, s8;
	s3 =	sadd.s32 $0x10800, s8;
	s5 =	sor.u32 s6, s5  }
.Ltmp0:
0x7: {  	[sflag:s4] =	ssyncpa.u1 $0x0;
	p0 =	slt.u32 s5, $0x9;
	(pc) =	sbr.rel .LBB2_1-.Ltmp0, $4  }
0x8: {  	s6 =	simm.s32 $0x2;
	s7 =	simm.s32 @!p0 $0x0;
	p0 =	sne.s32 s5, $0x8  }
0x9: {  	[sflag:s6] =	ssyncpa.u1 $0x0;
	s5 =	smul.u32 $0xFA0, s5;
	s9 =	simm.s32 @!p0 $0x0  }
0xa: {  	s8 =	sadd.s32 $0x1CC00, s8;
	[sflag:s10] =	ssyncpa.u1 $0x0;
	s7 =	sadd.s32 s9, s7  }
0xb: {  	vm0 =	vmmov $0xffff;
	s10 =	simm.s32 $0x0;
	s11 =	smov.u32 s5;
	s9 =	sadd.s32 $0x1, s7  }
.LBB2_4:
0xc: {  	v2 =	vnsel vm1, $0x0, v2  }
0xd: {  	vm1 =	vgt.s32 v0, $0x0;
	v2 =	vmin.u32 v2, $0x270FF  }
0xe: {  	v0 =	vnsel vm1, $0x0, v0  }
0xf: {  	v0 =	vmin.u32 v0, $0x270FF  }
0x10: {  	[tilespmem:s18], [sflag:$0x1] =	stream.indirect_vreg.gather [hbm4b:s2+s10], $0x1, v1, vm0, $0x4038;
	[tilespmem:$0x3E80] =	vst v63  }
0x11: {  	(ifvalue) =	ssetifvalue $0x7FFFFFFF  }
0x12: {  	[tilespmem:s15], [sflag:$0x1] =	stream.indirect_vreg.gather [hbm4b:s2+s10], $0x1, v2, vm0, $0x4038;
	[tilespmem:$0x3E80] =	vst v63  }
0x13: {  	s29 =	sadd.s32 $0x10, s15;
	(ifvalue) =	ssetifvalue $0x7FFFFFFF  }
0x14: {  	[tilespmem:s29], [sflag:$0x1] =	stream.indirect_vreg.gather [hbm4b:s2+s10], $0x1, v0, vm0, $0x4038;
	[tilespmem:$0x3E80] =	vst v63  }
0x15: {  	_ =	swait.ge [sflag:s4], $0xFA0  }
0x16: {  	s30 =	sshrl.u32 s13, $0x3;
	[sflag:s4] =	ssyncset.done $0x0  }
0x17: {  	s31 =	sand.u32 $0x7, s13;
	s15 =	sadd.s32 s8, s30;
	[sflag:s4] =	ssyncadd.s32 $0xFFFFF060  }
0x18: {  	[hbm4b:s15+s31] =	stream.linear.scatter [tilespmem:s14], [sflag:$0x3], $0xFA0, $0x38;
	[tilespmem:$0x3E80] =	vst v63  }
.LBB2_5:
0x19: {  	s15 =	sadd.s32 $0x1F400, s11  }
0x1a: {  	p1 =	sgt.s32 s15, $0x270FF  }
0x1b: {  	s15 =	smov.u32 @p1 s5;
	p1 =	sne.s32 s12, s9  }
.Ltmp1:
0x1c: {  	p0 =	slt.u32 s12, $0x2;
	(pc) =	sbr.rel @!p1 .LBB2_6-.Ltmp1, $4  }
0x1d: {  	s14 =	simm.s32 @!p0 $0x3  }
0x1e: {  	_ =	swait.ge @!p0 [sflag:s14], $0xFA0  }
0x1f: {  	s16 =	sadd.s32 $0x1, s12;
	s13 =	smov.u32 s11;
	[sflag:s14] =	ssyncset.done @!p0 $0x0  }
0x20: {  	s12 =	smov.u32 s16;
	s11 =	smov.u32 s15;
	[sflag:s14] =	ssyncadd.s32 @!p0 $0xFFFFF060  }
.LBB2_1:
0x21: {  	p0 =	sge.u32 s12, s7  }
0x22: {  	s14 =	sxor.u32 @!p0 $0x1, s12  }
0x23: {  	s14 =	smul.u32 @!p0 $0x3E80, s14  }
0x24: {  	s31 =	sadd.s32 $0xFFFFFFFF, s12;
	s15 =	sshrl.u32 @!p0 s11, $0x3  }
0x25: {  	s16 =	sand.u32 @!p0 $0x7, s11;
	s15 =	sadd.s32 @!p0 s3, s15;
	s14 =	sshra.s32 @!p0 s14, $0x2  }
0x26: {  	[tilespmem:s14], [sflag:$0x2] =	stream.linear.gather @!p0 [hbm4b:s15+s16], $0xFA0, $0x38;
	[tilespmem:$0x3E80] =	vst v63  }
0x27: {  	p0 =	sge.u32 s31, s7  }
.Ltmp2:
0x28: {  	_ = 	snop;
	(pc) =	sbr.rel @p0 .LBB2_5-.Ltmp2, $1  }
0x29: {  	_ =	sdelay $0x3  }
0x2a: {  	s14 =	sand.u32 $0x1, s12  }
0x2b: {  	_ =	swait.ge [sflag:s6], $0xFA0;
	p0 =	seq.s32 s14, $0x1;
	s14 =	simm.s32 $0xFA0  }
0x2c: {  	[sflag:s6] =	ssyncset.done $0x0;
	s14 =	simm.s32 @!p0 $0x0  }
0x2d: {  	[sflag:s6] =	ssyncadd.s32 $0xFFFFF060;
	(ifvalue) =	ssetifvalue $0x7FFFFFFF;
	v0 =	vld.msk [tilespmem:s14+$0x0 ss:$0x1], $0xffff;
	_ =	sdelay $0x4  }
0x2e: {  	s15 =	sadd.s32 $0x10, s14;
	vm1 =	vgt.s32 v0, $0x0  }
0x2f: {  	v2 =	vld.msk [tilespmem:s15+$0x0 ss:$0x1], $0xffff;
	v1 =	vnsel vm1, $0x0, v0  }
0x30: {  	v1 =	vmin.u32 v1, $0x270FF;
	_ =	sdelay $0x2  }
0x31: {  	s17 =	simm.s32 $0x20;
	s14 =	sadd.s32 $0x1F40, s14;
	s16 =	sadd.s32 $0x10, s15  }
0x32: {  	s15 =	sadd.s32 $0x10, s14;
	s18 =	smov.u32 s14;
	v0 =	vld.msk [tilespmem:s16+$0x0 ss:$0x1], $0xffff;
	vm1 =	vgt.s32 v2, $0x0;
	(ifvalue) =	ssetifvalue $0x7FFFFFFF  }
.LBB2_3:
0x33: {  	[tilespmem:s18], [sflag:$0x1] =	stream.indirect_vreg.gather [hbm4b:s2+s10], $0x1, v1, vm0, $0x4038;
	[tilespmem:$0x3E80] =	vst v63  }
0x34: {  	s17 =	sadd.s32 $0x10, s17  }
0x35: {  	v2 =	vnsel vm1, $0x0, v2;
	p0 =	slt.u32 s17, $0xF90  }
.Ltmp3:
0x36: {  	s18 =	smov.u32 s15;
	v1 =	vmin.u32 v2, $0x270FF;
	(pc) =	sbr.rel @p0 .LBB2_3-.Ltmp3, $3  }
0x37: {  	_ =	sdelay $0x1  }
0x38: {  	s16 =	sadd.s32 $0x10, s16  }
0x39: {  	vm1 =	vgt.s32 v0, $0x0;
	s15 =	sadd.s32 $0x10, s15;
	v2 =	vmov v0;
	(ifvalue) =	ssetifvalue $0x7FFFFFFF;
	v0 =	vld.msk [tilespmem:s16+$0x0 ss:$0x1], $0xffff  }
.Ltmp4:
0x3a: {  	_ = 	snop;
	(pc) =	sbr.rel .LBB2_4-.Ltmp4, $1  }
0x3b: {  	_ =	sdelay $0x3  }
.LBB2_6:
0x3c: {  	_ =	sfence.sel $0x180000  }
0x3d: {  	s2 =	simm.s32 $0x2;
	[bflag:$0x0] =	sbarrier.arrive $0xFFFF  }
0x3e: {  	s30 =	simm.s32 $0x3;
	[sflag:s2] =	ssyncpa.u1 $0x1  }
0x3f: {  	s31 =	simm.s32 $0x1;
	[sflag:s30] =	ssyncpa.u1 $0x1  }
0x40: {  	[sflag:s31] =	ssyncpa.u1 $0x1  }
0x41: {  	p0 =	sne.s32 s1, $0x0;
	_ =	strace $0x9000004D  }
0x42: {  	s0 =	sadd.s32 @!p0 $0x100000, s0;
	[bflag:$0x2] =	sbarrier.arrive $0xFFFF  }
0x43: {  	[sflag:s0] =	ssyncadd.tile.s32 @!p0 $0x1;
	_ =	shalt  }
.Lfunc_end2:
_tile_overlayer_lowered:
.L_overlay_start_2:
0x44: {  	(tag) =	ssettag $0x2  }
0x45: {  	s0 =	rddreg [dreg:$0x0];
	s2 =	stileid.u32  }
0x46: {  	s1 =	rddreg [dreg:$0x1];
	p0 =	sne.s32 s2, $0x0  }
0x47: {  	s3 =	rddreg [dreg:$0x2];
	[bflag:$0x3] =	sbarrier.arrive $0xFFFF;
	s2 =	simm.s32 @!p0 $0x1C01  }
0x48: {  	[timem:s3], [sflag:s2] =	dma.local @!p0 [hbm:s0], s1  }
0x49: {  	s0 =	simm.s32 @!p0 $0x1  }
0x4a: {  	_ =	swait.ge @!p0 [sflag:s0], s1  }
0x4b: {  	s1 =	ssub.s32 @!p0 $0x0, s1;
	[sflag:s0] =	ssyncset.done @!p0 $0x0  }
0x4c: {  	[sflag:s0] =	ssyncadd.s32 @!p0 s1  }
0x4d: {  	[bflag:$0x3] =	sbarrier.arrive $0xFFFF  }
0x4e: {  	_ =	shalt  }

// kernel: kernel.3.cloned.1.call-start
scs
__scs_entry_jumppad:
0x0: {  	(pc) =	sbr.rel $0x88, $3  }
0x1: {  	(tag) =	ssettag $0x0;
	lr =	simm.s32 $0x1  }
0x2: {  	[smem:$0x3F98] =	sst lr;
	_ =	strace $0xD0000000  }
0x3: {  	_ = 	snop  }
0x4: {  	_ = 	snop  }
0x5: {  	_ = 	snop  }
0x6: {  	_ = 	snop  }
0x7: {  	_ = 	snop  }
__scs_overlays_trampoline_lowered:
0x8: {  	[smem:$0x3FA7] =	sst s0  }
0x9: {  	[smem:$0x3FA8] =	sst s1  }
0xa: {  	[smem:$0x3FA9] =	sst s2  }
0xb: {  	[smem:$0x3FAA] =	sst s3  }
0xc: {  	[smem:$0x3FAB] =	sst s4  }
0xd: {  	[smem:$0x3FAC] =	sst s5  }
0xe: {  	[smem:$0x3FAD] =	sst s6  }
0xf: {  	[smem:$0x3FAE] =	sst s7  }
0x10: {  	[smem:$0x3FAF] =	sst s8  }
0x11: {  	[smem:$0x3FB0] =	sst s9;
	s0 =	simm.s32 @!p0 $0x0  }
0x12: {  	s1 =	sld [smem:$0x3F96];
	s0 =	simm.s32 @p0 $0x1  }
0x13: {  	[smem:$0x3FB1] =	sst s0;
	s0 =	simm.s32 @!p1 $0x0  }
0x14: {  	s2 =	sld [smem:$0x3F95];
	s0 =	simm.s32 @p1 $0x1  }
0x15: {  	[smem:$0x3FB2] =	sst s0;
	s0 =	simm.s32 @!p2 $0x0  }
0x16: {  	s3 =	sld [smem:$0x3FDB];
	s0 =	simm.s32 @p2 $0x1  }
0x17: {  	s4 =	simm.s32 $0x1BF5;
	[smem:$0x3FB4] =	sst s0  }
0x18: {  	s0 =	sld [smem:$0x3F97];
	_ =	swait.ge [sflag:s4], $0x0  }
0x19: {  	s7 =	sld [smem:$0x3F98]  }
0x1a: {  	s8 =	sadd.s32 $0xFFFFE003, lr  }
0x1b: {  	s9 =	sadd.s32 $0xFFFFFEF7, lr;
	s5 =	simm.s32 $0xFFFFFFFF;
	p2 =	slt.u32 s8, $0xFFFFF086  }
0x1c: {  	p1 =	slt.u32 s9, $0xF7A;
	s5 =	simm.s32 @!p2 $0x0  }
0x1d: {  	s5 =	simm.s32 @p1 $0x1;
	p0 =	seq.s32 s7, s2  }
0x1e: {  	s7 =	smul.u32 @!p0 $0xF7A, s2;
	p2 =	seq.s32 @!p0 s5, $0x0  }
0x1f: {  	s9 =	smul.u32 $0xF7A, s1;
	s8 =	simm.s32 @!p0 $0x1BF5;
	p2 =	por !p2, p0  }
0x20: {  	[sflag:s8] =	ssyncset.s32 @!p0 $0xFFFFF086;
	s6 =	sadd.s32 @!p0 s3, s7;
	s7 =	simm.s32 @!p0 $0x108  }
0x21: {  	s3 =	sadd.s32 s3, s9;
	s6 =	sadd.s32 @!p0 $0x88, s6;
	s7 =	simm.s32 @p2 $0x1082  }
0x22: {  	[simem:s7], [sflag:s8] =	dma.local @!p0 [hbm:s6], $0xF7A  }
0x23: {  	s9 =	sor.u32 $0xD0000000, s2;
	s6 =	simm.s32 $0x108;
	_ =	swait.ge @!p0 [sflag:s8], $0x0  }
0x24: {  	s3 =	sadd.s32 $0x88, s3;
	s6 =	simm.s32 @!p1 $0x1082;
	[sflag:s4] =	ssyncset.s32 $0xFFFFF086  }
0x25: {  	[simem:s6], [sflag:s4] =	dma.local [hbm:s3], $0xF7A  }
0x26: {  	[smem:$0x3F98] =	sst s1;
	(tag) =	ssettag s2;
	_ =	strace s9  }
0x27: {  	s1 =	sld [smem:$0x3FA8]  }
0x28: {  	s2 =	sld [smem:$0x3FA9]  }
0x29: {  	s4 =	sld [smem:$0x3FAB]  }
0x2a: {  	p0 =	seq.s32 s5, $0x0;
	s5 =	sld [smem:$0x3FAC]  }
0x2b: {  	s6 =	sld [smem:$0x3FAD]  }
0x2c: {  	s7 =	sld [smem:$0x3FAE]  }
0x2d: {  	s3 =	simm.s32 $0x108;
	s8 =	sld [smem:$0x3FAF]  }
0x2e: {  	s3 =	simm.s32 @!p0 $0x1082;
	s9 =	sld [smem:$0x3FB0]  }
0x2f: {  	lr =	sadd.s32 s0, s3;
	s0 =	sld [smem:$0x3FA7]  }
0x30: {  	s3 =	sld [smem:$0x3FAA]  }
0x31: {  	[smem:$0x3FB3] =	sst s10  }
0x32: {  	s10 =	sld [smem:$0x3FB1];
	_ =	sdelay $0x3  }
0x33: {  	p0 =	seq.s32 s10, $0x1;
	s10 =	sld [smem:$0x3FB3];
	_ =	sdelay $0x3  }
0x34: {  	[smem:$0x3FB3] =	sst s10  }
0x35: {  	s10 =	sld [smem:$0x3FB2];
	_ =	sdelay $0x3  }
0x36: {  	p1 =	seq.s32 s10, $0x1;
	s10 =	sld [smem:$0x3FB3];
	_ =	sdelay $0x3  }
0x37: {  	[smem:$0x3FB3] =	sst s10  }
0x38: {  	s10 =	sld [smem:$0x3FB4]  }
0x39: {  	_ = 	snop;
	(pc) =	sbr.ind lr, $3  }
0x3a: {  	_ = 	snop  }
0x3b: {  	_ = 	snop  }
0x3c: {  	p2 =	seq.s32 s10, $0x1;
	s10 =	sld [smem:$0x3FB3]  }
0x3d: {  	_ =	shalt  }
0x3e: {  	_ =	shalt  }
0x3f: {  	_ =	shalt  }
0x40: {  	_ =	shalt  }
0x41: {  	_ =	shalt  }
0x42: {  	_ =	shalt  }
0x43: {  	_ =	shalt  }
0x44: {  	_ =	shalt  }
0x45: {  	_ =	shalt  }
0x46: {  	_ =	shalt  }
0x47: {  	_ =	shalt  }
0x48: {  	_ =	shalt  }
0x49: {  	_ =	shalt  }
0x4a: {  	_ =	shalt  }
0x4b: {  	_ =	shalt  }
0x4c: {  	_ =	shalt  }
0x4d: {  	_ =	shalt  }
0x4e: {  	_ =	shalt  }
0x4f: {  	_ =	shalt  }
0x50: {  	_ =	shalt  }
0x51: {  	_ =	shalt  }
0x52: {  	_ =	shalt  }
0x53: {  	_ =	shalt  }
0x54: {  	_ =	shalt  }
0x55: {  	_ =	shalt  }
0x56: {  	_ =	shalt  }
0x57: {  	_ =	shalt  }
0x58: {  	_ =	shalt  }
0x59: {  	_ =	shalt  }
0x5a: {  	_ =	shalt  }
0x5b: {  	_ =	shalt  }
0x5c: {  	_ =	shalt  }
0x5d: {  	_ =	shalt  }
0x5e: {  	_ =	shalt  }
0x5f: {  	_ =	shalt  }
0x60: {  	_ =	shalt  }
0x61: {  	_ =	shalt  }
0x62: {  	_ =	shalt  }
0x63: {  	_ =	shalt  }
0x64: {  	_ =	shalt  }
0x65: {  	_ =	shalt  }
0x66: {  	_ =	shalt  }
0x67: {  	_ =	shalt  }
0x68: {  	_ =	shalt  }
0x69: {  	_ =	shalt  }
0x6a: {  	_ =	shalt  }
0x6b: {  	_ =	shalt  }
0x6c: {  	_ =	shalt  }
0x6d: {  	_ =	shalt  }
0x6e: {  	_ =	shalt  }
0x6f: {  	_ =	shalt  }
0x70: {  	_ =	shalt  }
0x71: {  	_ =	shalt  }
0x72: {  	_ =	shalt  }
0x73: {  	_ =	shalt  }
0x74: {  	_ =	shalt  }
0x75: {  	_ =	shalt  }
0x76: {  	_ =	shalt  }
0x77: {  	_ =	shalt  }
0x78: {  	_ =	shalt  }
0x79: {  	_ =	shalt  }
0x7a: {  	_ =	shalt  }
0x7b: {  	_ =	shalt  }
0x7c: {  	_ =	shalt  }
0x7d: {  	_ =	shalt  }
0x7e: {  	_ =	shalt  }
0x7f: {  	_ =	shalt  }
0x80: {  	_ =	shalt  }
0x81: {  	_ =	shalt  }
0x82: {  	_ =	shalt  }
0x83: {  	_ =	shalt  }
0x84: {  	_ =	shalt  }
0x85: {  	_ =	shalt  }
0x86: {  	_ =	shalt  }
0x87: {  	_ =	shalt  }
.Lfunc_end0:
.L_simem_size_0:
called_computation.3_lowered:
.L_overlay_start_0:
0x88: {  	s2 =	sld [smem:$0x3FD9]  }
0x89: {  	s3 =	sld [smem:$0x3FFE];
	_ =	sdelay $0x1  }
0x8a: {  	s1 =	srdreg.scid  }
0x8b: {  	s0 =	sand.u32 $0x1, s1  }
0x8c: {  	s17 =	sshll.u32 s0, $0xA;
	s2 =	sadd.s32 s3, s2  }
0x8d: {  	s2 =	sadd.s32 s2, s17  }
0x8e: {  	[smem:$0x3FBF] =	sst s2  }
0x8f: {  	_ = 	snop  }
0x90: {  	s2 =	sld [smem:$0x3FD0];
	(tm) =	ssettm $0x1  }
0x91: {  	s18 =	sld [smem:$0x3FFB];
	_ =	sdelay $0x3  }
0x92: {  	_ =	strace s18  }
0x93: {  	s3 =	sld [smem:$0x3FFC];
	_ =	sdelay $0x3  }
0x94: {  	_ =	strace s3  }
0x95: {  	s3 =	sld [smem:$0x3FFD];
	_ =	sdelay $0x3  }
0x96: {  	_ =	strace s3  }
0x97: {  	_ =	strace $0x8FFFFFFF  }
0x98: {  	s19 =	sld [smem:$0x3FDB];
	_ =	sdelay $0x1  }
0x99: {  	s4 =	simm.s32 $_scs_section_size  }
0x9a: {  	s5 =	simm.s32 $_size__tile_overlayer_lowered;
	s6 =	simm.s32 $_tile_overlayer_lowered  }
0x9b: {  	s22 =	simm.s32 $0x1BFF;
	s21 =	sshll.u32 s6, $0x1;
	s3 =	sadd.s32 s4, s19  }
0x9c: {  	s7 =	simm.s32 $0x0;
	s20 =	sshll.u32 s5, $0x1;
	s5 =	sadd.s32 s21, s3  }
0x9d: {  	[timem:s7], [sflag:s22] =	dma.local [hbm:s5], s20  }
0x9e: {  	_ =	swait.ge [sflag:s22], s20  }
0x9f: {  	s4 =	ssub.s32 $0x0, s20;
	[sflag:s22] =	ssyncset.done $0x0  }
0xa0: {  	[sflag:s22] =	ssyncadd.s32 s4;
	_ =	sdelay $0x1  }
0xa1: {  	s23 =	simm.s32 $0x1B8B  }
0xa2: {  	_ =	swait.ge [sflag:s23], $0x1  }
0xa3: {  	[sflag:s23] =	ssyncset.done $0x0  }
0xa4: {  	s25 =	simm.s32 $0x1B8E;
	s24 =	sld [smem:$0x3FFE];
	[sflag:s23] =	ssyncadd.s32 $0xFFFFFFFF  }
0xa5: {  	s26 =	simm.s32 $execute0_lowered;
	[smem:$0x3FD2] =	sst s25  }
0xa6: {  	s5 =	sshll.u32 s26, $0x1;
	_ =	strace $0x8000004F;
	[dreg:$0x1] =	wrdreg $0xFFFFFFFF  }
0xa7: {  	s28 =	simm.s32 $_size_execute0_lowered;
	s3 =	sadd.s32 s3, s5;
	[dreg:$0x0] =	wrdreg $0x0  }
0xa8: {  	s5 =	sshll.u32 s28, $0x1;
	[dreg:$0x2] =	wrdreg s3  }
0xa9: {  	[dreg:$0x3] =	wrdreg s5  }
0xaa: {  	[dreg:$0x4] =	wrdreg $0xC0  }
0xab: {  	_ =	task [dreg:s7], $0x5FFFF  }
0xac: {  	[dreg:$0x1] =	wrdreg $0xFFFFFFFF  }
0xad: {  	[dreg:$0x0] =	wrdreg $0x60  }
0xae: {  	[dreg:$0x2] =	wrdreg s24  }
0xaf: {  	[dreg:$0x3] =	wrdreg s2  }
0xb0: {  	[dreg:$0x4] =	wrdreg $0x9  }
0xb1: {  	_ =	task.clear_ibuf [dreg:s7], $0x5FFFF;
	_ =	strace $0x9000004F  }
0xb2: {  	s29 =	simm.s32 $0x9;
	_ =	strace $0x80000051  }
0xb3: {  	_ =	swait.ge [sflag:s29], $0x1  }
0xb4: {  	[sflag:s29] =	ssyncadd.s32 $0xFFFFFFFF  }
0xb5: {  	_ =	strace $0x90000051  }
0xb6: {  	_ =	sfence  }
0xb7: {  	s30 =	sld [smem:$0x0];
	_ =	sdelay $0x2  }
0xb8: {  	s31 =	sshll.u32 s1, $0xD;
	s1 =	sshrl.u32 s1, $0x2  }
0xb9: {  	s3 =	sand.u32 $0x4000, s31;
	s1 =	sadd.s32 s1, s30  }
0xba: {  	s0 =	sor.u32 s3, s0;
	s1 =	sshll.u32 s1, $0x11  }
0xbb: {  	s0 =	sor.u32 s1, s0  }
0xbc: {  	s0 =	sadd.s32 $0x8F2B, s0  }
0xbd: {  	[sflag:s0] =	ssyncadd.remote.s32 $0x1  }
0xbe: {  	_ =	sfence.sel $0xFFFF  }
0xbf: {  	[dreg:$0x0] =	wrdreg $0xFFFFFFFF;
	(pc) =	sbr.abs _section_cstart, $3  }
0xc0: {  	[dreg:$0x1] =	wrdreg $0xFFFFFFFF  }
0xc1: {  	_ =	task.clear_ibuf [dreg:s7], $0x2FFFF;
	_ =	strace $0x9FFFFFFF  }
0xc2: {  	(tm) =	ssettm $0x7FFFFFFF  }
0xc3: {  	_ =	shalt  }
tec
execute0_lowered:
.L_overlay_start_1:
0x0: {  	(tag) =	ssettag $0x1  }
0x1: {  	s1 =	srdreg.scid  }
0x2: {  	s2 =	stileid.u32;
	s1 =	sand.u32 $0x1, s1  }
0x3: {  	s2 =	sor.u32 s2, s1  }
0x4: {  	p0 =	sne.s32 s2, $0x0  }
.Ltmp0:
0x5: {  	_ = 	snop;
	(pc) =	sbr.rel @p0 .LBB2_32-.Ltmp0, $4  }
0x6: {  	_ = 	snop  }
0x7: {  	s3 =	simm.s32 $0x0  }
0x8: {  	[smem:$0x7FF] =	sst s3  }
0x9: {  	s0 =	rddreg [dreg:$0x0];
	_ =	strace $0x80000050  }
0xa: {  	s2 =	sadd.s32 $0x15800, s0;
	s17 =	sadd.s32 $0x1B400, s0  }
0xb: {  	s18 =	sadd.s32 $0x1BA00, s0;
	s19 =	sadd.s32 $0x1C000, s0;
	s20 =	sadd.s32 $0x1C600, s0  }
0xc: {  	s21 =	sadd.s32 $0x21C00, s0;
	s22 =	sadd.s32 $0x1A800, s0;
	[dreg:$0x3] =	wrdreg s2  }
0xd: {  	s1 =	ssub.s32 $0x2, s1;
	s23 =	sadd.s32 $0x1AE00, s0;
	[dreg:$0x4] =	wrdreg s17  }
0xe: {  	s12 =	sadd.s32 $0x1400, s0;
	s13 =	sadd.s32 $0x22200, s0;
	[dreg:$0x5] =	wrdreg s18  }
0xf: {  	s4 =	sadd.s32 $0x1CC00, s0;
	s25 =	sadd.s32 $0x14C8, s0;
	[dreg:$0x6] =	wrdreg s19  }
0x10: {  	s26 =	sadd.s32 $0x222C8, s0;
	s28 =	simm.s32 $0x14000;
	[dreg:$0x7] =	wrdreg s20  }
0x11: {  	s29 =	simm.s32 $0x16800;
	s30 =	simm.s32 $0x19000;
	[dreg:$0x8] =	wrdreg s21  }
0x12: {  	s31 =	simm.s32 $0x1B800;
	s5 =	simm.s32 $0x1E000;
	[dreg:$0x9] =	wrdreg s22  }
0x13: {  	s6 =	simm.s32 $0x1E680;
	s7 =	simm.s32 $0x1EE00;
	[dreg:$0xa] =	wrdreg s23  }
0x14: {  	s8 =	simm.s32 $0x1F480;
	s9 =	simm.s32 $0x1;
	[dreg:$0xb] =	wrdreg s4  }
0x15: {  	s10 =	simm.s32 $0x2;
	s24 =	sshrl.u32 s1, $0x1;
	[dreg:$0xd] =	wrdreg s25  }
0x16: {  	[dreg:$0xe] =	wrdreg s26;
	s4 =	simm.s32 $0x5;
	s20 =	simm.s32 $0x2800  }
0x17: {  	s21 =	simm.s32 $0x5000;
	s22 =	simm.s32 $0x7800;
	s23 =	simm.s32 $0xA000  }
0x18: {  	s25 =	simm.s32 $0xF000;
	s26 =	simm.s32 $0x11800;
	s1 =	ssub.s32 s1, s24  }
0x19: {  	v0 =	vlaneseq.u32;
	v62 =	vimm.s32 $0xFFFFFF81;
	v63 =	vimm.f32 $0.0e+00;
	s24 =	simm.s32 $0xC800;
	[dreg:$0xc] =	wrdreg s1;
	s1 =	simm.s32 $0x0  }
.LBB2_2:
0x1a: {  	[dreg:$0xf] =	wrdreg s1  }
0x1b: {  	s0 =	simm.s32 $0x0;
	s15 =	rddreg [dreg:$0x1];
	s2 =	simm.s32 $0x1ED00  }
0x1c: {  	[tilespmem:s2], [sflag:$0x5] =	stream.linear.gather [hbm4b:s15+s0], $0x80, $0x38;
	[tilespmem:$0x1FB00] =	vst v63  }
0x1d: {  	_ =	swait.ge [sflag:s4], $0x80  }
0x1e: {  	[sflag:s4] =	ssyncset.done $0x0  }
0x1f: {  	s16 =	rddreg [dreg:$0x4];
	[sflag:s4] =	ssyncadd.s32 $0xFFFFFF80  }
0x20: {  	[tilespmem:s20], [sflag:$0x5] =	stream.linear.gather [hbm4b:s16+s0], $0x2800, $0x38;
	[tilespmem:$0x1FB00] =	vst v63  }
0x21: {  	_ =	swait.ge [sflag:s4], $0x2800  }
0x22: {  	[sflag:s4] =	ssyncset.done $0x0  }
0x23: {  	s17 =	rddreg [dreg:$0x5];
	[sflag:s4] =	ssyncadd.s32 $0xFFFFD800  }
0x24: {  	[tilespmem:s21], [sflag:$0x5] =	stream.linear.gather [hbm4b:s17+s0], $0x2800, $0x38;
	[tilespmem:$0x1FB00] =	vst v63  }
0x25: {  	_ =	swait.ge [sflag:s4], $0x2800  }
0x26: {  	[sflag:s4] =	ssyncset.done $0x0  }
0x27: {  	v5 =	vor.u32 s0, v0;
	s18 =	rddreg [dreg:$0x7];
	[sflag:s4] =	ssyncadd.s32 $0xFFFFD800  }
0x28: {  	[tilespmem:s22], [sflag:$0x5] =	stream.linear.gather [hbm4b:s18+s0], $0x2800, $0x38;
	[tilespmem:$0x1FB00] =	vst v63  }
0x29: {  	_ =	swait.ge [sflag:s4], $0x2800  }
0x2a: {  	[sflag:s4] =	ssyncset.done $0x0  }
0x2b: {  	[sflag:s4] =	ssyncadd.s32 $0xFFFFD800  }
0x2c: {  	v6 =	vld.idx.msk [tilespmem:v5+s22+$0x0], $0xffff;
	_ =	sdelay $0x4  }
0x2d: {  	v6 =	vmax.f32 v6, $9.999999740e-05  }
0x2e: {  	v7 =	vand.u32 $0x7FFFFF, v6  }
0x2f: {  	v7 =	vor.u32 $0x3F800000, v7  }
0x30: {  	v8 =	vmul.f32 $5.000000000e-01, v7  }
0x31: {  	vm0 =	vgt.f32 v7, $1.414213540e+00  }
0x32: {  	v7 =	vsel vm0, v8, v7  }
0x33: {  	v8 =	vadd.f32 $1.000000000e+00, v7;
	_ =	sdelay $0x1  }
0x34: {  	(erf) = vrcp.f32 v8;
	_ =	sdelay $0x7  }
0x35: {  	v7 =	vadd.f32 $-1.000000000e+00, v7  }
0x36: {  	v8 =	vpop (erf)  }
0x37: {  	v7 =	vmul.f32 v8, v7;
	_ =	sdelay $0x1  }
0x38: {  	v8 =	vmul.f32 v7, v7;
	_ =	sdelay $0x1  }
0x39: {  	v9 =	vmul.f32 $1.111111120e-01, v8;
	_ =	sdelay $0x1  }
0x3a: {  	v9 =	vadd.f32 $1.428571490e-01, v9;
	_ =	sdelay $0x1  }
0x3b: {  	v9 =	vmul.f32 v9, v8;
	_ =	sdelay $0x1  }
0x3c: {  	v9 =	vadd.f32 $2.000000030e-01, v9;
	_ =	sdelay $0x1  }
0x3d: {  	v9 =	vmul.f32 v9, v8;
	_ =	sdelay $0x1  }
0x3e: {  	v9 =	vadd.f32 $3.333333430e-01, v9;
	_ =	sdelay $0x1  }
0x3f: {  	v6 =	vshra.s32 v6, $0x17;
	v10 =	vsel vm0, $0xFFFFFF82, v62;
	v8 =	vmul.f32 v9, v8  }
0x40: {  	v6 =	vadd.s32 v6, v10  }
0x41: {  	v6 =	vcvt.s32.f32 v6;
	v7 =	vadd.f32 v7, v7;
	v8 =	vadd.f32 $1.000000000e+00, v8;
	_ =	sdelay $0x1  }
0x42: {  	v6 =	vmul.f32 $6.931471820e-01, v6;
	v7 =	vmul.f32 v8, v7;
	_ =	sdelay $0x1  }
0x43: {  	v6 =	vadd.f32 v7, v6;
	_ =	sdelay $0x1  }
0x44: {  	v6 =	vmul.f32 $5.000000000e-01, v6;
	_ =	sdelay $0x1  }
0x45: {  	v6 =	vmul.f32 $1.442695020e+00, v6;
	_ =	sdelay $0x1  }
0x46: {  	(erf) = vpow2.f32 v6;
	_ =	sdelay $0x3  }
0x47: {  	v6 =	vld.idx.msk [tilespmem:v5+s21+$0x0], $0xffff;
	_ =	sdelay $0x2  }
0x48: {  	v7 =	vld.idx.msk [tilespmem:v5+s20+$0x0], $0xffff;
	_ =	sdelay $0x1  }
0x49: {  	v6 =	vmul.f32 $3.000000000e+00, v6;
	v8 =	vpop (erf)  }
0x4a: {  	v9 =	vmul.f32 $2.100000000e+01, v8  }
0x4b: {  	v10 =	vmul.f32 $3.000000000e+00, v6  }
0x4c: {  	v7 =	vmul.f32 $2.899999920e-01, v7;
	v9 =	vadd.f32 $9.999999930e-09, v9  }
0x4d: {  	v10 =	vadd.f32 $5.000000000e+00, v10  }
0x4e: {  	v7 =	vadd.f32 $9.999999770e-03, v7;
	(erf) = vrcp.f32 v9  }
0x4f: {  	(erf) = vrcp.f32 v10  }
0x50: {  	(erf) = vrcp.f32 v7;
	_ =	sdelay $0x3  }
0x51: {  	v6 =	vadd.f32 $1.000000000e+00, v6;
	_ =	sdelay $0x1  }
0x52: {  	v6 =	vmul.f32 v6, v7  }
0x53: {  	v7 =	vpop (erf)  }
0x54: {  	v9 =	vmul.f32 v7, v6;
	v7 =	vpop (erf)  }
0x55: {  	s19 =	simm.s32 $0x10;
	v10 =	vpop (erf);
	v7 =	vmul.f32 $3.000000000e+00, v7  }
0x56: {  	s0 =	simm.s32 $0x20;
	v6 =	vor.u32 s19, v0;
	[tilespmem:v5+s23+$0x0] =	vst.idx.msk $0xffff, v9;
	v8 =	vmul.f32 v8, v10  }
.LBB2_3:
0x57: {  	p0 =	sne.s32 s0, $0x27F0;
	[tilespmem:v5+s24+$0x0] =	vst.idx.msk $0xffff, v7  }
0x58: {  	[tilespmem:v5+s25+$0x0] =	vst.idx.msk $0xffff, v8;
	v5 =	vmov v6  }
0x59: {  	v7 =	vld.idx.msk [tilespmem:v6+s22+$0x0], $0xffff  }
0x5a: {  	v8 =	vld.idx.msk [tilespmem:v6+s21+$0x0], $0xffff  }
0x5b: {  	v6 =	vld.idx.msk [tilespmem:v6+s20+$0x0], $0xffff;
	_ =	sdelay $0x3  }
0x5c: {  	v7 =	vmax.f32 v7, $9.999999740e-05  }
0x5d: {  	v9 =	vand.u32 $0x7FFFFF, v7  }
0x5e: {  	v9 =	vor.u32 $0x3F800000, v9  }
0x5f: {  	v10 =	vmul.f32 $5.000000000e-01, v9  }
0x60: {  	vm0 =	vgt.f32 v9, $1.414213540e+00  }
0x61: {  	v9 =	vsel vm0, v10, v9  }
0x62: {  	v10 =	vadd.f32 $1.000000000e+00, v9;
	_ =	sdelay $0x1  }
0x63: {  	(erf) = vrcp.f32 v10;
	_ =	sdelay $0x7  }
0x64: {  	v9 =	vadd.f32 $-1.000000000e+00, v9  }
0x65: {  	v10 =	vpop (erf)  }
0x66: {  	v9 =	vmul.f32 v10, v9;
	_ =	sdelay $0x1  }
0x67: {  	v10 =	vmul.f32 v9, v9;
	_ =	sdelay $0x1  }
0x68: {  	v11 =	vmul.f32 $1.111111120e-01, v10;
	_ =	sdelay $0x1  }
0x69: {  	v11 =	vadd.f32 $1.428571490e-01, v11;
	_ =	sdelay $0x1  }
0x6a: {  	v11 =	vmul.f32 v11, v10;
	_ =	sdelay $0x1  }
0x6b: {  	v11 =	vadd.f32 $2.000000030e-01, v11;
	_ =	sdelay $0x1  }
0x6c: {  	v11 =	vmul.f32 v11, v10;
	_ =	sdelay $0x1  }
0x6d: {  	v11 =	vadd.f32 $3.333333430e-01, v11;
	_ =	sdelay $0x1  }
0x6e: {  	v7 =	vshra.s32 v7, $0x17;
	v12 =	vsel vm0, $0xFFFFFF82, v62;
	v10 =	vmul.f32 v11, v10  }
0x6f: {  	v7 =	vadd.s32 v7, v12  }
0x70: {  	v7 =	vcvt.s32.f32 v7;
	v9 =	vadd.f32 v9, v9;
	v10 =	vadd.f32 $1.000000000e+00, v10;
	_ =	sdelay $0x1  }
0x71: {  	v7 =	vmul.f32 $6.931471820e-01, v7;
	v9 =	vmul.f32 v10, v9;
	_ =	sdelay $0x1  }
0x72: {  	v7 =	vadd.f32 v9, v7;
	_ =	sdelay $0x1  }
0x73: {  	v7 =	vmul.f32 $5.000000000e-01, v7;
	_ =	sdelay $0x1  }
0x74: {  	v7 =	vmul.f32 $1.442695020e+00, v7;
	_ =	sdelay $0x1  }
0x75: {  	(erf) = vpow2.f32 v7;
	_ =	sdelay $0x8  }
0x76: {  	v7 =	vmul.f32 $3.000000000e+00, v8;
	v8 =	vpop (erf)  }
0x77: {  	v9 =	vmul.f32 $2.100000000e+01, v8  }
0x78: {  	v10 =	vmul.f32 $3.000000000e+00, v7  }
0x79: {  	v6 =	vmul.f32 $2.899999920e-01, v6;
	v9 =	vadd.f32 $9.999999930e-09, v9  }
0x7a: {  	v10 =	vadd.f32 $5.000000000e+00, v10  }
0x7b: {  	v6 =	vadd.f32 $9.999999770e-03, v6;
	(erf) = vrcp.f32 v9  }
0x7c: {  	(erf) = vrcp.f32 v10  }
0x7d: {  	(erf) = vrcp.f32 v6;
	_ =	sdelay $0x3  }
0x7e: {  	v7 =	vadd.f32 $1.000000000e+00, v7;
	_ =	sdelay $0x1  }
.Ltmp1:
0x7f: {  	v1 =	vmul.f32 v7, v6;
	(pc) =	sbr.rel @p0 .LBB2_3-.Ltmp1, $4  }
0x80: {  	v9 =	vpop (erf)  }
0x81: {  	v6 =	vor.u32 s0, v0;
	v9 =	vmul.f32 v9, v1;
	v7 =	vpop (erf)  }
0x82: {  	v7 =	vmul.f32 $3.000000000e+00, v7;
	v10 =	vpop (erf)  }
0x83: {  	s0 =	sadd.s32 $0x10, s0;
	[tilespmem:v5+s23+$0x0] =	vst.idx.msk $0xffff, v9;
	v8 =	vmul.f32 v8, v10  }
0x84: {  	_ =	sdelay $0x3  }
0x85: {  	[tilespmem:v5+s24+$0x0] =	vst.idx.msk $0xffff, v7  }
0x86: {  	[tilespmem:v5+s25+$0x0] =	vst.idx.msk $0xffff, v8  }
0x87: {  	v5 =	vld.idx.msk [tilespmem:v6+s22+$0x0], $0xffff;
	_ =	sdelay $0x4  }
0x88: {  	v5 =	vmax.f32 v5, $9.999999740e-05  }
0x89: {  	v7 =	vand.u32 $0x7FFFFF, v5  }
0x8a: {  	v7 =	vor.u32 $0x3F800000, v7  }
0x8b: {  	v8 =	vmul.f32 $5.000000000e-01, v7  }
0x8c: {  	vm0 =	vgt.f32 v7, $1.414213540e+00  }
0x8d: {  	v7 =	vsel vm0, v8, v7  }
0x8e: {  	v8 =	vadd.f32 $1.000000000e+00, v7;
	_ =	sdelay $0x1  }
0x8f: {  	(erf) = vrcp.f32 v8;
	_ =	sdelay $0x7  }
0x90: {  	v7 =	vadd.f32 $-1.000000000e+00, v7  }
0x91: {  	v8 =	vpop (erf)  }
0x92: {  	v7 =	vmul.f32 v8, v7;
	_ =	sdelay $0x1  }
0x93: {  	v8 =	vmul.f32 v7, v7;
	_ =	sdelay $0x1  }
0x94: {  	v9 =	vmul.f32 $1.111111120e-01, v8;
	_ =	sdelay $0x1  }
0x95: {  	v9 =	vadd.f32 $1.428571490e-01, v9;
	_ =	sdelay $0x1  }
0x96: {  	v9 =	vmul.f32 v9, v8;
	_ =	sdelay $0x1  }
0x97: {  	v9 =	vadd.f32 $2.000000030e-01, v9;
	_ =	sdelay $0x1  }
0x98: {  	v9 =	vmul.f32 v9, v8;
	_ =	sdelay $0x1  }
0x99: {  	v9 =	vadd.f32 $3.333333430e-01, v9;
	_ =	sdelay $0x1  }
0x9a: {  	v5 =	vshra.s32 v5, $0x17;
	v10 =	vsel vm0, $0xFFFFFF82, v62;
	v8 =	vmul.f32 v9, v8  }
0x9b: {  	v5 =	vadd.s32 v5, v10  }
0x9c: {  	v5 =	vcvt.s32.f32 v5;
	v7 =	vadd.f32 v7, v7;
	v8 =	vadd.f32 $1.000000000e+00, v8;
	_ =	sdelay $0x1  }
0x9d: {  	v5 =	vmul.f32 $6.931471820e-01, v5;
	v7 =	vmul.f32 v8, v7;
	_ =	sdelay $0x1  }
0x9e: {  	v5 =	vadd.f32 v7, v5;
	_ =	sdelay $0x1  }
0x9f: {  	v5 =	vmul.f32 $5.000000000e-01, v5;
	_ =	sdelay $0x1  }
0xa0: {  	v5 =	vmul.f32 $1.442695020e+00, v5;
	_ =	sdelay $0x1  }
0xa1: {  	(erf) = vpow2.f32 v5;
	_ =	sdelay $0x3  }
0xa2: {  	v5 =	vld.idx.msk [tilespmem:v6+s21+$0x0], $0xffff;
	_ =	sdelay $0x2  }
0xa3: {  	v7 =	vld.idx.msk [tilespmem:v6+s20+$0x0], $0xffff;
	_ =	sdelay $0x1  }
0xa4: {  	v5 =	vmul.f32 $3.000000000e+00, v5;
	v8 =	vpop (erf)  }
0xa5: {  	v57 =	vmul.f32 $2.100000000e+01, v8  }
0xa6: {  	v58 =	vmul.f32 $3.000000000e+00, v5  }
0xa7: {  	v7 =	vmul.f32 $2.899999920e-01, v7;
	v9 =	vadd.f32 $9.999999930e-09, v57  }
0xa8: {  	v10 =	vadd.f32 $5.000000000e+00, v58  }
0xa9: {  	v7 =	vadd.f32 $9.999999770e-03, v7;
	(erf) = vrcp.f32 v9  }
0xaa: {  	(erf) = vrcp.f32 v10  }
0xab: {  	(erf) = vrcp.f32 v7;
	_ =	sdelay $0x3  }
0xac: {  	v5 =	vadd.f32 $1.000000000e+00, v5;
	_ =	sdelay $0x1  }
0xad: {  	v5 =	vmul.f32 v5, v7  }
0xae: {  	v7 =	vpop (erf)  }
0xaf: {  	v5 =	vmul.f32 v7, v5;
	v7 =	vpop (erf)  }
0xb0: {  	v7 =	vmul.f32 $3.000000000e+00, v7;
	v59 =	vpop (erf)  }
0xb1: {  	[tilespmem:v6+s23+$0x0] =	vst.idx.msk $0xffff, v5;
	v5 =	vmul.f32 v8, v59  }
0xb2: {  	[tilespmem:v6+s24+$0x0] =	vst.idx.msk $0xffff, v7  }
0xb3: {  	s0 =	simm.s32 $0x0;
	s1 =	rddreg [dreg:$0x8];
	[tilespmem:v6+s25+$0x0] =	vst.idx.msk $0xffff, v5  }
0xb4: {  	[tilespmem:s26], [sflag:$0x5] =	stream.linear.gather [hbm4b:s1+s0], $0x2800, $0x38;
	[tilespmem:$0x1FB00] =	vst v63  }
0xb5: {  	_ =	swait.ge [sflag:s4], $0x2800  }
0xb6: {  	[sflag:s4] =	ssyncset.done $0x0  }
0xb7: {  	v5 =	vor.u32 s0, v0;
	s18 =	rddreg [dreg:$0x9];
	[sflag:s4] =	ssyncadd.s32 $0xFFFFD800  }
0xb8: {  	[tilespmem:s20], [sflag:$0x5] =	stream.linear.gather [hbm4b:s18+s0], $0x2800, $0x38;
	[tilespmem:$0x1FB00] =	vst v63  }
0xb9: {  	_ =	swait.ge [sflag:s4], $0x2800  }
0xba: {  	[sflag:s4] =	ssyncset.done $0x0  }
0xbb: {  	[sflag:s4] =	ssyncadd.s32 $0xFFFFD800  }
0xbc: {  	v6 =	vld.idx.msk [tilespmem:v5+s20+$0x0], $0xffff;
	_ =	sdelay $0x4  }
0xbd: {  	v7 =	vmul.f32 v6, v6;
	_ =	sdelay $0x1  }
0xbe: {  	v7 =	vadd.f32 $1.000000000e+00, v7;
	_ =	sdelay $0x1  }
0xbf: {  	v8 =	vand.u32 $0x7FFFFF, v7  }
0xc0: {  	v8 =	vor.u32 $0x3F800000, v8  }
0xc1: {  	v60 =	vmul.f32 $5.000000000e-01, v8  }
0xc2: {  	vm15 =	vgt.f32 v8, $1.414213540e+00  }
0xc3: {  	v8 =	vsel vm15, v60, v8  }
0xc4: {  	v9 =	vadd.f32 $1.000000000e+00, v8;
	_ =	sdelay $0x1  }
0xc5: {  	(erf) = vrcp.f32 v9;
	_ =	sdelay $0x7  }
0xc6: {  	v8 =	vadd.f32 $-1.000000000e+00, v8  }
0xc7: {  	v9 =	vpop (erf)  }
0xc8: {  	v8 =	vmul.f32 v9, v8;
	_ =	sdelay $0x1  }
0xc9: {  	v9 =	vmul.f32 v8, v8;
	_ =	sdelay $0x1  }
0xca: {  	v61 =	vmul.f32 $1.111111120e-01, v9;
	_ =	sdelay $0x1  }
0xcb: {  	v10 =	vadd.f32 $1.428571490e-01, v61;
	_ =	sdelay $0x1  }
0xcc: {  	v10 =	vmul.f32 v10, v9;
	_ =	sdelay $0x1  }
0xcd: {  	v10 =	vadd.f32 $2.000000030e-01, v10;
	_ =	sdelay $0x1  }
0xce: {  	v10 =	vmul.f32 v10, v9;
	_ =	sdelay $0x1  }
0xcf: {  	v10 =	vadd.f32 $3.333333430e-01, v10;
	_ =	sdelay $0x1  }
0xd0: {  	v7 =	vshra.s32 v7, $0x17;
	v11 =	vsel vm15, $0xFFFFFF82, v62;
	v9 =	vmul.f32 v10, v9  }
0xd1: {  	v7 =	vadd.s32 v7, v11  }
0xd2: {  	v7 =	vcvt.s32.f32 v7;
	v8 =	vadd.f32 v8, v8;
	v9 =	vadd.f32 $1.000000000e+00, v9;
	_ =	sdelay $0x1  }
0xd3: {  	v7 =	vmul.f32 $6.931471820e-01, v7;
	v8 =	vmul.f32 v9, v8;
	_ =	sdelay $0x1  }
0xd4: {  	v7 =	vadd.f32 v8, v7;
	_ =	sdelay $0x1  }
0xd5: {  	v7 =	vmul.f32 $5.000000000e-01, v7;
	_ =	sdelay $0x1  }
0xd6: {  	v7 =	vmul.f32 $1.442695020e+00, v7;
	_ =	sdelay $0x1  }
0xd7: {  	(erf) = vpow2.f32 v7;
	_ =	sdelay $0x7  }
0xd8: {  	v6 =	vadd.f32 v6, v6  }
0xd9: {  	s19 =	simm.s32 $0x10;
	v7 =	vpop (erf)  }
0xda: {  	s0 =	simm.s32 $0x20;
	[tilespmem:v5+s28+$0x0] =	vst.idx.msk $0xffff, v6;
	v6 =	vor.u32 s19, v0;
	v7 =	vadd.f32 v7, v7  }
.LBB2_5:
0xdb: {  	_ = 	snop  }
0xdc: {  	p0 =	sne.s32 s0, $0x27F0;
	s1 =	smov.u32 s0;
	s0 =	sadd.s32 $0x10, s0;
	[tilespmem:v5+s29+$0x0] =	vst.idx.msk $0xffff, v7;
	v5 =	vmov v6  }
0xdd: {  	v6 =	vld.idx.msk [tilespmem:v6+s20+$0x0], $0xffff;
	_ =	sdelay $0x5  }
0xde: {  	v7 =	vadd.f32 v6, v6;
	v6 =	vmul.f32 v6, v6;
	_ =	sdelay $0x1  }
0xdf: {  	v6 =	vadd.f32 $1.000000000e+00, v6;
	[tilespmem:v5+s28+$0x0] =	vst.idx.msk $0xffff, v7;
	_ =	sdelay $0x1  }
0xe0: {  	v7 =	vand.u32 $0x7FFFFF, v6  }
0xe1: {  	v7 =	vor.u32 $0x3F800000, v7  }
0xe2: {  	v8 =	vmul.f32 $5.000000000e-01, v7  }
0xe3: {  	vm0 =	vgt.f32 v7, $1.414213540e+00  }
0xe4: {  	v6 =	vshra.s32 v6, $0x17;
	v7 =	vsel vm0, v8, v7;
	v8 =	vsel vm0, $0xFFFFFF82, v62  }
0xe5: {  	v6 =	vadd.s32 v6, v8;
	v8 =	vadd.f32 $1.000000000e+00, v7  }
0xe6: {  	v6 =	vcvt.s32.f32 v6  }
0xe7: {  	(erf) = vrcp.f32 v8;
	_ =	sdelay $0x7  }
0xe8: {  	v7 =	vadd.f32 $-1.000000000e+00, v7  }
0xe9: {  	v8 =	vpop (erf)  }
0xea: {  	v7 =	vmul.f32 v8, v7;
	_ =	sdelay $0x1  }
0xeb: {  	v8 =	vmul.f32 v7, v7;
	_ =	sdelay $0x1  }
0xec: {  	v9 =	vmul.f32 $1.111111120e-01, v8;
	_ =	sdelay $0x1  }
0xed: {  	v9 =	vadd.f32 $1.428571490e-01, v9;
	_ =	sdelay $0x1  }
0xee: {  	v9 =	vmul.f32 v9, v8;
	_ =	sdelay $0x1  }
0xef: {  	v9 =	vadd.f32 $2.000000030e-01, v9;
	_ =	sdelay $0x1  }
0xf0: {  	v9 =	vmul.f32 v9, v8;
	_ =	sdelay $0x1  }
0xf1: {  	v9 =	vadd.f32 $3.333333430e-01, v9;
	_ =	sdelay $0x1  }
0xf2: {  	v8 =	vmul.f32 v9, v8;
	_ =	sdelay $0x1  }
0xf3: {  	v7 =	vadd.f32 v7, v7;
	v8 =	vadd.f32 $1.000000000e+00, v8;
	_ =	sdelay $0x1  }
0xf4: {  	v6 =	vmul.f32 $6.931471820e-01, v6;
	v7 =	vmul.f32 v8, v7;
	_ =	sdelay $0x1  }
0xf5: {  	v6 =	vadd.f32 v7, v6;
	_ =	sdelay $0x1  }
0xf6: {  	v6 =	vmul.f32 $5.000000000e-01, v6;
	_ =	sdelay $0x1  }
0xf7: {  	v6 =	vmul.f32 $1.442695020e+00, v6;
	_ =	sdelay $0x1  }
0xf8: {  	(erf) = vpow2.f32 v6;
	_ =	sdelay $0x5  }
.Ltmp2:
0xf9: {  	(pc) =	sbr.rel @p0 .LBB2_5-.Ltmp2, $4  }
0xfa: {  	_ = 	snop  }
0xfb: {  	v6 =	vor.u32 s1, v0  }
0xfc: {  	v7 =	vpop (erf)  }
0xfd: {  	v7 =	vadd.f32 v7, v7  }
0xfe: {  	_ =	sdelay $0x3  }
0xff: {  	[tilespmem:v5+s29+$0x0] =	vst.idx.msk $0xffff, v7  }
0x100: {  	v5 =	vld.idx.msk [tilespmem:v6+s20+$0x0], $0xffff;
	_ =	sdelay $0x4  }
0x101: {  	v7 =	vmul.f32 v5, v5;
	_ =	sdelay $0x1  }
0x102: {  	v7 =	vadd.f32 $1.000000000e+00, v7;
	_ =	sdelay $0x1  }
0x103: {  	v8 =	vand.u32 $0x7FFFFF, v7  }
0x104: {  	v8 =	vor.u32 $0x3F800000, v8  }
0x105: {  	v9 =	vmul.f32 $5.000000000e-01, v8  }
0x106: {  	vm0 =	vgt.f32 v8, $1.414213540e+00  }
0x107: {  	v8 =	vsel vm0, v9, v8  }
0x108: {  	v9 =	vadd.f32 $1.000000000e+00, v8;
	_ =	sdelay $0x1  }
0x109: {  	(erf) = vrcp.f32 v9;
	_ =	sdelay $0x7  }
0x10a: {  	v8 =	vadd.f32 $-1.000000000e+00, v8  }
0x10b: {  	v9 =	vpop (erf)  }
0x10c: {  	v8 =	vmul.f32 v9, v8;
	_ =	sdelay $0x1  }
0x10d: {  	v9 =	vmul.f32 v8, v8;
	_ =	sdelay $0x1  }
0x10e: {  	v10 =	vmul.f32 $1.111111120e-01, v9;
	_ =	sdelay $0x1  }
0x10f: {  	v10 =	vadd.f32 $1.428571490e-01, v10;
	_ =	sdelay $0x1  }
0x110: {  	v10 =	vmul.f32 v10, v9;
	_ =	sdelay $0x1  }
0x111: {  	v10 =	vadd.f32 $2.000000030e-01, v10;
	_ =	sdelay $0x1  }
0x112: {  	v10 =	vmul.f32 v10, v9;
	_ =	sdelay $0x1  }
0x113: {  	v10 =	vadd.f32 $3.333333430e-01, v10;
	_ =	sdelay $0x1  }
0x114: {  	v7 =	vshra.s32 v7, $0x17;
	v9 =	vmul.f32 v10, v9;
	v10 =	vsel vm0, $0xFFFFFF82, v62  }
0x115: {  	v7 =	vadd.s32 v7, v10  }
0x116: {  	v8 =	vadd.f32 v8, v8;
	v7 =	vcvt.s32.f32 v7;
	v9 =	vadd.f32 $1.000000000e+00, v9;
	_ =	sdelay $0x1  }
0x117: {  	v7 =	vmul.f32 $6.931471820e-01, v7;
	v8 =	vmul.f32 v9, v8;
	_ =	sdelay $0x1  }
0x118: {  	v7 =	vadd.f32 v8, v7;
	_ =	sdelay $0x1  }
0x119: {  	v7 =	vmul.f32 $5.000000000e-01, v7;
	_ =	sdelay $0x1  }
0x11a: {  	v7 =	vmul.f32 $1.442695020e+00, v7;
	_ =	sdelay $0x1  }
0x11b: {  	(erf) = vpow2.f32 v7;
	_ =	sdelay $0x8  }
0x11c: {  	v5 =	vadd.f32 v5, v5;
	v7 =	vpop (erf)  }
0x11d: {  	v7 =	vadd.f32 v7, v7  }
0x11e: {  	[tilespmem:v6+s28+$0x0] =	vst.idx.msk $0xffff, v5  }
0x11f: {  	s0 =	simm.s32 $0x0;
	s1 =	rddreg [dreg:$0x6];
	[tilespmem:v6+s29+$0x0] =	vst.idx.msk $0xffff, v7  }
0x120: {  	[tilespmem:s20], [sflag:$0x5] =	stream.linear.gather [hbm4b:s1+s0], $0x2800, $0x38;
	[tilespmem:$0x1FB00] =	vst v63  }
0x121: {  	_ =	swait.ge [sflag:s4], $0x2800  }
0x122: {  	[sflag:s4] =	ssyncset.done $0x0  }
0x123: {  	v5 =	vor.u32 s0, v0;
	s18 =	rddreg [dreg:$0xa];
	[sflag:s4] =	ssyncadd.s32 $0xFFFFD800  }
0x124: {  	[tilespmem:s21], [sflag:$0x5] =	stream.linear.gather [hbm4b:s18+s0], $0x2800, $0x38;
	[tilespmem:$0x1FB00] =	vst v63  }
0x125: {  	_ =	swait.ge [sflag:s4], $0x2800  }
0x126: {  	[sflag:s4] =	ssyncset.done $0x0  }
0x127: {  	[sflag:s4] =	ssyncadd.s32 $0xFFFFD800  }
0x128: {  	v7 =	vld.idx.msk [tilespmem:v5+s21+$0x0], $0xffff  }
0x129: {  	v6 =	vld.idx.msk [tilespmem:v5+s20+$0x0], $0xffff;
	_ =	sdelay $0x4  }
0x12a: {  	v9 =	vadd.f32 v6, v6;
	v8 =	vsub.f32 $1.000000000e+00, v7;
	_ =	sdelay $0x1  }
0x12b: {  	s19 =	simm.s32 $0x10;
	v8 =	vmul.f32 v8, v9  }
0x12c: {  	s0 =	simm.s32 $0x20;
	v6 =	vor.u32 s19, v0;
	v7 =	vmul.f32 v7, v9  }
.LBB2_7:
0x12d: {  	p0 =	sne.s32 s0, $0x27F0;
	[tilespmem:v5+s30+$0x0] =	vst.idx.msk $0xffff, v8  }
0x12e: {  	[tilespmem:v5+s31+$0x0] =	vst.idx.msk $0xffff, v7;
	v5 =	vmov v6  }
0x12f: {  	v7 =	vld.idx.msk [tilespmem:v6+s21+$0x0], $0xffff  }
0x130: {  	v6 =	vld.idx.msk [tilespmem:v6+s20+$0x0], $0xffff;
	_ =	sdelay $0x4  }
.Ltmp3:
0x131: {  	(pc) =	sbr.rel @p0 .LBB2_7-.Ltmp3, $4  }
0x132: {  	v8 =	vsub.f32 $1.000000000e+00, v7;
	v9 =	vadd.f32 v6, v6  }
0x133: {  	v6 =	vor.u32 s0, v0  }
0x134: {  	v8 =	vmul.f32 v8, v9;
	v7 =	vmul.f32 v7, v9  }
0x135: {  	s0 =	sadd.s32 $0x10, s0  }
0x136: {  	_ =	sdelay $0x3  }
0x137: {  	[tilespmem:v5+s30+$0x0] =	vst.idx.msk $0xffff, v8  }
0x138: {  	[tilespmem:v5+s31+$0x0] =	vst.idx.msk $0xffff, v7  }
0x139: {  	v5 =	vld.idx.msk [tilespmem:v6+s21+$0x0], $0xffff  }
0x13a: {  	v7 =	vld.idx.msk [tilespmem:v6+s20+$0x0], $0xffff;
	_ =	sdelay $0x4  }
0x13b: {  	v7 =	vadd.f32 v7, v7;
	v61 =	vsub.f32 $1.000000000e+00, v5;
	_ =	sdelay $0x1  }
0x13c: {  	v8 =	vmul.f32 v61, v7  }
0x13d: {  	v5 =	vmul.f32 v5, v7  }
0x13e: {  	s1 =	simm.s32 $0x0;
	[tilespmem:v6+s30+$0x0] =	vst.idx.msk $0xffff, v8  }
0x13f: {  	s0 =	rddreg [dreg:$0x3];
	s2 =	simm.s32 $0x80;
	s11 =	simm.s32 $0x400;
	[tilespmem:v6+s31+$0x0] =	vst.idx.msk $0xffff, v5  }
0x140: {  	[tilespmem:s1], [sflag:$0x5] =	stream.strided.gather [hbm4b:s0+s2], $0x2800, s11, s2, $0x38;
	[tilespmem:$0x1FB00] =	vst v63  }
0x141: {  	_ =	swait.ge [sflag:s4], $0x2800  }
0x142: {  	[sflag:s4] =	ssyncset.done $0x0  }
0x143: {  	v5 =	vor.u32 s1, v0;
	s0 =	simm.s32 $0x10;
	[sflag:s4] =	ssyncadd.s32 $0xFFFFD800  }
.LBB2_9:
0x144: {  	p0 =	sne.s32 s0, $0x27F0  }
.Ltmp4:
0x145: {  	_ = 	snop;
	(pc) =	sbr.rel @p0 .LBB2_9-.Ltmp4, $3  }
0x146: {  	_ =	sdelay $0x1  }
0x147: {  	[tilespmem:v5+s20+$0x0] =	vst.idx.msk $0xffff, v63;
	s1 =	smov.u32 s0;
	s0 =	sadd.s32 $0x10, s0  }
0x148: {  	v5 =	vor.u32 s1, v0  }
0x149: {  	v1 =	vimm.s32 $0x270F;
	_ =	sdelay $0x3  }
0x14a: {  	[tilespmem:v5+s20+$0x0] =	vst.idx.msk $0xffff, v63  }
0x14b: {  	v5 =	vld.idx.msk [tilespmem:v1+s3+$0x0], $0xffff;
	_ =	sdelay $0x4  }
0x14c: {  	(xrf0) =	vmax.scan.msk.f32 $0xffff, v5;
	_ =	sdelay $0x5  }
0x14d: {  	v5, _, _ =	vpop (xrf0)  }
0x14e: {  	(v2sf) =	vpush v5, $0xF;
	_ =	sdelay $0xc  }
0x14f: {  	v1 =	vimm.s32 $0x0;
	_ =	sdelay $0x1  }
0x150: {  	s0 =	spop (v2sf)  }
0x151: {  	s0 =	smax.f32 s0, $9.999999740e-05  }
0x152: {  	s19 =	simm.s32 $0x1ED80;
	v61 =	vmov s0  }
0x153: {  	s1 =	simm.s32 $0x1;
	[tilespmem:v1+s19+$0x0] =	vst.idx.msk $0xffff, v61  }
.LBB2_11:
0x154: {  	s0 =	sadd.s32 $0xFFFFFFFF, s1  }
0x155: {  	[dreg:$0x10] =	wrdreg s1;
	s1 =	sshrl.u32 s0, $0x3  }
0x156: {  	s1 =	smul.u32 $0x14000, s1  }
0x157: {  	s0 =	sshll.u32 s0, $0x7  }
0x158: {  	s0 =	sor.u32 s0, s1  }
0x159: {  	s16 =	rddreg [dreg:$0x3];
	s0 =	sshrl.u32 s0, $0x3  }
0x15a: {  	s17 =	simm.s32 $0x80;
	s2 =	simm.s32 $0x400;
	s0 =	sadd.s32 s16, s0  }
0x15b: {  	[tilespmem:s22], [sflag:$0x5] =	stream.strided.gather [hbm4b:s0+s17], $0x2800, s2, s17, $0x38;
	[tilespmem:$0x1FB00] =	vst v63  }
0x15c: {  	_ =	swait.ge [sflag:s4], $0x2800  }
0x15d: {  	[sflag:s4] =	ssyncset.done $0x0  }
0x15e: {  	s0 =	simm.s32 $0x0;
	[sflag:s4] =	ssyncadd.s32 $0xFFFFD800  }
0x15f: {  	[tilespmem:s5], [sflag:$0x1] =	stream.linear.gather [hbm4b:s12+s0], $0x640, $0x38;
	[tilespmem:$0x1FB00] =	vst v63  }
0x160: {  	_ = 	snop  }
0x161: {  	[tilespmem:s6], [sflag:$0x2] =	stream.linear.gather [hbm4b:s13+s0], $0x640, $0x38;
	[tilespmem:$0x1FB00] =	vst v63  }
0x162: {  	s18 =	rddreg [dreg:$0xd]  }
0x163: {  	[tilespmem:s7], [sflag:$0x3] =	stream.linear.gather [hbm4b:s18+s0], $0x640, $0x38;
	[tilespmem:$0x1FB00] =	vst v63  }
0x164: {  	s19 =	rddreg [dreg:$0xe]  }
0x165: {  	[tilespmem:s8], [sflag:$0x4] =	stream.linear.gather [hbm4b:s19+s0], $0x640, $0x38;
	[tilespmem:$0x1FB00] =	vst v63  }
.LBB2_12:
0x166: {  	_ =	swait.ge [sflag:s9], $0x640;
	s1 =	simm.s32 $0x30  }
0x167: {  	s2 =	simm.s32 $0x20;
	[sflag:s9] =	ssyncset.done $0x0;
	v5 =	vor.u32 s1, v0  }
0x168: {  	v6 =	vor.u32 s2, v0;
	[sflag:s9] =	ssyncadd.s32 $0xFFFFF9C0  }
0x169: {  	s14 =	simm.s32 $0x0;
	_ =	swait.ge [sflag:s10], $0x640  }
0x16a: {  	s15 =	simm.s32 $0x10;
	v7 =	vor.u32 s14, v0;
	[sflag:s10] =	ssyncset.done $0x0  }
0x16b: {  	v8 =	vor.u32 s15, v0;
	[sflag:s10] =	ssyncadd.s32 $0xFFFFF9C0  }
0x16c: {  	v9 =	vld.idx.msk [tilespmem:v5+s5+$0x0], $0xffff  }
0x16d: {  	v10 =	vld.idx.msk [tilespmem:v6+s5+$0x0], $0xffff;
	_ =	sdelay $0x1  }
0x16e: {  	v11 =	vld.idx.msk [tilespmem:v7+s5+$0x0], $0xffff  }
0x16f: {  	v12 =	vld.idx.msk [tilespmem:v8+s5+$0x0], $0xffff  }
0x170: {  	v13 =	vld.idx.msk [tilespmem:v5+s6+$0x0], $0xffff  }
0x171: {  	v14 =	vld.idx.msk [tilespmem:v6+s6+$0x0], $0xffff  }
0x172: {  	v5 =	vld.idx.msk [tilespmem:v7+s6+$0x0], $0xffff  }
0x173: {  	v9 =	vld.idx.msk [tilespmem:v9+s3+$0x0], $0xffff  }
0x174: {  	s16 =	simm.s32 $0x70;
	v10 =	vld.idx.msk [tilespmem:v10+s3+$0x0], $0xffff  }
0x175: {  	s17 =	simm.s32 $0x60;
	v15 =	vor.u32 s16, v0;
	v6 =	vld.idx.msk [tilespmem:v8+s6+$0x0], $0xffff  }
0x176: {  	s18 =	simm.s32 $0x40;
	v7 =	vld.idx.msk [tilespmem:v11+s3+$0x0], $0xffff;
	v11 =	vor.u32 s17, v0  }
0x177: {  	s19 =	simm.s32 $0x50;
	v8 =	vld.idx.msk [tilespmem:v12+s3+$0x0], $0xffff;
	v12 =	vor.u32 s18, v0  }
0x178: {  	v17 =	vor.u32 s19, v0;
	[tilespmem:v13+s20+$0x0] =	vst.idx.add.f32.msk $0xffff, v9  }
0x179: {  	[tilespmem:v14+s20+$0x0] =	vst.idx.add.f32.msk $0xffff, v10  }
0x17a: {  	v13 =	vld.idx.msk [tilespmem:v15+s5+$0x0], $0xffff  }
0x17b: {  	v14 =	vld.idx.msk [tilespmem:v11+s5+$0x0], $0xffff  }
0x17c: {  	v18 =	vld.idx.msk [tilespmem:v12+s5+$0x0], $0xffff  }
0x17d: {  	v16 =	vld.idx.msk [tilespmem:v17+s5+$0x0], $0xffff  }
0x17e: {  	v10 =	vld.idx.msk [tilespmem:v12+s6+$0x0], $0xffff  }
0x17f: {  	v9 =	vld.idx.msk [tilespmem:v17+s6+$0x0], $0xffff  }
0x180: {  	v12 =	vld.idx.msk [tilespmem:v15+s6+$0x0], $0xffff  }
0x181: {  	v11 =	vld.idx.msk [tilespmem:v11+s6+$0x0], $0xffff  }
0x182: {  	v15 =	vld.idx.msk [tilespmem:v13+s3+$0x0], $0xffff  }
0x183: {  	v14 =	vld.idx.msk [tilespmem:v14+s3+$0x0], $0xffff  }
0x184: {  	s1 =	simm.s32 $0x4;
	s2 =	simm.s32 $0xB0;
	v13 =	vld.idx.msk [tilespmem:v18+s3+$0x0], $0xffff  }
.LBB2_13:
0x185: {  	s4 =	sadd.s32 $0xFFFFFFE0, s2;
	s15 =	sadd.s32 $0xFFFFFFF0, s2;
	v17 =	vor.u32 s2, v0;
	s1 =	sadd.s32 $0x4, s1;
	v16 =	vld.idx.msk [tilespmem:v16+s3+$0x0], $0xffff  }
0x186: {  	s16 =	sadd.s32 $0xFFFFFFD0, s2;
	v18 =	vor.u32 s4, v0;
	v19 =	vor.u32 s15, v0;
	p0 =	slt.u32 s1, $0x60;
	[tilespmem:v5+s20+$0x0] =	vst.idx.add.f32.msk $0xffff, v7;
	v5 =	vmov v10  }
0x187: {  	v10 =	vor.u32 s16, v0;
	[tilespmem:v6+s20+$0x0] =	vst.idx.add.f32.msk $0xffff, v8;
	v6 =	vmov v9  }
0x188: {  	[tilespmem:v12+s20+$0x0] =	vst.idx.add.f32.msk $0xffff, v15  }
0x189: {  	[tilespmem:v11+s20+$0x0] =	vst.idx.add.f32.msk $0xffff, v14  }
0x18a: {  	v7 =	vmov v13;
	v14 =	vld.idx.msk [tilespmem:v17+s5+$0x0], $0xffff  }
0x18b: {  	v8 =	vmov v16;
	v13 =	vld.idx.msk [tilespmem:v19+s5+$0x0], $0xffff  }
0x18c: {  	v20 =	vld.idx.msk [tilespmem:v10+s5+$0x0], $0xffff  }
0x18d: {  	v16 =	vld.idx.msk [tilespmem:v18+s5+$0x0], $0xffff  }
0x18e: {  	v10 =	vld.idx.msk [tilespmem:v10+s6+$0x0], $0xffff  }
0x18f: {  	v9 =	vld.idx.msk [tilespmem:v18+s6+$0x0], $0xffff  }
.Ltmp5:
0x190: {  	v12 =	vld.idx.msk [tilespmem:v17+s6+$0x0], $0xffff;
	(pc) =	sbr.rel @p0 .LBB2_13-.Ltmp5, $4  }
0x191: {  	v11 =	vld.idx.msk [tilespmem:v19+s6+$0x0], $0xffff  }
0x192: {  	v15 =	vld.idx.msk [tilespmem:v14+s3+$0x0], $0xffff  }
0x193: {  	v14 =	vld.idx.msk [tilespmem:v13+s3+$0x0], $0xffff  }
0x194: {  	s2 =	sadd.s32 $0x40, s2;
	v13 =	vld.idx.msk [tilespmem:v20+s3+$0x0], $0xffff  }
0x195: {  	_ =	sdelay $0x3  }
0x196: {  	v16 =	vld.idx.msk [tilespmem:v16+s3+$0x0], $0xffff  }
0x197: {  	[tilespmem:v5+s20+$0x0] =	vst.idx.add.f32.msk $0xffff, v7;
	s1 =	smul.u32 $0xC80, s0  }
0x198: {  	[tilespmem:v6+s20+$0x0] =	vst.idx.add.f32.msk $0xffff, v8  }
0x199: {  	[tilespmem:v12+s20+$0x0] =	vst.idx.add.f32.msk $0xffff, v15;
	s2 =	smin.u32 s1, $0x25E40  }
0x19a: {  	[tilespmem:v11+s20+$0x0] =	vst.idx.add.f32.msk $0xffff, v14;
	s2 =	sshrl.u32 s2, $0x3  }
0x19b: {  	[tilespmem:v10+s20+$0x0] =	vst.idx.add.f32.msk $0xffff, v13;
	s2 =	sadd.s32 $0x190, s2  }
0x19c: {  	[tilespmem:v9+s20+$0x0] =	vst.idx.add.f32.msk $0xffff, v16;
	s4 =	sadd.s32 s12, s2  }
0x19d: {  	[tilespmem:s5], [sflag:$0x1] =	stream.linear.gather [hbm4b:s4+s3], $0x640, $0x38;
	[tilespmem:$0x1FB00] =	vst v63  }
0x19e: {  	s11 =	simm.s32 $0x3;
	s2 =	sadd.s32 s13, s2  }
0x19f: {  	[tilespmem:s6], [sflag:$0x2] =	stream.linear.gather [hbm4b:s2+s3], $0x640, $0x38;
	[tilespmem:$0x1FB00] =	vst v63  }
0x1a0: {  	s18 =	simm.s32 $0x30;
	_ =	swait.ge [sflag:s11], $0x640  }
0x1a1: {  	s19 =	simm.s32 $0x20;
	v5 =	vor.u32 s18, v0;
	[sflag:s11] =	ssyncset.done $0x0  }
0x1a2: {  	v6 =	vor.u32 s19, v0;
	s4 =	simm.s32 $0x4;
	[sflag:s11] =	ssyncadd.s32 $0xFFFFF9C0  }
0x1a3: {  	s14 =	simm.s32 $0x0;
	_ =	swait.ge [sflag:s4], $0x640  }
0x1a4: {  	s15 =	simm.s32 $0x10;
	v7 =	vor.u32 s14, v0;
	[sflag:s4] =	ssyncset.done $0x0  }
0x1a5: {  	v8 =	vor.u32 s15, v0;
	[sflag:s4] =	ssyncadd.s32 $0xFFFFF9C0  }
0x1a6: {  	v9 =	vld.idx.msk [tilespmem:v5+s7+$0x0], $0xffff  }
0x1a7: {  	v10 =	vld.idx.msk [tilespmem:v6+s7+$0x0], $0xffff;
	_ =	sdelay $0x1  }
0x1a8: {  	v11 =	vld.idx.msk [tilespmem:v7+s7+$0x0], $0xffff  }
0x1a9: {  	v12 =	vld.idx.msk [tilespmem:v8+s7+$0x0], $0xffff  }
0x1aa: {  	v13 =	vld.idx.msk [tilespmem:v5+s8+$0x0], $0xffff  }
0x1ab: {  	v14 =	vld.idx.msk [tilespmem:v6+s8+$0x0], $0xffff  }
0x1ac: {  	v5 =	vld.idx.msk [tilespmem:v7+s8+$0x0], $0xffff  }
0x1ad: {  	v9 =	vld.idx.msk [tilespmem:v9+s3+$0x0], $0xffff  }
0x1ae: {  	s16 =	simm.s32 $0x70;
	v10 =	vld.idx.msk [tilespmem:v10+s3+$0x0], $0xffff  }
0x1af: {  	s17 =	simm.s32 $0x60;
	v15 =	vor.u32 s16, v0;
	v6 =	vld.idx.msk [tilespmem:v8+s8+$0x0], $0xffff  }
0x1b0: {  	s18 =	simm.s32 $0x40;
	v7 =	vld.idx.msk [tilespmem:v11+s3+$0x0], $0xffff;
	v11 =	vor.u32 s17, v0  }
0x1b1: {  	s19 =	simm.s32 $0x50;
	v8 =	vld.idx.msk [tilespmem:v12+s3+$0x0], $0xffff;
	v12 =	vor.u32 s18, v0  }
0x1b2: {  	v17 =	vor.u32 s19, v0;
	[tilespmem:v13+s20+$0x0] =	vst.idx.add.f32.msk $0xffff, v9  }
0x1b3: {  	[tilespmem:v14+s20+$0x0] =	vst.idx.add.f32.msk $0xffff, v10  }
0x1b4: {  	v13 =	vld.idx.msk [tilespmem:v15+s7+$0x0], $0xffff  }
0x1b5: {  	v14 =	vld.idx.msk [tilespmem:v11+s7+$0x0], $0xffff  }
0x1b6: {  	v18 =	vld.idx.msk [tilespmem:v12+s7+$0x0], $0xffff  }
0x1b7: {  	v16 =	vld.idx.msk [tilespmem:v17+s7+$0x0], $0xffff  }
0x1b8: {  	v10 =	vld.idx.msk [tilespmem:v12+s8+$0x0], $0xffff  }
0x1b9: {  	v9 =	vld.idx.msk [tilespmem:v17+s8+$0x0], $0xffff  }
0x1ba: {  	v12 =	vld.idx.msk [tilespmem:v15+s8+$0x0], $0xffff  }
0x1bb: {  	v11 =	vld.idx.msk [tilespmem:v11+s8+$0x0], $0xffff  }
0x1bc: {  	v15 =	vld.idx.msk [tilespmem:v13+s3+$0x0], $0xffff  }
0x1bd: {  	v14 =	vld.idx.msk [tilespmem:v14+s3+$0x0], $0xffff  }
0x1be: {  	s2 =	simm.s32 $0x4;
	s4 =	simm.s32 $0xB0;
	v13 =	vld.idx.msk [tilespmem:v18+s3+$0x0], $0xffff  }
.LBB2_15:
0x1bf: {  	s15 =	sadd.s32 $0xFFFFFFE0, s4;
	s16 =	sadd.s32 $0xFFFFFFF0, s4;
	v17 =	vor.u32 s4, v0;
	s2 =	sadd.s32 $0x4, s2;
	v16 =	vld.idx.msk [tilespmem:v16+s3+$0x0], $0xffff  }
0x1c0: {  	s17 =	sadd.s32 $0xFFFFFFD0, s4;
	v18 =	vor.u32 s15, v0;
	v19 =	vor.u32 s16, v0;
	p0 =	slt.u32 s2, $0x60;
	[tilespmem:v5+s20+$0x0] =	vst.idx.add.f32.msk $0xffff, v7;
	v5 =	vmov v10  }
0x1c1: {  	v10 =	vor.u32 s17, v0;
	[tilespmem:v6+s20+$0x0] =	vst.idx.add.f32.msk $0xffff, v8;
	v6 =	vmov v9  }
0x1c2: {  	[tilespmem:v12+s20+$0x0] =	vst.idx.add.f32.msk $0xffff, v15  }
0x1c3: {  	[tilespmem:v11+s20+$0x0] =	vst.idx.add.f32.msk $0xffff, v14  }
0x1c4: {  	v7 =	vmov v13;
	v14 =	vld.idx.msk [tilespmem:v17+s7+$0x0], $0xffff  }
0x1c5: {  	v8 =	vmov v16;
	v13 =	vld.idx.msk [tilespmem:v19+s7+$0x0], $0xffff  }
0x1c6: {  	v20 =	vld.idx.msk [tilespmem:v10+s7+$0x0], $0xffff  }
0x1c7: {  	v16 =	vld.idx.msk [tilespmem:v18+s7+$0x0], $0xffff  }
0x1c8: {  	v10 =	vld.idx.msk [tilespmem:v10+s8+$0x0], $0xffff  }
0x1c9: {  	v9 =	vld.idx.msk [tilespmem:v18+s8+$0x0], $0xffff  }
.Ltmp6:
0x1ca: {  	v12 =	vld.idx.msk [tilespmem:v17+s8+$0x0], $0xffff;
	(pc) =	sbr.rel @p0 .LBB2_15-.Ltmp6, $4  }
0x1cb: {  	v11 =	vld.idx.msk [tilespmem:v19+s8+$0x0], $0xffff  }
0x1cc: {  	v15 =	vld.idx.msk [tilespmem:v14+s3+$0x0], $0xffff  }
0x1cd: {  	v14 =	vld.idx.msk [tilespmem:v13+s3+$0x0], $0xffff  }
0x1ce: {  	s4 =	sadd.s32 $0x40, s4;
	v13 =	vld.idx.msk [tilespmem:v20+s3+$0x0], $0xffff  }
0x1cf: {  	_ =	sdelay $0x3  }
0x1d0: {  	v16 =	vld.idx.msk [tilespmem:v16+s3+$0x0], $0xffff  }
0x1d1: {  	[tilespmem:v5+s20+$0x0] =	vst.idx.add.f32.msk $0xffff, v7  }
0x1d2: {  	[tilespmem:v6+s20+$0x0] =	vst.idx.add.f32.msk $0xffff, v8  }
0x1d3: {  	s1 =	smin.u32 s1, $0x25800;
	s0 =	sadd.s32 $0x1, s0;
	[tilespmem:v12+s20+$0x0] =	vst.idx.add.f32.msk $0xffff, v15  }
0x1d4: {  	s1 =	sshrl.u32 s1, $0x3;
	p0 =	sne.s32 s0, $0x32;
	[tilespmem:v11+s20+$0x0] =	vst.idx.add.f32.msk $0xffff, v14  }
.Ltmp7:
0x1d5: {  	s1 =	sadd.s32 $0x258, s1;
	[tilespmem:v10+s20+$0x0] =	vst.idx.add.f32.msk $0xffff, v13;
	(pc) =	sbr.rel @p0 .LBB2_12-.Ltmp7, $4  }
0x1d6: {  	s2 =	sadd.s32 s12, s1;
	[tilespmem:v9+s20+$0x0] =	vst.idx.add.f32.msk $0xffff, v16  }
0x1d7: {  	[tilespmem:s7], [sflag:$0x3] =	stream.linear.gather [hbm4b:s2+s3], $0x640, $0x38;
	[tilespmem:$0x1FB00] =	vst v63  }
0x1d8: {  	s1 =	sadd.s32 s13, s1  }
0x1d9: {  	[tilespmem:s8], [sflag:$0x4] =	stream.linear.gather [hbm4b:s1+s3], $0x640, $0x38;
	[tilespmem:$0x1FB00] =	vst v63  }
0x1da: {  	_ =	swait.ge [sflag:s9], $0x640  }
0x1db: {  	[sflag:s9] =	ssyncset.done $0x0  }
0x1dc: {  	[sflag:s9] =	ssyncadd.s32 $0xFFFFF9C0  }
0x1dd: {  	_ =	swait.ge [sflag:s10], $0x640  }
0x1de: {  	[sflag:s10] =	ssyncset.done $0x0  }
0x1df: {  	s0 =	simm.s32 $0x3;
	[sflag:s10] =	ssyncadd.s32 $0xFFFFF9C0  }
0x1e0: {  	s1 =	simm.s32 $0x0;
	_ =	swait.ge [sflag:s0], $0x640  }
0x1e1: {  	v21 =	vor.u32 s1, v0;
	[sflag:s0] =	ssyncset.done $0x0  }
0x1e2: {  	s15 =	simm.s32 $0x4;
	[sflag:s0] =	ssyncadd.s32 $0xFFFFF9C0  }
0x1e3: {  	_ =	swait.ge [sflag:s15], $0x640  }
0x1e4: {  	[sflag:s15] =	ssyncset.done $0x0  }
0x1e5: {  	[sflag:s15] =	ssyncadd.s32 $0xFFFFF9C0  }
0x1e6: {  	v17 =	vld.idx.msk [tilespmem:v21+s3+$0x0], $0xffff  }
0x1e7: {  	v5 =	vld.idx.msk [tilespmem:v21+s23+$0x0], $0xffff;
	_ =	sdelay $0x4  }
0x1e8: {  	v6 =	vmul.f32 v5, v17;
	_ =	sdelay $0x1  }
0x1e9: {  	v5 =	vand.u32 $0x7FFFFF, v6  }
0x1ea: {  	v7 =	vor.u32 $0x3F800000, v5  }
0x1eb: {  	v8 =	vmul.f32 $5.000000000e-01, v7  }
0x1ec: {  	s16 =	simm.s32 $0x10;
	vm1 =	vgt.f32 v7, $1.414213540e+00  }
0x1ed: {  	v5 =	vor.u32 s16, v0;
	v8 =	vsel vm1, v8, v7  }
0x1ee: {  	v7 =	vadd.f32 $1.000000000e+00, v8;
	_ =	sdelay $0x1  }
0x1ef: {  	(erf) = vrcp.f32 v7;
	_ =	sdelay $0x1  }
0x1f0: {  	v61 =	vld.idx.msk [tilespmem:v5+s3+$0x0], $0xffff  }
0x1f1: {  	v9 =	vld.idx.msk [tilespmem:v5+s23+$0x0], $0xffff;
	_ =	sdelay $0x4  }
0x1f2: {  	v8 =	vadd.f32 $-1.000000000e+00, v8;
	v9 =	vmul.f32 v9, v61  }
0x1f3: {  	v10 =	vpop (erf)  }
0x1f4: {  	v11 =	vand.u32 $0x7FFFFF, v9;
	v8 =	vmul.f32 v10, v8  }
0x1f5: {  	v10 =	vor.u32 $0x3F800000, v11  }
0x1f6: {  	v11 =	vmul.f32 $5.000000000e-01, v10;
	v12 =	vmul.f32 v8, v8  }
0x1f7: {  	vm0 =	vgt.f32 v10, $1.414213540e+00  }
0x1f8: {  	v10 =	vsel vm0, v11, v10;
	v11 =	vmul.f32 $1.111111120e-01, v12  }
0x1f9: {  	v13 =	vadd.f32 $1.000000000e+00, v10  }
0x1fa: {  	v11 =	vadd.f32 $1.428571490e-01, v11  }
0x1fb: {  	(erf) = vrcp.f32 v13  }
0x1fc: {  	v11 =	vmul.f32 v11, v12;
	_ =	sdelay $0x1  }
0x1fd: {  	v11 =	vadd.f32 $2.000000030e-01, v11;
	_ =	sdelay $0x1  }
0x1fe: {  	v11 =	vmul.f32 v11, v12;
	_ =	sdelay $0x1  }
0x1ff: {  	v11 =	vadd.f32 $3.333333430e-01, v11  }
0x200: {  	v10 =	vadd.f32 $-1.000000000e+00, v10  }
0x201: {  	v6 =	vshra.s32 v6, $0x17;
	v14 =	vsel vm1, $0xFFFFFF82, v62;
	v13 =	vpop (erf);
	v11 =	vmul.f32 v11, v12  }
0x202: {  	v6 =	vadd.s32 v6, v14;
	v10 =	vmul.f32 v13, v10  }
0x203: {  	v6 =	vcvt.s32.f32 v6;
	v8 =	vadd.f32 v8, v8;
	v11 =	vadd.f32 $1.000000000e+00, v11  }
0x204: {  	v13 =	vld.idx.msk [tilespmem:v21+s24+$0x0], $0xffff;
	v12 =	vmul.f32 v10, v10  }
0x205: {  	v6 =	vmul.f32 $6.931471820e-01, v6;
	v8 =	vmul.f32 v11, v8  }
0x206: {  	v11 =	vmul.f32 $1.111111120e-01, v12  }
0x207: {  	v6 =	vadd.f32 v8, v6  }
0x208: {  	v8 =	vadd.f32 $1.428571490e-01, v11  }
0x209: {  	v6 =	vmul.f32 v6, v13  }
0x20a: {  	v8 =	vmul.f32 v8, v12  }
0x20b: {  	s16 =	simm.s32 $0x20;
	v6 =	vmul.f32 $1.442695020e+00, v6  }
0x20c: {  	v22 =	vor.u32 s16, v0;
	v8 =	vadd.f32 $2.000000030e-01, v8  }
0x20d: {  	(erf) = vpow2.f32 v6  }
0x20e: {  	v6 =	vmul.f32 v8, v12;
	_ =	sdelay $0x1  }
0x20f: {  	v6 =	vadd.f32 $3.333333430e-01, v6  }
0x210: {  	v19 =	vld.idx.msk [tilespmem:v22+s3+$0x0], $0xffff;
	v9 =	vshra.s32 v9, $0x17;
	v11 =	vsel vm0, $0xFFFFFF82, v62  }
0x211: {  	v9 =	vadd.s32 v9, v11;
	v11 =	vld.idx.msk [tilespmem:v21+s26+$0x0], $0xffff;
	v6 =	vmul.f32 v6, v12  }
0x212: {  	v12 =	vld.idx.msk [tilespmem:v21+s28+$0x0], $0xffff  }
0x213: {  	v10 =	vadd.f32 v10, v10;
	v9 =	vcvt.s32.f32 v9;
	v13 =	vld.idx.msk [tilespmem:v22+s23+$0x0], $0xffff;
	v6 =	vadd.f32 $1.000000000e+00, v6  }
0x214: {  	v8 =	vld.idx.msk [tilespmem:v5+s24+$0x0], $0xffff  }
0x215: {  	v9 =	vmul.f32 $6.931471820e-01, v9;
	v6 =	vmul.f32 v6, v10;
	v10 =	vld.idx.msk [tilespmem:v21+s29+$0x0], $0xffff;
	v14 =	vpop (erf)  }
0x216: {  	v14 =	vmax.f32 v14, $9.999999770e-03  }
0x217: {  	v6 =	vadd.f32 v6, v9;
	v9 =	vmul.f32 v14, v12;
	_ =	sdelay $0x1  }
0x218: {  	v6 =	vmul.f32 v6, v8;
	v8 =	vsub.f32 v11, v9;
	v9 =	vmul.f32 v13, v19  }
0x219: {  	v10 =	vmul.f32 v14, v10  }
0x21a: {  	s17 =	simm.s32 $0x30;
	v12 =	vmul.f32 $1.442695020e+00, v6;
	v13 =	vmax.f32 v8, $1.000000010e-01;
	v8 =	vand.u32 $0x7FFFFF, v9  }
0x21b: {  	v1 =	vor.u32 s17, v0;
	v8 =	vor.u32 $0x3F800000, v8  }
0x21c: {  	v10 =	vadd.f32 v13, v10;
	(erf) = vpow2.f32 v12;
	v12 =	vmul.f32 $5.000000000e-01, v8  }
0x21d: {  	vm2 =	vgt.f32 v8, $1.414213540e+00  }
0x21e: {  	(erf) = vrcp.f32 v10;
	v10 =	vsel vm2, v12, v8  }
0x21f: {  	v12 =	vadd.f32 $1.000000000e+00, v10  }
0x220: {  	v2 =	vld.idx.msk [tilespmem:v1+s3+$0x0], $0xffff  }
0x221: {  	v15 =	vld.idx.msk [tilespmem:v1+s23+$0x0], $0xffff;
	(erf) = vrcp.f32 v12  }
0x222: {  	v11 =	vadd.f32 v13, v11;
	_ =	sdelay $0x1  }
0x223: {  	v11 =	vmul.f32 v11, v14;
	_ =	sdelay $0x1  }
0x224: {  	v13 =	vmul.f32 v15, v2;
	v11 =	vmul.f32 $5.000000000e-01, v11;
	v12 =	vpop (erf)  }
0x225: {  	v14 =	vpop (erf)  }
0x226: {  	v11 =	vmul.f32 v11, v14;
	v14 =	vand.u32 $0x7FFFFF, v13  }
0x227: {  	v10 =	vadd.f32 $-1.000000000e+00, v10;
	v14 =	vor.u32 $0x3F800000, v14  }
0x228: {  	v15 =	vand.u32 $0x7FFFFF, v11;
	v16 =	vmul.f32 $5.000000000e-01, v14;
	v18 =	vpop (erf)  }
0x229: {  	vm1 =	vgt.f32 v14, $1.414213540e+00;
	v15 =	vor.u32 $0x3F800000, v15;
	v10 =	vmul.f32 v18, v10  }
0x22a: {  	v20 =	vmul.f32 $5.000000000e-01, v15;
	v14 =	vsel vm1, v16, v14  }
0x22b: {  	[tilespmem:$0x1FFB0] =	vst v2;
	vm0 =	vgt.f32 v15, $1.414213540e+00;
	v16 =	vadd.f32 $1.000000000e+00, v14;
	v18 =	vmul.f32 v10, v10  }
0x22c: {  	v15 =	vsel vm0, v20, v15;
	v20 =	vld.idx.msk [tilespmem:v5+s28+$0x0], $0xffff  }
0x22d: {  	v23 =	vadd.f32 $1.000000000e+00, v15;
	(erf) = vrcp.f32 v16;
	v16 =	vmul.f32 $1.111111120e-01, v18  }
0x22e: {  	v24 =	vld.idx.msk [tilespmem:v5+s26+$0x0], $0xffff  }
0x22f: {  	(erf) = vrcp.f32 v23;
	v23 =	vld.idx.msk [tilespmem:v5+s29+$0x0], $0xffff;
	v16 =	vadd.f32 $1.428571490e-01, v16  }
0x230: {  	v12 =	vmax.f32 v12, $9.999999770e-03  }
0x231: {  	v20 =	vmul.f32 v12, v20;
	v16 =	vmul.f32 v16, v18;
	_ =	sdelay $0x1  }
0x232: {  	v20 =	vsub.f32 v24, v20;
	v16 =	vadd.f32 $2.000000030e-01, v16  }
0x233: {  	v23 =	vmul.f32 v12, v23  }
0x234: {  	v20 =	vmax.f32 v20, $1.000000010e-01;
	v16 =	vmul.f32 v16, v18  }
0x235: {  	v23 =	vadd.f32 v20, v23  }
0x236: {  	v9 =	vshra.s32 v9, $0x17;
	v15 =	vadd.f32 $-1.000000000e+00, v15;
	v25 =	vpop (erf);
	v16 =	vadd.f32 $3.333333430e-01, v16  }
0x237: {  	v14 =	vadd.f32 $-1.000000000e+00, v14;
	v26 =	vpop (erf);
	(erf) = vrcp.f32 v23;
	v23 =	vsel vm2, $0xFFFFFF82, v62  }
0x238: {  	v15 =	vmul.f32 v26, v15;
	v9 =	vadd.s32 v9, v23;
	v16 =	vmul.f32 v16, v18  }
0x239: {  	v14 =	vmul.f32 v25, v14;
	v9 =	vcvt.s32.f32 v9  }
0x23a: {  	v10 =	vadd.f32 v10, v10;
	v18 =	vmul.f32 v15, v15;
	v16 =	vadd.f32 $1.000000000e+00, v16  }
0x23b: {  	v23 =	vmul.f32 v14, v14;
	v26 =	vld.idx.msk [tilespmem:v22+s24+$0x0], $0xffff;
	v9 =	vmul.f32 $6.931471820e-01, v9  }
0x23c: {  	v25 =	vmul.f32 $1.111111120e-01, v18;
	v10 =	vmul.f32 v16, v10  }
0x23d: {  	v16 =	vmul.f32 $1.111111120e-01, v23  }
0x23e: {  	v25 =	vadd.f32 $1.428571490e-01, v25;
	v9 =	vadd.f32 v10, v9  }
0x23f: {  	v10 =	vadd.f32 v20, v24;
	v16 =	vadd.f32 $1.428571490e-01, v16  }
0x240: {  	v20 =	vmul.f32 v25, v18;
	v9 =	vmul.f32 v9, v26  }
0x241: {  	v10 =	vmul.f32 v10, v12;
	v12 =	vmul.f32 v16, v23  }
0x242: {  	v16 =	vadd.f32 $2.000000030e-01, v20;
	v9 =	vmul.f32 $1.442695020e+00, v9  }
0x243: {  	s2 =	simm.s32 $0x40;
	v10 =	vmul.f32 $5.000000000e-01, v10;
	v12 =	vadd.f32 $2.000000030e-01, v12  }
0x244: {  	v26 =	vor.u32 s2, v0;
	v20 =	vpop (erf);
	v16 =	vmul.f32 v16, v18;
	(erf) = vpow2.f32 v9  }
0x245: {  	v13 =	vshra.s32 v13, $0x17;
	v20 =	vmul.f32 v10, v20;
	v10 =	vmul.f32 v12, v23  }
0x246: {  	v11 =	vshra.s32 v11, $0x17;
	v9 =	vsel vm1, $0xFFFFFF82, v62;
	v12 =	vadd.f32 $3.333333430e-01, v16  }
0x247: {  	v9 =	vadd.s32 v13, v9;
	v13 =	vand.u32 $0x7FFFFF, v20;
	v10 =	vadd.f32 $3.333333430e-01, v10  }
0x248: {  	v24 =	vsel vm0, $0xFFFFFF82, v62;
	v12 =	vmul.f32 v12, v18;
	v13 =	vor.u32 $0x3F800000, v13  }
0x249: {  	v11 =	vadd.s32 v11, v24;
	v24 =	vld.idx.msk [tilespmem:v26+s3+$0x0], $0xffff;
	v10 =	vmul.f32 v10, v23;
	v25 =	vmul.f32 $5.000000000e-01, v13  }
0x24a: {  	v15 =	vadd.f32 v15, v15;
	v11 =	vcvt.s32.f32 v11;
	v18 =	vld.idx.msk [tilespmem:v22+s28+$0x0], $0xffff;
	v12 =	vadd.f32 $1.000000000e+00, v12  }
0x24b: {  	v14 =	vadd.f32 v14, v14;
	v9 =	vcvt.s32.f32 v9;
	v23 =	vld.idx.msk [tilespmem:v22+s26+$0x0], $0xffff;
	v10 =	vadd.f32 $1.000000000e+00, v10  }
0x24c: {  	v11 =	vmul.f32 $6.931471820e-01, v11;
	vm1 =	vgt.f32 v13, $1.414213540e+00;
	v12 =	vmul.f32 v12, v15;
	v15 =	vld.idx.msk [tilespmem:v26+s23+$0x0], $0xffff  }
0x24d: {  	v16 =	vld.idx.msk [tilespmem:v1+s24+$0x0], $0xffff;
	v9 =	vmul.f32 $6.931471820e-01, v9;
	v13 =	vsel vm1, v25, v13;
	v10 =	vmul.f32 v10, v14;
	v25 =	vpop (erf)  }
0x24e: {  	v14 =	vld.idx.msk [tilespmem:v22+s29+$0x0], $0xffff;
	v11 =	vadd.f32 v12, v11;
	v12 =	vmax.f32 v25, $9.999999770e-03  }
0x24f: {  	v9 =	vadd.f32 v10, v9;
	v10 =	vmul.f32 v12, v18  }
0x250: {  	s18 =	simm.s32 $0x50;
	v11 =	vmul.f32 $6.666666860e-01, v11  }
0x251: {  	v2 =	vor.u32 s18, v0;
	v15 =	vmul.f32 v15, v24;
	v10 =	vsub.f32 v23, v10  }
0x252: {  	v27 =	vadd.f32 $1.000000000e+00, v13;
	v16 =	vmul.f32 v9, v16;
	v11 =	vmul.f32 $1.442695020e+00, v11  }
0x253: {  	v14 =	vmul.f32 v12, v14;
	v18 =	vmax.f32 v10, $1.000000010e-01;
	v10 =	vand.u32 $0x7FFFFF, v15  }
0x254: {  	(erf) = vrcp.f32 v27;
	v16 =	vmul.f32 $1.442695020e+00, v16;
	v10 =	vor.u32 $0x3F800000, v10  }
0x255: {  	(erf) = vpow2.f32 v11;
	v11 =	vadd.f32 v18, v14;
	v14 =	vmul.f32 $5.000000000e-01, v10  }
0x256: {  	(erf) = vpow2.f32 v16;
	vm3 =	vgt.f32 v10, $1.414213540e+00  }
0x257: {  	(erf) = vrcp.f32 v11;
	v11 =	vsel vm3, v14, v10  }
0x258: {  	v14 =	vadd.f32 $1.000000000e+00, v11  }
0x259: {  	v3 =	vld.idx.msk [tilespmem:v2+s3+$0x0], $0xffff  }
0x25a: {  	v16 =	vld.idx.msk [tilespmem:v2+s23+$0x0], $0xffff;
	v18 =	vadd.f32 v18, v23;
	(erf) = vrcp.f32 v14  }
0x25b: {  	v23 =	vld.idx.msk [tilespmem:v21+s25+$0x0], $0xffff;
	_ =	sdelay $0x1  }
0x25c: {  	v12 =	vmul.f32 v18, v12;
	v14 =	vpop (erf)  }
0x25d: {  	v18 =	vpop (erf)  }
0x25e: {  	v12 =	vmul.f32 $5.000000000e-01, v12;
	v16 =	vmul.f32 v16, v3;
	v25 =	vpop (erf)  }
0x25f: {  	v18 =	vmul.f32 v18, v23;
	v27 =	vpop (erf)  }
0x260: {  	v28 =	vand.u32 $0x7FFFFF, v16;
	v12 =	vmul.f32 v12, v27  }
0x261: {  	v11 =	vadd.f32 $-1.000000000e+00, v11;
	v27 =	vor.u32 $0x3F800000, v28;
	v18 =	vmax.f32 v18, $3.000000120e-01  }
0x262: {  	vm2 =	vgt.f32 v27, $1.414213540e+00;
	v28 =	vmul.f32 $5.000000000e-01, v27;
	v23 =	vand.u32 $0x7FFFFF, v12;
	v29 =	vpop (erf)  }
0x263: {  	v18 =	vmin.f32 v18, $1.500000000e+01;
	v23 =	vor.u32 $0x3F800000, v23;
	v11 =	vmul.f32 v29, v11  }
0x264: {  	v18 =	vmul.f32 $1.666666630e+00, v18;
	v27 =	vsel vm2, v28, v27;
	v30 =	vmul.f32 $5.000000000e-01, v23  }
0x265: {  	vm0 =	vgt.f32 v23, $1.414213540e+00;
	v28 =	vadd.f32 $1.000000000e+00, v27;
	v29 =	vmul.f32 v11, v11  }
0x266: {  	(erf) = vrcp.f32 v18;
	v23 =	vsel vm0, v30, v23  }
0x267: {  	(erf) = vrcp.f32 v28;
	v18 =	vadd.f32 $1.000000000e+00, v23;
	v28 =	vmul.f32 $1.111111120e-01, v29  }
0x268: {  	v20 =	vshra.s32 v20, $0x17;
	v16 =	vshra.s32 v16, $0x17  }
0x269: {  	[tilespmem:$0x1FFC0] =	vst v3;
	v37 =	vsel vm2, $0xFFFFFF82, v62;
	(erf) = vrcp.f32 v18;
	v28 =	vadd.f32 $1.428571490e-01, v28  }
0x26a: {  	v13 =	vadd.f32 $-1.000000000e+00, v13;
	v16 =	vadd.s32 v16, v37;
	v30 =	vld.idx.msk [tilespmem:v1+s28+$0x0], $0xffff;
	v18 =	vsel vm1, $0xFFFFFF82, v62  }
0x26b: {  	v16 =	vcvt.s32.f32 v16;
	v18 =	vadd.s32 v20, v18;
	v20 =	vmul.f32 v28, v29  }
0x26c: {  	v15 =	vshra.s32 v15, $0x17;
	v31 =	vld.idx.msk [tilespmem:v1+s26+$0x0], $0xffff;
	v13 =	vmul.f32 v14, v13  }
0x26d: {  	v32 =	vld.idx.msk [tilespmem:v1+s29+$0x0], $0xffff;
	v27 =	vadd.f32 $-1.000000000e+00, v27;
	v16 =	vmul.f32 $6.931471820e-01, v16;
	v20 =	vadd.f32 $2.000000030e-01, v20  }
0x26e: {  	v14 =	vcvt.s32.f32 v18;
	v18 =	vmax.f32 v25, $9.999999770e-03;
	v25 =	vmul.f32 v13, v13  }
0x26f: {  	v11 =	vadd.f32 v11, v11;
	v28 =	vmul.f32 v18, v30;
	v20 =	vmul.f32 v20, v29  }
0x270: {  	v23 =	vadd.f32 $-1.000000000e+00, v23;
	v30 =	vsel vm3, $0xFFFFFF82, v62;
	v33 =	vmul.f32 $1.111111120e-01, v25;
	v34 =	vpop (erf)  }
0x271: {  	v15 =	vadd.s32 v15, v30;
	v28 =	vsub.f32 v31, v28;
	v35 =	vpop (erf);
	v20 =	vadd.f32 $3.333333430e-01, v20  }
0x272: {  	v32 =	vmul.f32 v18, v32;
	v15 =	vcvt.s32.f32 v15;
	v33 =	vadd.f32 $1.428571490e-01, v33;
	v36 =	vpop (erf)  }
0x273: {  	v28 =	vmax.f32 v28, $1.000000010e-01;
	v23 =	vmul.f32 v36, v23;
	v20 =	vmul.f32 v20, v29  }
0x274: {  	v27 =	vmul.f32 v35, v27;
	v32 =	vadd.f32 v28, v32;
	v33 =	vmul.f32 v33, v25  }
0x275: {  	v15 =	vmul.f32 $6.931471820e-01, v15;
	v29 =	vld.idx.msk [tilespmem:v21+s30+$0x0], $0xffff;
	v30 =	vmul.f32 v23, v23;
	v20 =	vadd.f32 $1.000000000e+00, v20  }
0x276: {  	v50 =	vld.idx.msk [tilespmem:v26+s24+$0x0], $0xffff;
	v48 =	vmul.f32 v27, v27;
	(erf) = vrcp.f32 v32;
	v47 =	vadd.f32 $2.000000030e-01, v33  }
0x277: {  	v49 =	vmul.f32 $1.111111120e-01, v30;
	v11 =	vmul.f32 v20, v11  }
0x278: {  	v28 =	vadd.f32 v28, v31;
	v51 =	vmul.f32 $1.111111120e-01, v48;
	v20 =	vmul.f32 v47, v25  }
0x279: {  	v14 =	vmul.f32 $6.931471820e-01, v14;
	v35 =	vadd.f32 $1.428571490e-01, v49;
	v11 =	vadd.f32 v11, v15  }
0x27a: {  	v29 =	vmul.f32 v34, v29;
	v15 =	vadd.f32 $3.333333430e-01, v20;
	v20 =	vadd.f32 $1.428571490e-01, v51  }
0x27b: {  	v54 =	vld.idx.msk [tilespmem:v21+s31+$0x0], $0xffff;
	v12 =	vshra.s32 v12, $0x17;
	v31 =	vmul.f32 v35, v30;
	v11 =	vmul.f32 v11, v50  }
0x27c: {  	v18 =	vmul.f32 v28, v18;
	v28 =	vadd.f32 $3.600000000e+03, v29;
	v20 =	vmul.f32 v20, v48  }
0x27d: {  	v15 =	vmul.f32 v15, v25;
	v25 =	vadd.f32 $2.000000030e-01, v31;
	v11 =	vmul.f32 $1.442695020e+00, v11  }
0x27e: {  	v18 =	vmul.f32 $5.000000000e-01, v18;
	(erf) = vrcp.f32 v28;
	v20 =	vadd.f32 $2.000000030e-01, v20  }
0x27f: {  	v13 =	vadd.f32 v13, v13;
	v25 =	vmul.f32 v25, v30;
	(erf) = vpow2.f32 v11  }
0x280: {  	v56 =	vmul.f32 v34, v54;
	v15 =	vadd.f32 $1.000000000e+00, v15;
	v28 =	vpop (erf);
	v11 =	vmul.f32 v20, v48  }
0x281: {  	v23 =	vadd.f32 v23, v23;
	v18 =	vmul.f32 v18, v28;
	v20 =	vadd.f32 $3.333333430e-01, v25  }
0x282: {  	v13 =	vmul.f32 v15, v13;
	v25 =	vadd.f32 v27, v27;
	v11 =	vadd.f32 $3.333333430e-01, v11  }
0x283: {  	v27 =	vsel vm0, $0xFFFFFF82, v62;
	v15 =	vand.u32 $0x7FFFFF, v18;
	v20 =	vmul.f32 v20, v30  }
0x284: {  	v31 =	vld.idx.msk [tilespmem:v2+s24+$0x0], $0xffff;
	v12 =	vadd.s32 v12, v27;
	v13 =	vadd.f32 v13, v14;
	v11 =	vmul.f32 v11, v48  }
0x285: {  	s0 =	simm.s32 $0x60;
	v15 =	vor.u32 $0x3F800000, v15;
	v27 =	vcvt.s32.f32 v12;
	v30 =	vld.idx.msk [tilespmem:v26+s28+$0x0], $0xffff;
	v20 =	vadd.f32 $1.000000000e+00, v20  }
0x286: {  	v28 =	vld.idx.msk [tilespmem:v5+s22+$0x0], $0xffff;
	v12 =	vor.u32 s0, v0;
	v14 =	vmul.f32 $5.000000000e-01, v15;
	v11 =	vadd.f32 $1.000000000e+00, v11  }
0x287: {  	v38 =	vmov s1;
	v27 =	vmul.f32 $6.931471820e-01, v27;
	v52 =	vpop (erf);
	v20 =	vmul.f32 v20, v23;
	v23 =	vld.idx.msk [tilespmem:v26+s26+$0x0], $0xffff  }
0x288: {  	v13 =	vmul.f32 $6.666666860e-01, v13;
	vm1 =	vgt.f32 v15, $1.414213540e+00;
	v11 =	vmul.f32 v11, v25;
	v25 =	vld.idx.msk [tilespmem:v26+s29+$0x0], $0xffff;
	v53 =	vpop (erf)  }
0x289: {  	v55 =	vsel vm1, v14, v15;
	v15 =	vadd.f32 v20, v27;
	v20 =	vmax.f32 v53, $9.999999770e-03  }
0x28a: {  	s4 =	simm.s32 $0x70;
	v27 =	vadd.f32 $1.000000000e+00, v55;
	v11 =	vadd.f32 v11, v16;
	v16 =	vmul.f32 v20, v30  }
0x28b: {  	v3 =	vor.u32 s4, v0;
	v13 =	vmul.f32 $1.442695020e+00, v13;
	v4 =	vld.idx.msk [tilespmem:v12+s3+$0x0], $0xffff;
	v15 =	vmul.f32 $6.666666860e-01, v15  }
0x28c: {  	v30 =	vld.idx.msk [tilespmem:v12+s23+$0x0], $0xffff;
	(erf) = vrcp.f32 v27;
	v27 =	vmul.f32 v11, v31;
	v16 =	vsub.f32 v23, v16  }
0x28d: {  	v6 =	vmax.f32 v28, $9.999999740e-05;
	v15 =	vmul.f32 $1.442695020e+00, v15;
	v25 =	vmul.f32 v20, v25  }
0x28e: {  	(erf) = vpow2.f32 v13;
	v13 =	vmul.f32 $1.442695020e+00, v27;
	v27 =	vmax.f32 v16, $1.000000010e-01  }
0x28f: {  	v34 =	vadd.f32 $3.600000000e+03, v56;
	v31 =	vld.idx.msk [tilespmem:v1+s22+$0x0], $0xffff;
	[tilespmem:$0x1FFD0] =	vst v6;
	(erf) = vpow2.f32 v15;
	v15 =	vadd.f32 v27, v25  }
0x290: {  	v29 =	vadd.f32 $-3.600000000e+03, v29;
	v18 =	vshra.s32 v18, $0x17;
	v25 =	vld.idx.msk [tilespmem:v21+s22+$0x0], $0xffff;
	(erf) = vpow2.f32 v13;
	[tilespmem:$0x1FFE0] =	vst v4  }
0x291: {  	v47 =	vsel vm1, $0xFFFFFF82, v62;
	v28 =	vmul.f32 v30, v4;
	v30 =	vld.idx.msk [tilespmem:v21+s20+$0x0], $0xffff;
	(erf) = vrcp.f32 v15  }
0x292: {  	vm2 =	veq.s32 v38, v0;
	v18 =	vadd.s32 v18, v47;
	v29 =	vmul.f32 v52, v29;
	v4 =	vld.idx.msk [tilespmem:v3+s3+$0x0], $0xffff  }
0x293: {  	v34 =	vmul.f32 v52, v34;
	v18 =	vcvt.s32.f32 v18;
	v59 =	vld.idx.msk [tilespmem:v5+s25+$0x0], $0xffff;
	v57 =	vand.u32 $0x7FFFFF, v28  }
0x294: {  	v39 =	vmul.f32 $7.200000000e+03, v52;
	v17 =	vmul.f32 v29, v17;
	v58 =	vld.idx.msk [tilespmem:v3+s23+$0x0], $0xffff;
	v33 =	vor.u32 $0x3F800000, v57  }
0x295: {  	v18 =	vmul.f32 $6.931471820e-01, v18;
	v23 =	vadd.f32 v27, v23;
	v40 =	vmul.f32 $5.000000000e-01, v33  }
0x296: {  	v60 =	vld.idx.msk [tilespmem:v22+s25+$0x0], $0xffff;
	v15 =	vmax.f32 v31, $9.999999740e-05;
	v31 =	vsub.f32 $3.600000000e+03, v56;
	vm0 =	vgt.f32 v33, $1.414213540e+00;
	v29 =	vpop (erf)  }
0x297: {  	v20 =	vmul.f32 v23, v20;
	v44 =	vpop (erf);
	v27 =	vmul.f32 v34, v30;
	v30 =	vsel vm0, v40, v33  }
0x298: {  	v23 =	vadd.f32 $-1.000000000e+00, v55;
	v33 =	vmul.f32 v44, v59;
	v45 =	vadd.f32 $1.000000000e+00, v30;
	v46 =	vpop (erf)  }
0x299: {  	v20 =	vmul.f32 $5.000000000e-01, v20;
	v17 =	vadd.f32 v17, v27;
	v27 =	vmul.f32 v58, v4;
	v48 =	vpop (erf)  }
0x29a: {  	v31 =	vmul.f32 v52, v31;
	v33 =	vmax.f32 v33, $3.000000120e-01;
	(erf) = vrcp.f32 v45;
	v50 =	vpop (erf)  }
0x29b: {  	v32 =	vmul.f32 v46, v60;
	v49 =	vand.u32 $0x7FFFFF, v27;
	v20 =	vmul.f32 v20, v50  }
0x29c: {  	v23 =	vmul.f32 v29, v23;
	v54 =	vmin.f32 v33, $1.500000000e+01;
	v29 =	vor.u32 $0x3F800000, v49  }
0x29d: {  	v32 =	vmax.f32 v32, $3.000000120e-01;
	v34 =	vmul.f32 $5.000000000e-01, v29;
	v35 =	vand.u32 $0x7FFFFF, v20  }
0x29e: {  	vm1 =	vgt.f32 v29, $1.414213540e+00;
	v32 =	vmin.f32 v32, $1.500000000e+01;
	v51 =	vor.u32 $0x3F800000, v35  }
0x29f: {  	v32 =	vmul.f32 $1.666666630e+00, v32;
	v29 =	vsel vm1, v34, v29;
	v41 =	vmul.f32 $5.000000000e-01, v51  }
0x2a0: {  	v52 =	vsel vm1, $0xFFFFFF82, v62;
	v53 =	vadd.f32 $1.000000000e+00, v29;
	vm1 =	vgt.f32 v51, $1.414213540e+00  }
0x2a1: {  	[tilespmem:$0x1FFF0] =	vst v4;
	(erf) = vrcp.f32 v32;
	v32 =	vmul.f32 $1.666666630e+00, v54;
	v34 =	vsel vm1, v41, v51  }
0x2a2: {  	v55 =	vld.idx.msk [tilespmem:v2+s28+$0x0], $0xffff;
	v30 =	vadd.f32 $-1.000000000e+00, v30;
	(erf) = vrcp.f32 v53;
	v42 =	vadd.f32 $1.000000000e+00, v34  }
0x2a3: {  	v28 =	vshra.s32 v28, $0x17;
	v25 =	vmax.f32 v25, $9.999999740e-05;
	v56 =	vpop (erf);
	(erf) = vrcp.f32 v32  }
0x2a4: {  	v43 =	vld.idx.msk [tilespmem:v2+s26+$0x0], $0xffff;
	v46 =	vsel vm0, $0xFFFFFF82, v62;
	v30 =	vmul.f32 v56, v30;
	(erf) = vrcp.f32 v42  }
0x2a5: {  	v25 =	vmul.f32 v39, v25;
	v31 =	vsub.f32 $0.0e+00, v31;
	v57 =	vld.idx.msk [tilespmem:v2+s29+$0x0], $0xffff;
	v28 =	vadd.s32 v28, v46  }
0x2a6: {  	v59 =	vmax.f32 v48, $9.999999770e-03;
	v28 =	vcvt.s32.f32 v28;
	v60 =	vmul.f32 v30, v30  }
0x2a7: {  	v27 =	vshra.s32 v27, $0x17;
	v33 =	vmul.f32 v59, v55;
	v41 =	vmul.f32 v23, v23  }
0x2a8: {  	v28 =	vmul.f32 $6.931471820e-01, v28;
	v27 =	vadd.s32 v27, v52;
	v48 =	vmul.f32 $1.111111120e-01, v60  }
0x2a9: {  	v45 =	vld.idx.msk [tilespmem:v22+s31+$0x0], $0xffff;
	v33 =	vsub.f32 v43, v33;
	v27 =	vcvt.s32.f32 v27;
	v58 =	vmul.f32 $1.111111120e-01, v41  }
0x2aa: {  	v50 =	vld.idx.msk [tilespmem:v22+s30+$0x0], $0xffff;
	v20 =	vshra.s32 v20, $0x17;
	v32 =	vmul.f32 v59, v57;
	v51 =	vpop (erf);
	v39 =	vadd.f32 $1.428571490e-01, v48  }
0x2ab: {  	v33 =	vmax.f32 v33, $1.000000010e-01;
	v44 =	vmul.f32 $6.931471820e-01, v27;
	v36 =	vadd.f32 $1.428571490e-01, v58;
	v52 =	vpop (erf)  }
0x2ac: {  	v34 =	vadd.f32 $-1.000000000e+00, v34;
	v27 =	vadd.f32 v33, v32;
	v39 =	vmul.f32 v39, v60;
	v53 =	vpop (erf)  }
0x2ad: {  	v29 =	vadd.f32 $-1.000000000e+00, v29;
	v23 =	vadd.f32 v23, v23;
	v49 =	vmul.f32 v36, v41;
	v54 =	vpop (erf)  }
0x2ae: {  	(erf) = vrcp.f32 v27;
	v27 =	vadd.f32 $2.000000030e-01, v39;
	v34 =	vmul.f32 v54, v34  }
0x2af: {  	v36 =	vmul.f32 v51, v50;
	v42 =	vmul.f32 v51, v45;
	v35 =	vadd.f32 $2.000000030e-01, v49  }
0x2b0: {  	v33 =	vadd.f32 v33, v43;
	v27 =	vmul.f32 v27, v60;
	v56 =	vmul.f32 v34, v34  }
0x2b1: {  	v51 =	vsel vm1, $0xFFFFFF82, v62;
	v32 =	vmul.f32 v52, v29;
	v35 =	vmul.f32 v35, v41  }
0x2b2: {  	v29 =	vmul.f32 v33, v59;
	v27 =	vadd.f32 $3.333333430e-01, v27;
	v59 =	vmul.f32 $1.111111120e-01, v56  }
0x2b3: {  	v30 =	vadd.f32 v30, v30;
	v20 =	vadd.s32 v20, v51;
	v35 =	vadd.f32 $3.333333430e-01, v35  }
0x2b4: {  	v51 =	vmov s16;
	v27 =	vmul.f32 v27, v60;
	v33 =	vadd.f32 $1.428571490e-01, v59  }
0x2b5: {  	v46 =	vld.idx.msk [tilespmem:v12+s24+$0x0], $0xffff;
	v55 =	vadd.f32 $3.600000000e+03, v36;
	v57 =	vmul.f32 v32, v32;
	v35 =	vmul.f32 v35, v41  }
0x2b6: {  	v58 =	vmul.f32 $5.000000000e-01, v29;
	v29 =	vld.idx.msk [tilespmem:v5+s30+$0x0], $0xffff;
	v27 =	vadd.f32 $1.000000000e+00, v27;
	v33 =	vmul.f32 v33, v56  }
0x2b7: {  	v20 =	vcvt.s32.f32 v20;
	v47 =	vmul.f32 $1.111111120e-01, v57;
	v35 =	vadd.f32 $1.000000000e+00, v35;
	v60 =	vld.idx.msk [tilespmem:v5+s31+$0x0], $0xffff  }
0x2b8: {  	(erf) = vrcp.f32 v55;
	v30 =	vmul.f32 v27, v30;
	v33 =	vadd.f32 $2.000000030e-01, v33  }
0x2b9: {  	v49 =	vadd.f32 $3.600000000e+03, v42;
	v48 =	vadd.f32 $1.428571490e-01, v47;
	v23 =	vmul.f32 v35, v23  }
0x2ba: {  	v20 =	vmul.f32 $6.931471820e-01, v20;
	v28 =	vadd.f32 v30, v28;
	v33 =	vmul.f32 v33, v56  }
0x2bb: {  	v29 =	vmul.f32 v53, v29;
	v38 =	vmul.f32 v48, v57;
	v18 =	vadd.f32 v23, v18  }
0x2bc: {  	v27 =	vmul.f32 v53, v60;
	v30 =	vpop (erf);
	v28 =	vmul.f32 v28, v46;
	v33 =	vadd.f32 $3.333333430e-01, v33  }
0x2bd: {  	v42 =	vsub.f32 $3.600000000e+03, v42;
	v50 =	vmul.f32 $6.666666860e-01, v18;
	v41 =	vmul.f32 v58, v30  }
0x2be: {  	v34 =	vadd.f32 v34, v34;
	v28 =	vmul.f32 $1.442695020e+00, v28;
	v33 =	vmul.f32 v33, v56  }
0x2bf: {  	v30 =	vadd.f32 $2.000000030e-01, v38;
	v38 =	vmul.f32 $1.442695020e+00, v50;
	v18 =	vand.u32 $0x7FFFFF, v41  }
0x2c0: {  	v18 =	vor.u32 $0x3F800000, v18;
	(erf) = vpow2.f32 v28;
	v28 =	vadd.f32 $1.000000000e+00, v33  }
0x2c1: {  	v23 =	vpop (erf);
	v33 =	vadd.f32 v17, v25;
	v17 =	vmul.f32 v30, v57;
	v25 =	vmul.f32 $5.000000000e-01, v18  }
0x2c2: {  	s1 =	simm.s32 $0x80;
	v53 =	vld.idx.msk [tilespmem:v22+s22+$0x0], $0xffff;
	v35 =	vmul.f32 v23, v49;
	vm0 =	vgt.f32 v18, $1.414213540e+00;
	v30 =	vadd.f32 $-3.600000000e+03, v36  }
0x2c3: {  	s19 =	simm.s32 $0x90;
	v56 =	vld.idx.msk [tilespmem:v12+s28+$0x0], $0xffff;
	v52 =	vadd.f32 $3.333333430e-01, v17;
	v25 =	vsel vm0, v25, v18;
	v18 =	vor.u32 s1, v0  }
0x2c4: {  	v48 =	vmul.f32 $7.200000000e+03, v23;
	v36 =	vld.idx.msk [tilespmem:v12+s26+$0x0], $0xffff;
	v28 =	vmul.f32 v28, v34;
	v17 =	vor.u32 s19, v0  }
0x2c5: {  	v34 =	vld.idx.msk [tilespmem:v3+s24+$0x0], $0xffff;
	v54 =	vmul.f32 v23, v30;
	v55 =	vadd.f32 $1.000000000e+00, v25;
	v30 =	vmul.f32 v52, v57  }
0x2c6: {  	v23 =	vmul.f32 v23, v42;
	v20 =	vadd.f32 v28, v20;
	v28 =	vld.idx.msk [tilespmem:v22+s20+$0x0], $0xffff;
	v57 =	vadd.f32 $3.600000000e+03, v29  }
0x2c7: {  	(erf) = vrcp.f32 v55;
	v58 =	vadd.f32 $1.000000000e+00, v30;
	v30 =	vsel vm2, $0x3F800000, v31;
	v31 =	vld.idx.msk [tilespmem:v12+s29+$0x0], $0xffff  }
0x2c8: {  	v32 =	vadd.f32 v32, v32;
	v20 =	vmul.f32 $6.666666860e-01, v20;
	(erf) = vpow2.f32 v38;
	v49 =	vld.idx.msk [tilespmem:v18+s23+$0x0], $0xffff  }
0x2c9: {  	vm1 =	veq.s32 v51, v0;
	v52 =	vmul.f32 v54, v19;
	(erf) = vrcp.f32 v57;
	v19 =	vld.idx.msk [tilespmem:v17+s3+$0x0], $0xffff  }
0x2ca: {  	v37 =	vmax.f32 v53, $9.999999740e-05;
	v60 =	vpop (erf);
	v54 =	vld.idx.msk [tilespmem:v17+s23+$0x0], $0xffff;
	v59 =	vmul.f32 $1.442695020e+00, v20;
	v32 =	vmul.f32 v58, v32  }
0x2cb: {  	v41 =	vshra.s32 v41, $0x17;
	v23 =	vsub.f32 $0.0e+00, v23;
	v20 =	vld.idx.msk [tilespmem:v18+s3+$0x0], $0xffff;
	v43 =	vmax.f32 v60, $9.999999770e-03  }
0x2cc: {  	v50 =	vmul.f32 v43, v56;
	(erf) = vpow2.f32 v59;
	v32 =	vadd.f32 v32, v44  }
0x2cd: {  	v42 =	vmul.f32 v48, v37;
	v25 =	vadd.f32 $-1.000000000e+00, v25;
	v28 =	vmul.f32 v35, v28  }
0x2ce: {  	v37 =	vsel vm1, $0x3F800000, v23;
	v53 =	vsub.f32 v36, v50;
	v32 =	vmul.f32 v32, v34  }
0x2cf: {  	v28 =	vadd.f32 v52, v28;
	v31 =	vmul.f32 v43, v31;
	v35 =	vmul.f32 v54, v19  }
0x2d0: {  	v34 =	vmax.f32 v53, $1.000000010e-01;
	v38 =	vmul.f32 v49, v20;
	v32 =	vmul.f32 $1.442695020e+00, v32  }
0x2d1: {  	v55 =	vld.idx.msk [tilespmem:v26+s25+$0x0], $0xffff;
	v53 =	vsel vm0, $0xFFFFFF82, v62;
	v56 =	vpop (erf);
	v31 =	vadd.f32 v34, v31;
	v49 =	vand.u32 $0x7FFFFF, v35  }
0x2d2: {  	v60 =	vld.idx.msk [tilespmem:v1+s25+$0x0], $0xffff;
	v34 =	vadd.f32 v34, v36;
	v57 =	vpop (erf);
	v58 =	vand.u32 $0x7FFFFF, v38;
	(erf) = vpow2.f32 v32  }
0x2d3: {  	v41 =	vadd.s32 v41, v53;
	v23 =	vpop (erf);
	(erf) = vrcp.f32 v31;
	v31 =	vor.u32 $0x3F800000, v58  }
0x2d4: {  	v25 =	vmul.f32 v56, v25;
	v50 =	vor.u32 $0x3F800000, v49;
	v44 =	vmul.f32 $5.000000000e-01, v31  }
0x2d5: {  	v41 =	vcvt.s32.f32 v41;
	v52 =	vmul.f32 $5.000000000e-01, v50;
	vm1 =	vgt.f32 v31, $1.414213540e+00;
	v59 =	vpop (erf)  }
0x2d6: {  	v40 =	vmul.f32 v25, v25;
	v48 =	vmul.f32 v59, v55;
	v31 =	vsel vm1, v44, v31  }
0x2d7: {  	v34 =	vmul.f32 v34, v43;
	v32 =	vmul.f32 v57, v60;
	v51 =	vadd.f32 $1.000000000e+00, v31  }
0x2d8: {  	vm0 =	vgt.f32 v50, $1.414213540e+00;
	v58 =	vmul.f32 $1.111111120e-01, v40;
	v39 =	vmax.f32 v48, $3.000000120e-01  }
0x2d9: {  	v41 =	vmul.f32 $6.931471820e-01, v41;
	v39 =	vmin.f32 v39, $1.500000000e+01;
	(erf) = vrcp.f32 v51  }
0x2da: {  	v54 =	vld.idx.msk [tilespmem:v3+s28+$0x0], $0xffff;
	v25 =	vadd.f32 v25, v25;
	v43 =	vadd.f32 $1.428571490e-01, v58;
	v39 =	vmul.f32 $1.666666630e+00, v39  }
0x2db: {  	v57 =	vld.idx.msk [tilespmem:v3+s29+$0x0], $0xffff;
	v36 =	vsel vm0, v52, v50;
	v34 =	vmul.f32 $5.000000000e-01, v34;
	v32 =	vmax.f32 v32, $3.000000120e-01;
	v56 =	vpop (erf)  }
0x2dc: {  	v32 =	vmin.f32 v32, $1.500000000e+01;
	v43 =	vmul.f32 v43, v40;
	(erf) = vrcp.f32 v39;
	v59 =	vpop (erf)  }
0x2dd: {  	v44 =	vadd.f32 $1.000000000e+00, v36;
	v36 =	vadd.f32 $-1.000000000e+00, v36;
	v46 =	vmul.f32 v34, v59;
	v34 =	vld.idx.msk [tilespmem:v3+s26+$0x0], $0xffff  }
0x2de: {  	v32 =	vmul.f32 $1.666666630e+00, v32;
	v31 =	vadd.f32 $-1.000000000e+00, v31;
	v43 =	vadd.f32 $2.000000030e-01, v43  }
0x2df: {  	v60 =	vmax.f32 v56, $9.999999770e-03;
	(erf) = vrcp.f32 v44;
	v55 =	vand.u32 $0x7FFFFF, v46  }
0x2e0: {  	v45 =	vmul.f32 v60, v54;
	v39 =	vmul.f32 v60, v57;
	v47 =	vor.u32 $0x3F800000, v55  }
0x2e1: {  	v49 =	vld.idx.msk [tilespmem:v26+s30+$0x0], $0xffff;
	v48 =	vsel vm0, $0xFFFFFF82, v62;
	v56 =	vmul.f32 v43, v40;
	v50 =	vmul.f32 $5.000000000e-01, v47  }
0x2e2: {  	v58 =	vld.idx.msk [tilespmem:v26+s31+$0x0], $0xffff;
	vm0 =	vgt.f32 v47, $1.414213540e+00;
	v51 =	vpop (erf);
	v45 =	vsub.f32 v34, v45;
	(erf) = vrcp.f32 v32  }
0x2e3: {  	v32 =	vadd.f32 $3.333333430e-01, v56;
	v47 =	vsel vm0, v50, v47;
	v50 =	vmul.f32 v51, v31  }
0x2e4: {  	v55 =	vadd.f32 $3.600000000e+03, v27;
	v31 =	vadd.f32 $1.000000000e+00, v47;
	v45 =	vmax.f32 v45, $1.000000010e-01  }
0x2e5: {  	v32 =	vmul.f32 v32, v40;
	v43 =	vpop (erf);
	v51 =	vmul.f32 v50, v50;
	v39 =	vadd.f32 v45, v39  }
0x2e6: {  	v34 =	vadd.f32 v45, v34;
	v49 =	vmul.f32 v43, v49;
	(erf) = vrcp.f32 v31  }
0x2e7: {  	v32 =	vadd.f32 $1.000000000e+00, v32;
	v43 =	vmul.f32 v43, v58;
	v52 =	vmul.f32 $1.111111120e-01, v51  }
0x2e8: {  	v45 =	vld.idx.msk [tilespmem:v5+s20+$0x0], $0xffff;
	(erf) = vrcp.f32 v39;
	v34 =	vmul.f32 v34, v60;
	v31 =	vpop (erf);
	v53 =	vadd.f32 $3.600000000e+03, v49  }
0x2e9: {  	v54 =	vld.idx.msk [tilespmem:v1+s30+$0x0], $0xffff;
	v47 =	vadd.f32 $-1.000000000e+00, v47;
	v25 =	vmul.f32 v32, v25;
	v56 =	vmul.f32 v31, v36  }
0x2ea: {  	[tilespmem:v21+s21+$0x0] =	vst.idx.msk $0xffff, v30;
	v57 =	vadd.f32 $1.428571490e-01, v52;
	v34 =	vmul.f32 $5.000000000e-01, v34;
	(erf) = vrcp.f32 v53  }
0x2eb: {  	v31 =	vld.idx.msk [tilespmem:v1+s31+$0x0], $0xffff;
	v53 =	vadd.f32 v28, v42;
	v28 =	vmul.f32 v23, v55;
	v55 =	vshra.s32 v38, $0x17  }
0x2ec: {  	[tilespmem:v22+s21+$0x0] =	vst.idx.msk $0xffff, v37;
	v52 =	vmul.f32 v56, v56;
	v36 =	vmul.f32 v57, v51;
	v57 =	vsel vm1, $0xFFFFFF82, v62  }
0x2ed: {  	v59 =	vpop (erf);
	v40 =	vmul.f32 v28, v45;
	v28 =	vadd.s32 v55, v57;
	v57 =	vadd.f32 v25, v41  }
0x2ee: {  	v42 =	vmul.f32 v59, v54;
	[tilespmem:v22+s3+$0x0] =	vst.idx.msk $0xffff, v53;
	v53 =	vadd.f32 v56, v56;
	v60 =	vadd.f32 $2.000000030e-01, v36  }
0x2ef: {  	v44 =	vmul.f32 $1.111111120e-01, v52;
	v28 =	vcvt.s32.f32 v28;
	[tilespmem:v22+s20+$0x0] =	vst.idx.msk $0xffff, v63;
	v22 =	vshra.s32 v46, $0x17  }
0x2f0: {  	v36 =	vld.idx.msk [tilespmem:v26+s22+$0x0], $0xffff;
	v39 =	vmul.f32 v59, v31;
	v31 =	vshra.s32 v35, $0x17;
	v54 =	vpop (erf);
	v32 =	vmul.f32 v60, v51  }
0x2f1: {  	v30 =	vld.idx.msk [tilespmem:v3+s31+$0x0], $0xffff;
	v46 =	vsel vm0, $0xFFFFFF82, v62;
	v48 =	vadd.s32 v31, v48;
	v58 =	vmul.f32 v54, v47  }
0x2f2: {  	v38 =	vld.idx.msk [tilespmem:v26+s20+$0x0], $0xffff;
	v59 =	vadd.f32 $3.600000000e+03, v43;
	v48 =	vcvt.s32.f32 v48;
	v32 =	vadd.f32 $3.333333430e-01, v32  }
0x2f3: {  	v37 =	vld.idx.msk [tilespmem:v17+s25+$0x0], $0xffff;
	v60 =	vadd.f32 $-3.600000000e+03, v49;
	v28 =	vmul.f32 $6.931471820e-01, v28;
	v45 =	vpop (erf);
	v54 =	vmul.f32 v58, v58  }
0x2f4: {  	v41 =	vld.idx.msk [tilespmem:v2+s25+$0x0], $0xffff;
	v43 =	vsub.f32 $3.600000000e+03, v43;
	v48 =	vmul.f32 $6.931471820e-01, v48;
	v49 =	vpop (erf);
	v25 =	vmul.f32 v32, v51  }
0x2f5: {  	v31 =	vld.idx.msk [tilespmem:v1+s20+$0x0], $0xffff;
	v36 =	vmax.f32 v36, $9.999999740e-05;
	v35 =	vmul.f32 v49, v59;
	v55 =	vmul.f32 v49, v60  }
0x2f6: {  	v47 =	vld.idx.msk [tilespmem:v18+s24+$0x0], $0xffff;
	v59 =	vadd.f32 v50, v50;
	v60 =	vmul.f32 $7.200000000e+03, v49;
	v43 =	vmul.f32 v49, v43  }
0x2f7: {  	v50 =	vld.idx.msk [tilespmem:v2+s22+$0x0], $0xffff;
	v49 =	vmul.f32 $1.111111120e-01, v54;
	v25 =	vadd.f32 $1.000000000e+00, v25;
	v35 =	vmul.f32 v35, v38  }
0x2f8: {  	[tilespmem:v21+s3+$0x0] =	vst.idx.msk $0xffff, v33;
	v51 =	vld.idx.msk [tilespmem:v3+s22+$0x0], $0xffff;
	v24 =	vmul.f32 v55, v24;
	v55 =	vmov s2;
	v33 =	vsub.f32 $0.0e+00, v43  }
0x2f9: {  	v32 =	vld.idx.msk [tilespmem:v2+s31+$0x0], $0xffff;
	v25 =	vmul.f32 v25, v59;
	v59 =	vadd.f32 $1.428571490e-01, v49;
	vm1 =	veq.s32 v55, v0  }
0x2fa: {  	v38 =	vld.idx.msk [tilespmem:v2+s30+$0x0], $0xffff;
	v24 =	vadd.f32 v24, v35;
	v35 =	vmul.f32 v60, v36;
	v60 =	vadd.f32 $1.428571490e-01, v44  }
0x2fb: {  	v55 =	vld.idx.msk [tilespmem:v17+s22+$0x0], $0xffff;
	v33 =	vsel vm1, $0x3F800000, v33;
	v44 =	vadd.f32 v25, v28;
	v49 =	vmul.f32 v59, v54  }
0x2fc: {  	v43 =	vld.idx.msk [tilespmem:v17+s26+$0x0], $0xffff;
	v25 =	vmax.f32 v50, $9.999999740e-05;
	v59 =	vadd.f32 v24, v35;
	v50 =	vmul.f32 v60, v52  }
0x2fd: {  	v36 =	vld.idx.msk [tilespmem:v3+s25+$0x0], $0xffff;
	v60 =	vmul.f32 v34, v45;
	v24 =	vmax.f32 v51, $9.999999740e-05;
	v45 =	vadd.f32 $2.000000030e-01, v49  }
0x2fe: {  	[tilespmem:v21+s20+$0x0] =	vst.idx.msk $0xffff, v63;
	v28 =	vld.idx.msk [tilespmem:v2+s20+$0x0], $0xffff;
	v34 =	vsub.f32 $3.600000000e+03, v27;
	v44 =	vmul.f32 v44, v47;
	v49 =	vadd.f32 $-3.600000000e+03, v29  }
0x2ff: {  	[tilespmem:v26+s21+$0x0] =	vst.idx.msk $0xffff, v33;
	v33 =	vld.idx.msk [tilespmem:v17+s30+$0x0], $0xffff;
	v51 =	vadd.f32 $2.000000030e-01, v50;
	v21 =	vand.u32 $0x7FFFFF, v60;
	v45 =	vmul.f32 v45, v54  }
0x300: {  	v35 =	vld.idx.msk [tilespmem:v3+s30+$0x0], $0xffff;
	v29 =	vmax.f32 v55, $9.999999740e-05;
	v44 =	vmul.f32 $1.442695020e+00, v44;
	v21 =	vor.u32 $0x3F800000, v21  }
0x301: {  	v27 =	vld.idx.msk [tilespmem:v3+s20+$0x0], $0xffff;
	v55 =	vmul.f32 v51, v52;
	v51 =	vmul.f32 $5.000000000e-01, v21;
	v45 =	vadd.f32 $3.333333430e-01, v45  }
0x302: {  	v58 =	vadd.f32 v58, v58;
	v47 =	vld.idx.msk [tilespmem:v17+s24+$0x0], $0xffff;
	vm1 =	vgt.f32 v21, $1.414213540e+00;
	(erf) = vpow2.f32 v44  }
0x303: {  	v14 =	vmovc v2;
	v44 =	vld.idx.msk [tilespmem:v17+s28+$0x0], $0xffff;
	v55 =	vadd.f32 $3.333333430e-01, v55;
	v51 =	vsel vm1, v51, v21;
	v50 =	vmul.f32 v45, v54  }
0x304: {  	v11 =	vmovc v1;
	v21 =	vld.idx.msk [tilespmem:v17+s20+$0x0], $0xffff;
	v54 =	vmul.f32 $6.666666860e-01, v57;
	v57 =	vadd.s32 v22, v46;
	v46 =	vmul.f32 v23, v49  }
0x305: {  	[tilespmem:v26+s3+$0x0] =	vst.idx.msk $0xffff, v59;
	v45 =	vld.idx.msk [tilespmem:v17+s29+$0x0], $0xffff;
	v49 =	vshra.s32 v60, $0x17;
	v55 =	vmul.f32 v55, v52;
	v52 =	vadd.f32 $3.600000000e+03, v42  }
0x306: {  	v16 =	vmovc v3;
	s16 =	simm.s32 $0xB0;
	s2 =	simm.s32 $0x8;
	[tilespmem:v26+s20+$0x0] =	vst.idx.msk $0xffff, v63;
	v22 =	vld.idx.msk [tilespmem:v17+s31+$0x0], $0xffff;
	v57 =	vcvt.s32.f32 v57;
	v54 =	vmul.f32 $1.442695020e+00, v54;
	v56 =	vadd.f32 $1.000000000e+00, v50  }
.LBB2_18:
0x307: {  	v1 =	vld [tilespmem:$0x1FFB0]  }
0x308: {  	v50 =	vor.u32 s16, v0;
	v59 =	vadd.f32 $1.000000000e+00, v51;
	v2 =	vld [tilespmem:$0x1FFC0]  }
0x309: {  	v51 =	vadd.f32 $-1.000000000e+00, v51;
	v62 =	vsel vm1, $0xFFFFFF82, v62;
	v55 =	vadd.f32 $1.000000000e+00, v55  }
0x30a: {  	s17 =	sadd.s32 $0xFFFFFFF0, s16;
	v42 =	vadd.f32 $-3.600000000e+03, v42;
	v57 =	vmul.f32 $6.931471820e-01, v57;
	v56 =	vmul.f32 v56, v58  }
0x30b: {  	v26 =	vor.u32 s17, v0;
	v58 =	vld.idx.msk [tilespmem:v18+s28+$0x0], $0xffff;
	(erf) = vrcp.f32 v59;
	v53 =	vmul.f32 v55, v53  }
0x30c: {  	v46 =	vmul.f32 v46, v61;
	v59 =	vld.idx.msk [tilespmem:v18+s26+$0x0], $0xffff;
	v60 =	vadd.f32 v56, v57;
	(erf) = vpow2.f32 v54  }
0x30d: {  	v10 =	vimm.s32 $0xFFFFFF81;
	v48 =	vadd.f32 v53, v48;
	v13 =	vmovc v1;
	v3 =	vmovc v2;
	v2 =	vld [tilespmem:$0x1FFF0];
	v1 =	vmov v19  }
0x30e: {  	v49 =	vadd.s32 v49, v62;
	(erf) = vrcp.f32 v52;
	v54 =	vmul.f32 $6.666666860e-01, v60;
	[tilespmem:$0x1FFF0] =	vst v1;
	v1 =	vld [tilespmem:$0x1FFD0]  }
0x30f: {  	v40 =	vadd.f32 v46, v40;
	v55 =	vcvt.s32.f32 v49;
	v53 =	vld.idx.msk [tilespmem:v18+s29+$0x0], $0xffff;
	v63 =	vpop (erf);
	v47 =	vmul.f32 v48, v47  }
0x310: {  	v57 =	vmul.f32 $7.200000000e+03, v23;
	v49 =	vld.idx.msk [tilespmem:v26+s3+$0x0], $0xffff;
	v60 =	vmax.f32 v63, $9.999999770e-03;
	v54 =	vmul.f32 $1.442695020e+00, v54  }
0x311: {  	v56 =	vadd.f32 $3.600000000e+03, v39;
	v48 =	vld.idx.msk [tilespmem:v26+s23+$0x0], $0xffff;
	v58 =	vmul.f32 v60, v58;
	v61 =	vmul.f32 $1.442695020e+00, v47  }
0x312: {  	v39 =	vsub.f32 $3.600000000e+03, v39;
	v19 =	vld.idx.msk [tilespmem:v50+s3+$0x0], $0xffff;
	v52 =	vmul.f32 $6.931471820e-01, v55;
	(erf) = vpow2.f32 v54  }
0x313: {  	v62 =	vld.idx.msk [tilespmem:v50+s23+$0x0], $0xffff;
	v46 =	vsub.f32 v59, v58;
	(erf) = vpow2.f32 v61;
	v54 =	vmul.f32 v57, v1  }
0x314: {  	v1 =	vmov v15;
	v15 =	vmul.f32 v60, v53;
	v57 =	vpop (erf);
	v61 =	vmul.f32 v23, v34  }
0x315: {  	v46 =	vmax.f32 v46, $1.000000010e-01;
	v57 =	vmul.f32 v57, v51;
	v23 =	vpop (erf);
	v53 =	vadd.f32 v40, v54  }
0x316: {  	v34 =	vmovc v39;
	v54 =	vmul.f32 v48, v49;
	v6 =	vadd.f32 v46, v15;
	v51 =	vmul.f32 v23, v41  }
0x317: {  	[tilespmem:$0x1FFB0] =	vst v3;
	v23 =	vpop (erf);
	v46 =	vadd.f32 v46, v59;
	v3 =	vmul.f32 v57, v57;
	v39 =	vadd.f32 v57, v57  }
0x318: {  	v2 =	vmovc v2;
	v48 =	vld.idx.msk [tilespmem:v12+s25+$0x0], $0xffff;
	v40 =	vmul.f32 v23, v56;
	v56 =	vmul.f32 v62, v19;
	v55 =	vand.u32 $0x7FFFFF, v54  }
0x319: {  	[tilespmem:$0x1FFC0] =	vst v2;
	(erf) = vrcp.f32 v6;
	v2 =	vmax.f32 v51, $3.000000120e-01;
	v46 =	vmul.f32 v46, v60  }
0x31a: {  	[tilespmem:$0x1FFD0] =	vst v1;
	v15 =	vmovc v25;
	v62 =	vor.u32 $0x3F800000, v55;
	v1 =	vmul.f32 $1.111111120e-01, v3;
	v6 =	vshra.s32 v56, $0x17  }
0x31b: {  	v25 =	vmovc v24;
	v24 =	vmovc v29;
	v51 =	vand.u32 $0x7FFFFF, v56;
	v40 =	vmul.f32 v40, v31;
	v9 =	vmul.f32 $5.000000000e-01, v62  }
0x31c: {  	vm1 =	vgt.f32 v62, $1.414213540e+00;
	v29 =	vor.u32 $0x3F800000, v51;
	v46 =	vmul.f32 $5.000000000e-01, v46;
	v7 =	vpop (erf)  }
0x31d: {  	v59 =	vmul.f32 $5.000000000e-01, v29;
	v62 =	vsel vm1, v9, v62;
	v7 =	vmul.f32 v7, v48  }
0x31e: {  	v1 =	vadd.f32 $1.428571490e-01, v1;
	vm0 =	vgt.f32 v29, $1.414213540e+00;
	v48 =	vadd.f32 $1.000000000e+00, v62  }
0x31f: {  	v9 =	vsel vm0, $0xFFFFFF82, v10;
	v59 =	vsel vm0, v59, v29;
	v7 =	vmax.f32 v7, $3.000000120e-01  }
0x320: {  	v8 =	vld.idx.msk [tilespmem:v50+s22+$0x0], $0xffff;
	v51 =	vpop (erf);
	v1 =	vmul.f32 v1, v3;
	(erf) = vrcp.f32 v48;
	v7 =	vmin.f32 v7, $1.500000000e+01  }
0x321: {  	v4 =	vld.idx.msk [tilespmem:v50+s29+$0x0], $0xffff;
	v6 =	vadd.s32 v6, v9;
	v9 =	vadd.f32 $-1.000000000e+00, v59;
	v7 =	vmul.f32 $1.666666630e+00, v7  }
0x322: {  	v6 =	vcvt.s32.f32 v6;
	v48 =	vadd.f32 $1.000000000e+00, v59;
	v1 =	vadd.f32 $2.000000030e-01, v1;
	v29 =	vpop (erf)  }
0x323: {  	v58 =	vld.idx.msk [tilespmem:v50+s28+$0x0], $0xffff;
	v59 =	vmax.f32 v51, $9.999999770e-03;
	v51 =	vmul.f32 v46, v29;
	(erf) = vrcp.f32 v7  }
0x324: {  	v2 =	vmin.f32 v2, $1.500000000e+01;
	v1 =	vmul.f32 v1, v3;
	(erf) = vrcp.f32 v48  }
0x325: {  	v29 =	vmax.f32 v8, $9.999999740e-05;
	v8 =	vmul.f32 v59, v44;
	v7 =	vand.u32 $0x7FFFFF, v51  }
0x326: {  	v46 =	vmul.f32 v59, v45;
	v45 =	vmovc v4;
	v48 =	vmul.f32 $6.931471820e-01, v6;
	v4 =	vor.u32 $0x3F800000, v7  }
0x327: {  	v1 =	vadd.f32 $3.333333430e-01, v1;
	v7 =	vsub.f32 v43, v8;
	v6 =	vmul.f32 $5.000000000e-01, v4  }
0x328: {  	v2 =	vmul.f32 $1.666666630e+00, v2;
	v44 =	vmovc v58;
	v58 =	vadd.f32 $-1.000000000e+00, v62;
	vm0 =	vgt.f32 v4, $1.414213540e+00  }
0x329: {  	v8 =	vld.idx.msk [tilespmem:v12+s30+$0x0], $0xffff;
	v1 =	vmul.f32 v1, v3;
	v60 =	vpop (erf);
	v4 =	vsel vm0, v6, v4;
	v6 =	vmax.f32 v7, $1.000000010e-01  }
0x32a: {  	v63 =	vld.idx.msk [tilespmem:v50+s26+$0x0], $0xffff;
	(erf) = vrcp.f32 v2;
	v2 =	vmul.f32 v60, v58;
	v62 =	vadd.f32 $1.000000000e+00, v4  }
0x32b: {  	v41 =	vmovc v36;
	v36 =	vmovc v37;
	v1 =	vadd.f32 $1.000000000e+00, v1;
	v58 =	vadd.f32 v6, v46;
	v46 =	vmul.f32 v23, v42  }
0x32c: {  	v47 =	vld.idx.msk [tilespmem:v50+s24+$0x0], $0xffff;
	v6 =	vadd.f32 v6, v43;
	v60 =	vmul.f32 v2, v2;
	(erf) = vrcp.f32 v62;
	v7 =	vpop (erf)  }
0x32d: {  	v37 =	vld.idx.msk [tilespmem:v50+s25+$0x0], $0xffff;
	v42 =	vsub.f32 $0.0e+00, v61;
	v1 =	vmul.f32 v1, v39;
	v61 =	vpop (erf);
	(erf) = vrcp.f32 v58  }
0x32e: {  	v57 =	vld.idx.msk [tilespmem:v50+s30+$0x0], $0xffff;
	v8 =	vmul.f32 v7, v8;
	v58 =	vmul.f32 $1.111111120e-01, v60  }
0x32f: {  	v56 =	vld.idx.msk [tilespmem:v50+s31+$0x0], $0xffff;
	v4 =	vadd.f32 $-1.000000000e+00, v4;
	v6 =	vmul.f32 v6, v59;
	v9 =	vmul.f32 v61, v9  }
0x330: {  	v55 =	vld.idx.msk [tilespmem:v50+s20+$0x0], $0xffff;
	v43 =	vmovc v63;
	v63 =	vimm.f32 $0.0e+00;
	[tilespmem:v5+s21+$0x0] =	vst.idx.msk $0xffff, v42;
	v62 =	vadd.f32 $3.600000000e+03, v8;
	v3 =	vadd.f32 $1.428571490e-01, v58  }
0x331: {  	v1 =	vadd.f32 v1, v52;
	[tilespmem:v5+s3+$0x0] =	vst.idx.msk $0xffff, v53;
	v6 =	vmul.f32 $5.000000000e-01, v6;
	v58 =	vmul.f32 v9, v9  }
0x332: {  	v2 =	vadd.f32 v2, v2;
	[tilespmem:v5+s20+$0x0] =	vst.idx.msk $0xffff, v63;
	(erf) = vrcp.f32 v62;
	v3 =	vmul.f32 v3, v60  }
0x333: {  	v5 =	vmovc v11;
	v11 =	vmovc v14;
	v14 =	vmov v16;
	v53 =	vadd.f32 v9, v9;
	v9 =	vld.idx.msk [tilespmem:v12+s31+$0x0], $0xffff;
	v59 =	vmul.f32 $1.111111120e-01, v58  }
0x334: {  	v16 =	vmov v17;
	v1 =	vmul.f32 $6.666666860e-01, v1;
	v61 =	vpop (erf);
	v3 =	vadd.f32 $2.000000030e-01, v3  }
0x335: {  	v17 =	vmovc v50;
	v8 =	vadd.f32 $-3.600000000e+03, v8;
	v62 =	vshra.s32 v54, $0x17;
	v42 =	vmul.f32 v61, v38;
	v38 =	vmovc v35  }
0x336: {  	v39 =	vmul.f32 v61, v32;
	v35 =	vmovc v33;
	v33 =	vmovc v57;
	v61 =	vsel vm1, $0xFFFFFF82, v10;
	v3 =	vmul.f32 v3, v60  }
0x337: {  	v57 =	vmov s0;
	v50 =	vadd.f32 $1.428571490e-01, v59;
	v54 =	vadd.s32 v62, v61;
	v59 =	vpop (erf)  }
0x338: {  	v10 =	vld [tilespmem:$0x1FFE0];
	v7 =	vmul.f32 v7, v9;
	v4 =	vmul.f32 v59, v4;
	v3 =	vadd.f32 $3.333333430e-01, v3  }
0x339: {  	v32 =	vmovc v30;
	v30 =	vmovc v22;
	v22 =	vmov v56;
	vm1 =	veq.s32 v57, v0;
	v9 =	vld.idx.msk [tilespmem:v12+s20+$0x0], $0xffff;
	v54 =	vcvt.s32.f32 v54  }
0x33a: {  	v52 =	vpop (erf);
	v59 =	vld.idx.msk [tilespmem:v12+s22+$0x0], $0xffff;
	v56 =	vadd.f32 $3.600000000e+03, v7;
	v61 =	vmul.f32 v4, v4;
	v3 =	vmul.f32 v3, v60  }
0x33b: {  	v7 =	vsub.f32 $3.600000000e+03, v7;
	v54 =	vmul.f32 $6.931471820e-01, v54;
	v6 =	vmul.f32 v6, v52;
	v62 =	vpop (erf)  }
0x33c: {  	v31 =	vmovc v28;
	v28 =	vmovc v27;
	v60 =	vmul.f32 $1.111111120e-01, v61;
	v56 =	vmul.f32 v62, v56;
	v3 =	vadd.f32 $1.000000000e+00, v3  }
0x33d: {  	v27 =	vmovc v21;
	v21 =	vmovc v55;
	v52 =	vadd.f32 $3.600000000e+03, v42;
	v8 =	vmul.f32 v62, v8;
	v55 =	vmul.f32 $7.200000000e+03, v62  }
0x33e: {  	v7 =	vmul.f32 v62, v7;
	v2 =	vmul.f32 v3, v2;
	v3 =	vadd.f32 $1.428571490e-01, v60  }
0x33f: {  	v62 =	vld.idx.msk [tilespmem:v26+s24+$0x0], $0xffff;
	v59 =	vmax.f32 v59, $9.999999740e-05;
	v9 =	vmul.f32 v56, v9;
	v8 =	vmul.f32 v8, v10  }
0x340: {  	v10 =	vmovc v20;
	v20 =	vmovc v49;
	v7 =	vsub.f32 $0.0e+00, v7;
	v49 =	vshra.s32 v6, $0x17;
	v3 =	vmul.f32 v3, v61  }
0x341: {  	v60 =	vmul.f32 v50, v58;
	v8 =	vadd.f32 v8, v9;
	v9 =	vmul.f32 v55, v59  }
0x342: {  	v7 =	vsel vm1, $0x3F800000, v7;
	v2 =	vadd.f32 v2, v54;
	v3 =	vadd.f32 $2.000000030e-01, v3  }
0x343: {  	v54 =	vmul.f32 $1.442695020e+00, v1;
	v8 =	vadd.f32 v8, v9;
	v9 =	vadd.f32 $2.000000030e-01, v60  }
0x344: {  	s2 =	sadd.s32 $0x2, s2;
	[tilespmem:v12+s21+$0x0] =	vst.idx.msk $0xffff, v7;
	v1 =	vshra.s32 v51, $0x17;
	v2 =	vmul.f32 v2, v62;
	v3 =	vmul.f32 v3, v61  }
0x345: {  	p0 =	slt.u32 s2, $0x27E;
	v62 =	vimm.s32 $0xFFFFFF81;
	[tilespmem:v12+s3+$0x0] =	vst.idx.msk $0xffff, v8;
	v7 =	vmul.f32 v9, v58;
	v8 =	vand.u32 $0x7FFFFF, v6  }
.Ltmp8:
0x346: {  	v2 =	vmul.f32 $1.442695020e+00, v2;
	v6 =	vor.u32 $0x3F800000, v8;
	v3 =	vadd.f32 $3.333333430e-01, v3;
	(pc) =	sbr.rel @p0 .LBB2_18-.Ltmp8, $4  }
0x347: {  	v7 =	vadd.f32 $3.333333430e-01, v7;
	v8 =	vmul.f32 $5.000000000e-01, v6;
	vm1 =	vgt.f32 v6, $1.414213540e+00  }
0x348: {  	[tilespmem:v12+s20+$0x0] =	vst.idx.msk $0xffff, v63;
	(erf) = vpow2.f32 v2;
	v2 =	vsel vm0, $0xFFFFFF82, v62;
	v3 =	vmul.f32 v3, v61  }
0x349: {  	v12 =	vmovc v18;
	v55 =	vmul.f32 v7, v58;
	v1 =	vadd.s32 v1, v2;
	v51 =	vsel vm1, v8, v6  }
0x34a: {  	s16 =	sadd.s32 $0x20, s16;
	s0 =	smov.u32 s1;
	s1 =	smov.u32 s17;
	[tilespmem:$0x1FFE0] =	vst v10;
	v18 =	vmovc v26;
	v58 =	vadd.f32 v4, v4;
	v61 =	vmovc v13;
	v57 =	vcvt.s32.f32 v1;
	v56 =	vadd.f32 $1.000000000e+00, v3  }
0x34b: {  	_ =	sdelay $0x3  }
0x34c: {  	v1 =	vld.idx.msk [tilespmem:v18+s28+$0x0], $0xffff  }
0x34d: {  	v2 =	vadd.f32 $1.000000000e+00, v55  }
0x34e: {  	v6 =	vld.idx.msk [tilespmem:v18+s26+$0x0], $0xffff;
	v3 =	vmul.f32 $6.931471820e-01, v57;
	v4 =	vmul.f32 v56, v58  }
0x34f: {  	v7 =	vld.idx.msk [tilespmem:v18+s29+$0x0], $0xffff;
	v2 =	vmul.f32 v2, v53;
	v8 =	vpop (erf)  }
0x350: {  	v55 =	vadd.f32 $1.000000000e+00, v51;
	v3 =	vadd.f32 v4, v3;
	v8 =	vmax.f32 v8, $9.999999770e-03  }
0x351: {  	v2 =	vadd.f32 v2, v48;
	v1 =	vmul.f32 v8, v1  }
0x352: {  	v3 =	vmul.f32 $6.666666860e-01, v3;
	(erf) = vrcp.f32 v55  }
0x353: {  	v2 =	vmul.f32 v2, v47;
	(erf) = vpow2.f32 v54;
	v1 =	vsub.f32 v6, v1  }
0x354: {  	v3 =	vmul.f32 $1.442695020e+00, v3;
	v56 =	vmul.f32 v8, v7  }
0x355: {  	(erf) = vrcp.f32 v52;
	v2 =	vmul.f32 $1.442695020e+00, v2;
	v1 =	vmax.f32 v1, $1.000000010e-01  }
0x356: {  	(erf) = vpow2.f32 v3;
	v3 =	vadd.f32 v1, v56  }
0x357: {  	(erf) = vpow2.f32 v2  }
0x358: {  	(erf) = vrcp.f32 v3;
	_ =	sdelay $0x3  }
0x359: {  	v1 =	vadd.f32 v1, v6;
	v2 =	vpop (erf)  }
0x35a: {  	v3 =	vpop (erf)  }
0x35b: {  	v57 =	vld.idx.msk [tilespmem:v12+s25+$0x0], $0xffff;
	v1 =	vmul.f32 v1, v8;
	v26 =	vpop (erf)  }
0x35c: {  	v58 =	vpop (erf)  }
0x35d: {  	v1 =	vmul.f32 $5.000000000e-01, v1;
	v59 =	vpop (erf)  }
0x35e: {  	v60 =	vpop (erf)  }
0x35f: {  	v1 =	vmul.f32 v1, v60  }
0x360: {  	v4 =	vmul.f32 v58, v57  }
0x361: {  	v3 =	vmul.f32 v3, v41;
	v13 =	vand.u32 $0x7FFFFF, v1  }
0x362: {  	v4 =	vmax.f32 v4, $3.000000120e-01;
	v6 =	vor.u32 $0x3F800000, v13  }
0x363: {  	v3 =	vmax.f32 v3, $3.000000120e-01;
	v4 =	vmin.f32 v4, $1.500000000e+01;
	v41 =	vmul.f32 $5.000000000e-01, v6  }
0x364: {  	v3 =	vmin.f32 v3, $1.500000000e+01;
	v4 =	vmul.f32 $1.666666630e+00, v4;
	vm0 =	vgt.f32 v6, $1.414213540e+00  }
0x365: {  	v3 =	vmul.f32 $1.666666630e+00, v3;
	v6 =	vsel vm0, v41, v6  }
0x366: {  	(erf) = vrcp.f32 v4;
	v47 =	vadd.f32 $1.000000000e+00, v6  }
0x367: {  	(erf) = vrcp.f32 v3  }
0x368: {  	(erf) = vrcp.f32 v47;
	_ =	sdelay $0x4  }
0x369: {  	v3 =	vmax.f32 v59, $9.999999770e-03  }
0x36a: {  	v48 =	vmul.f32 v3, v44  }
0x36b: {  	v50 =	vadd.f32 $-1.000000000e+00, v51;
	v8 =	vpop (erf)  }
0x36c: {  	v4 =	vsub.f32 v43, v48;
	v6 =	vadd.f32 $-1.000000000e+00, v6;
	v41 =	vpop (erf)  }
0x36d: {  	v2 =	vmul.f32 v2, v50;
	v51 =	vmul.f32 v3, v45;
	v52 =	vpop (erf)  }
0x36e: {  	v4 =	vmax.f32 v4, $1.000000010e-01;
	v6 =	vmul.f32 v52, v6  }
0x36f: {  	v9 =	vmul.f32 v2, v2;
	v7 =	vadd.f32 v4, v51  }
0x370: {  	v54 =	vmul.f32 v6, v6  }
0x371: {  	v53 =	vmul.f32 $1.111111120e-01, v9;
	(erf) = vrcp.f32 v7  }
0x372: {  	v55 =	vmul.f32 $1.111111120e-01, v54  }
0x373: {  	v44 =	vadd.f32 $1.428571490e-01, v53  }
0x374: {  	v45 =	vadd.f32 $1.428571490e-01, v55  }
0x375: {  	v44 =	vmul.f32 v44, v9;
	v4 =	vadd.f32 v4, v43  }
0x376: {  	v56 =	vsel vm1, $0xFFFFFF82, v62;
	v59 =	vmul.f32 v45, v54  }
0x377: {  	v44 =	vadd.f32 $2.000000030e-01, v44;
	v43 =	vadd.s32 v49, v56;
	v3 =	vmul.f32 v4, v3  }
0x378: {  	v58 =	vcvt.s32.f32 v43;
	v43 =	vadd.f32 $2.000000030e-01, v59  }
0x379: {  	v44 =	vmul.f32 v44, v9;
	v3 =	vmul.f32 $5.000000000e-01, v3  }
0x37a: {  	v2 =	vadd.f32 v2, v2;
	v57 =	vld.idx.msk [tilespmem:v12+s30+$0x0], $0xffff;
	v60 =	vpop (erf);
	v43 =	vmul.f32 v43, v54  }
0x37b: {  	v1 =	vshra.s32 v1, $0x17;
	v44 =	vadd.f32 $3.333333430e-01, v44;
	v3 =	vmul.f32 v3, v60  }
0x37c: {  	v4 =	vmul.f32 $6.931471820e-01, v58;
	v52 =	vsel vm0, $0xFFFFFF82, v62;
	v43 =	vadd.f32 $3.333333430e-01, v43  }
0x37d: {  	v9 =	vmul.f32 v44, v9;
	v1 =	vadd.s32 v1, v52;
	v10 =	vand.u32 $0x7FFFFF, v3  }
0x37e: {  	v1 =	vcvt.s32.f32 v1;
	v44 =	vor.u32 $0x3F800000, v10;
	v7 =	vmul.f32 v43, v54  }
0x37f: {  	v9 =	vadd.f32 $1.000000000e+00, v9;
	v13 =	vmul.f32 $5.000000000e-01, v44;
	v45 =	vmul.f32 v8, v57  }
0x380: {  	v6 =	vadd.f32 v6, v6;
	vm13 =	vgt.f32 v44, $1.414213540e+00;
	v7 =	vadd.f32 $1.000000000e+00, v7  }
0x381: {  	v2 =	vmul.f32 v9, v2;
	v53 =	vsel vm13, v13, v44;
	v47 =	vadd.f32 $3.600000000e+03, v45  }
0x382: {  	v1 =	vmul.f32 $6.931471820e-01, v1;
	v54 =	vadd.f32 $1.000000000e+00, v53;
	v55 =	vmul.f32 v7, v6  }
0x383: {  	v2 =	vadd.f32 v2, v4;
	(erf) = vrcp.f32 v47  }
0x384: {  	(erf) = vrcp.f32 v54;
	v1 =	vadd.f32 v55, v1  }
0x385: {  	v2 =	vmul.f32 $6.666666860e-01, v2  }
0x386: {  	v4 =	vmul.f32 v41, v38;
	v1 =	vmul.f32 $6.666666860e-01, v1  }
0x387: {  	v2 =	vmul.f32 $1.442695020e+00, v2  }
0x388: {  	v56 =	vadd.f32 $3.600000000e+03, v4;
	v1 =	vmul.f32 $1.442695020e+00, v1  }
0x389: {  	(erf) = vpow2.f32 v2  }
0x38a: {  	(erf) = vrcp.f32 v56  }
0x38b: {  	(erf) = vpow2.f32 v1  }
0x38c: {  	v2 =	vadd.f32 $-1.000000000e+00, v53;
	v1 =	vpop (erf)  }
0x38d: {  	v57 =	vpop (erf)  }
0x38e: {  	v2 =	vmul.f32 v57, v2;
	_ =	sdelay $0x1  }
0x38f: {  	v58 =	vld.idx.msk [tilespmem:v18+s25+$0x0], $0xffff;
	v59 =	vmul.f32 v2, v2;
	_ =	sdelay $0x1  }
0x390: {  	v60 =	vpop (erf);
	v10 =	vmul.f32 $1.111111120e-01, v59  }
0x391: {  	v38 =	vpop (erf)  }
0x392: {  	v13 =	vpop (erf);
	v43 =	vadd.f32 $1.428571490e-01, v10  }
0x393: {  	v6 =	vmul.f32 v13, v58  }
0x394: {  	v43 =	vmul.f32 v43, v59  }
0x395: {  	v6 =	vmax.f32 v6, $3.000000120e-01  }
0x396: {  	v6 =	vmin.f32 v6, $1.500000000e+01;
	v43 =	vadd.f32 $2.000000030e-01, v43  }
0x397: {  	v6 =	vmul.f32 $1.666666630e+00, v6  }
0x398: {  	v43 =	vmul.f32 v43, v59  }
0x399: {  	(erf) = vrcp.f32 v6  }
0x39a: {  	v48 =	vadd.f32 $3.333333430e-01, v43  }
0x39b: {  	v3 =	vshra.s32 v3, $0x17;
	v49 =	vsel vm13, $0xFFFFFF82, v62  }
0x39c: {  	v3 =	vadd.s32 v3, v49;
	v6 =	vmul.f32 v48, v59  }
0x39d: {  	v3 =	vcvt.s32.f32 v3  }
0x39e: {  	v50 =	vld.idx.msk [tilespmem:v18+s30+$0x0], $0xffff;
	v9 =	vmul.f32 v60, v36;
	v2 =	vadd.f32 v2, v2;
	v6 =	vadd.f32 $1.000000000e+00, v6;
	_ =	sdelay $0x1  }
0x39f: {  	v3 =	vmul.f32 $6.931471820e-01, v3;
	v2 =	vmul.f32 v6, v2;
	_ =	sdelay $0x1  }
0x3a0: {  	v51 =	vmax.f32 v9, $3.000000120e-01;
	v9 =	vpop (erf);
	v2 =	vadd.f32 v2, v3  }
0x3a1: {  	v3 =	vmin.f32 v51, $1.500000000e+01;
	v6 =	vmul.f32 v9, v50  }
0x3a2: {  	v3 =	vmul.f32 $1.666666630e+00, v3;
	v2 =	vmul.f32 $6.666666860e-01, v2  }
0x3a3: {  	v7 =	vadd.f32 $3.600000000e+03, v6  }
0x3a4: {  	(erf) = vrcp.f32 v3;
	v2 =	vmul.f32 $1.442695020e+00, v2  }
0x3a5: {  	(erf) = vrcp.f32 v7  }
0x3a6: {  	(erf) = vpow2.f32 v2;
	_ =	sdelay $0x5  }
0x3a7: {  	v2 =	vld.idx.msk [tilespmem:v12+s31+$0x0], $0xffff  }
0x3a8: {  	v54 =	vadd.f32 $3.600000000e+03, v39;
	v3 =	vpop (erf)  }
0x3a9: {  	v42 =	vadd.f32 $-3.600000000e+03, v42;
	v32 =	vmul.f32 v41, v32;
	v52 =	vmul.f32 v46, v61;
	v10 =	vld [tilespmem:$0x1FFD0];
	v7 =	vpop (erf)  }
0x3aa: {  	v45 =	vadd.f32 $-3.600000000e+03, v45;
	v56 =	vmul.f32 v23, v34;
	v44 =	vmul.f32 v26, v54;
	v53 =	vpop (erf)  }
0x3ab: {  	v55 =	vmul.f32 $7.200000000e+03, v23;
	v36 =	vadd.f32 v52, v40;
	v52 =	vld [tilespmem:$0x1FFE0];
	v37 =	vmul.f32 v53, v37  }
0x3ac: {  	v54 =	vmov s0;
	v2 =	vmul.f32 v8, v2;
	v8 =	vmul.f32 v3, v35  }
0x3ad: {  	vm14 =	veq.s32 v54, v0;
	v49 =	vmul.f32 v1, v45;
	v57 =	vmax.f32 v37, $3.000000120e-01  }
0x3ae: {  	v10 =	vmul.f32 v55, v10;
	v60 =	vadd.f32 $3.600000000e+03, v8;
	v34 =	vmin.f32 v57, $1.500000000e+01  }
0x3af: {  	v61 =	vld.idx.msk [tilespmem:v12+s22+$0x0], $0xffff;
	v23 =	vsub.f32 $0.0e+00, v56;
	v31 =	vmul.f32 v44, v31;
	v34 =	vmul.f32 $1.666666630e+00, v34  }
0x3b0: {  	v58 =	vld.idx.msk [tilespmem:v12+s20+$0x0], $0xffff;
	v13 =	vadd.f32 v36, v10;
	v10 =	vmul.f32 v49, v52;
	(erf) = vrcp.f32 v60  }
0x3b1: {  	v6 =	vadd.f32 $-3.600000000e+03, v6;
	v59 =	vadd.f32 $3.600000000e+03, v2;
	v53 =	vld.idx.msk [tilespmem:v18+s31+$0x0], $0xffff;
	(erf) = vrcp.f32 v34  }
0x3b2: {  	v55 =	vld [tilespmem:$0x1FFB0];
	[tilespmem:v5+s21+$0x0] =	vst.idx.msk $0xffff, v23;
	v50 =	vmul.f32 v26, v42;
	v51 =	vmul.f32 $7.200000000e+03, v1;
	v2 =	vsub.f32 $3.600000000e+03, v2  }
0x3b3: {  	[tilespmem:v5+s3+$0x0] =	vst.idx.msk $0xffff, v13;
	v40 =	vmul.f32 v7, v6;
	v37 =	vmul.f32 v1, v59  }
0x3b4: {  	v48 =	vsub.f32 $3.600000000e+03, v39;
	[tilespmem:v5+s20+$0x0] =	vst.idx.msk $0xffff, v63;
	v41 =	vmul.f32 $7.200000000e+03, v7;
	v1 =	vmul.f32 v1, v2  }
0x3b5: {  	v5 =	vmul.f32 v40, v20;
	v2 =	vmax.f32 v61, $9.999999740e-05;
	v61 =	vld.idx.msk [tilespmem:v18+s22+$0x0], $0xffff;
	v35 =	vmul.f32 v37, v58  }
0x3b6: {  	v57 =	vmul.f32 $7.200000000e+03, v26;
	v1 =	vsub.f32 $0.0e+00, v1;
	v9 =	vmul.f32 v9, v53  }
0x3b7: {  	v2 =	vmul.f32 v51, v2;
	v26 =	vmul.f32 v26, v48;
	v58 =	vld.idx.msk [tilespmem:v18+s20+$0x0], $0xffff;
	v10 =	vadd.f32 v10, v35  }
0x3b8: {  	v15 =	vmul.f32 v57, v15;
	v1 =	vsel vm14, $0x3F800000, v1;
	v59 =	vadd.f32 $3.600000000e+03, v9  }
0x3b9: {  	v9 =	vsub.f32 $3.600000000e+03, v9;
	v2 =	vadd.f32 v10, v2;
	v10 =	vmul.f32 v50, v55;
	v37 =	vpop (erf)  }
0x3ba: {  	[tilespmem:v12+s21+$0x0] =	vst.idx.msk $0xffff, v1;
	v1 =	vsub.f32 $0.0e+00, v26;
	v44 =	vmax.f32 v61, $9.999999740e-05;
	v23 =	vmul.f32 v7, v59;
	v60 =	vpop (erf)  }
0x3bb: {  	v6 =	vmul.f32 v41, v44;
	v10 =	vadd.f32 v10, v31;
	v33 =	vmul.f32 v60, v33  }
0x3bc: {  	v56 =	vadd.f32 $3.600000000e+03, v32;
	v7 =	vmul.f32 v7, v9;
	[tilespmem:v11+s21+$0x0] =	vst.idx.msk $0xffff, v1;
	v43 =	vmul.f32 v23, v58  }
0x3bd: {  	[tilespmem:v12+s3+$0x0] =	vst.idx.msk $0xffff, v2;
	v2 =	vmul.f32 v3, v30;
	v10 =	vadd.f32 v10, v15;
	v42 =	vadd.f32 $3.600000000e+03, v33  }
0x3be: {  	v3 =	vmov s1;
	[tilespmem:v12+s20+$0x0] =	vst.idx.msk $0xffff, v63;
	v7 =	vsub.f32 $0.0e+00, v7;
	v5 =	vadd.f32 v5, v43  }
0x3bf: {  	v4 =	vadd.f32 $-3.600000000e+03, v4;
	vm15 =	veq.s32 v3, v0;
	[tilespmem:v11+s3+$0x0] =	vst.idx.msk $0xffff, v10;
	(erf) = vrcp.f32 v42  }
0x3c0: {  	v39 =	vmul.f32 v38, v56;
	v3 =	vsel vm15, $0x3F800000, v7;
	v1 =	vadd.f32 v5, v6;
	v48 =	vld [tilespmem:$0x1FFC0];
	[tilespmem:v11+s20+$0x0] =	vst.idx.msk $0xffff, v63  }
0x3c1: {  	v32 =	vsub.f32 $3.600000000e+03, v32;
	v4 =	vmul.f32 v38, v4;
	v49 =	vmul.f32 $7.200000000e+03, v38;
	[tilespmem:v18+s21+$0x0] =	vst.idx.msk $0xffff, v3  }
0x3c2: {  	v45 =	vmul.f32 v39, v28;
	v46 =	vadd.f32 $3.600000000e+03, v2;
	v2 =	vsub.f32 $3.600000000e+03, v2;
	[tilespmem:v18+s3+$0x0] =	vst.idx.msk $0xffff, v1  }
0x3c3: {  	v50 =	vmul.f32 v38, v32;
	v57 =	vmul.f32 $7.200000000e+03, v37;
	v55 =	vld [tilespmem:$0x1FFF0]  }
0x3c4: {  	v47 =	vadd.f32 $-3.600000000e+03, v8;
	v2 =	vmul.f32 v37, v2;
	v51 =	vmul.f32 v60, v22  }
0x3c5: {  	v52 =	vsub.f32 $0.0e+00, v50;
	v5 =	vmul.f32 v37, v46;
	v4 =	vmul.f32 v4, v48  }
0x3c6: {  	v6 =	vmul.f32 v37, v47;
	v2 =	vsub.f32 $0.0e+00, v2;
	v53 =	vadd.f32 $3.600000000e+03, v51  }
0x3c7: {  	v3 =	vmul.f32 v49, v25;
	v54 =	vadd.f32 $-3.600000000e+03, v33;
	v4 =	vadd.f32 v4, v45  }
0x3c8: {  	v1 =	vmul.f32 v5, v27;
	[tilespmem:v18+s20+$0x0] =	vst.idx.msk $0xffff, v63;
	v58 =	vsub.f32 $3.600000000e+03, v51;
	v6 =	vmul.f32 v6, v55;
	v56 =	vpop (erf)  }
0x3c9: {  	v3 =	vadd.f32 v4, v3;
	v8 =	vmul.f32 v56, v53;
	v5 =	vmul.f32 v56, v54  }
0x3ca: {  	[tilespmem:v14+s21+$0x0] =	vst.idx.msk $0xffff, v52;
	v4 =	vmul.f32 v57, v24;
	v1 =	vadd.f32 v6, v1;
	v60 =	vmul.f32 $7.200000000e+03, v56  }
0x3cb: {  	[tilespmem:v14+s3+$0x0] =	vst.idx.msk $0xffff, v3;
	v59 =	vmul.f32 v8, v21;
	v3 =	vmul.f32 v5, v19  }
0x3cc: {  	[tilespmem:v16+s21+$0x0] =	vst.idx.msk $0xffff, v2;
	v1 =	vadd.f32 v1, v4;
	v61 =	vmul.f32 v56, v58  }
0x3cd: {  	[tilespmem:v14+s20+$0x0] =	vst.idx.msk $0xffff, v63;
	v2 =	vadd.f32 v3, v59;
	v3 =	vmul.f32 v60, v29  }
0x3ce: {  	[tilespmem:v16+s3+$0x0] =	vst.idx.msk $0xffff, v1;
	v1 =	vsub.f32 $0.0e+00, v61  }
0x3cf: {  	[tilespmem:v16+s20+$0x0] =	vst.idx.msk $0xffff, v63;
	v2 =	vadd.f32 v2, v3  }
0x3d0: {  	[tilespmem:v17+s21+$0x0] =	vst.idx.msk $0xffff, v1  }
0x3d1: {  	[tilespmem:v17+s3+$0x0] =	vst.idx.msk $0xffff, v2  }
0x3d2: {  	s2 =	simm.s32 $0x1;
	s0 =	simm.s32 $0x139;
	[tilespmem:v17+s20+$0x0] =	vst.idx.msk $0xffff, v63  }
.LBB2_20:
0x3d3: {  	v1 =	vmov s2;
	_ =	sdelay $0x2  }
0x3d4: {  	s1 =	sadd.s32 $0x1, s2  }
0x3d5: {  	s4 =	simm.s32 $0x1ED00;
	v2 =	vmov s1  }
0x3d6: {  	v1 =	vld.idx.msk [tilespmem:v1+s4+$0x0], $0xffff;
	_ =	sdelay $0x3  }
0x3d7: {  	v2 =	vld.idx.msk [tilespmem:v2+s4+$0x0], $0xffff  }
0x3d8: {  	v1 =	vxor.u32 $0x80000000, v1  }
0x3d9: {  	(xrf0) =	vmax.scan.msk.u32 $0xffff, v1;
	_ =	sdelay $0x2  }
0x3da: {  	v1 =	vxor.u32 $0x80000000, v2;
	_ =	sdelay $0x1  }
0x3db: {  	(xrf0) =	vmax.scan.msk.u32 $0xffff, v1  }
0x3dc: {  	v1, _, _ =	vpop (xrf0)  }
0x3dd: {  	(v2sf) =	vpush v1, $0xF;
	_ =	sdelay $0x3  }
0x3de: {  	v1, _, _ =	vpop (xrf0)  }
0x3df: {  	(v2sf) =	vpush v1, $0xF;
	_ =	sdelay $0x9  }
0x3e0: {  	s19 =	spop (v2sf)  }
0x3e1: {  	s4 =	sxor.u32 $0x80000000, s19  }
0x3e2: {  	s15 =	sshra.s32 s4, $0x1F  }
0x3e3: {  	s15 =	sshrl.u32 s15, $0x1D  }
0x3e4: {  	s16 =	sadd.s32 s15, s4  }
0x3e5: {  	s15 =	spop (v2sf);
	s16 =	sand.u32 $0xFFFFFFF8, s16  }
0x3e6: {  	s17 =	ssub.s32 s15, s16  }
0x3e7: {  	s17 =	sadd.s32 $0x8000063F, s17  }
0x3e8: {  	p0 =	slt.s32 s17, $0x640  }
.Ltmp9:
0x3e9: {  	_ = 	snop;
	(pc) =	sbr.rel @p0 .LBB2_25-.Ltmp9, $1  }
0x3ea: {  	_ =	sdelay $0x3  }
0x3eb: {  	s19 =	smulhi.u32 $0x51EB851F, s17;
	s18 =	sshra.s32 s17, $0x1F  }
0x3ec: {  	s17 =	smul.u32 $0x51EB851F, s18;
	_ =	sdelay $0x1  }
0x3ed: {  	s17 =	sadd.s32 s17, s19  }
0x3ee: {  	s15 =	sxor.u32 $0x80000000, s15;
	s19 =	sshrl.u32 s17, $0x1F;
	s17 =	sshra.s32 s17, $0x9  }
0x3ef: {  	v5 =	vmov s4;
	s4 =	simm.s32 $0x0;
	v6 =	vmov s15;
	s17 =	sadd.s32 s19, s17  }
.LBB2_22:
0x3f0: {  	s15 =	smul.u32 $0x640, s4;
	_ =	sdelay $0x1  }
0x3f1: {  	s15 =	sadd.s32 s16, s15  }
0x3f2: {  	s19 =	sshrl.u32 s15, $0x3  }
0x3f3: {  	s18 =	sadd.s32 s12, s19  }
0x3f4: {  	[tilespmem:s5], [sflag:$0x1] =	stream.linear.gather [hbm4b:s18+s3], $0x640, $0x38;
	[tilespmem:$0x1FB00] =	vst v63  }
0x3f5: {  	s11 =	sadd.s32 s13, s19  }
0x3f6: {  	[tilespmem:s6], [sflag:$0x2] =	stream.linear.gather [hbm4b:s11+s3], $0x640, $0x38;
	[tilespmem:$0x1FB00] =	vst v63  }
0x3f7: {  	s14 =	simm.s32 $0x20;
	_ =	swait.ge [sflag:s9], $0x640  }
0x3f8: {  	v1 =	vor.u32 s14, v0;
	s19 =	simm.s32 $0x0;
	[sflag:s9] =	ssyncset.done $0x0  }
0x3f9: {  	v2 =	vor.u32 s19, v0;
	s11 =	simm.s32 $0x10;
	[sflag:s9] =	ssyncadd.s32 $0xFFFFF9C0  }
0x3fa: {  	s14 =	simm.s32 $0x30;
	v3 =	vor.u32 s11, v0;
	_ =	swait.ge [sflag:s10], $0x640  }
0x3fb: {  	v4 =	vor.u32 s14, v0;
	[sflag:s10] =	ssyncset.done $0x0  }
0x3fc: {  	[sflag:s10] =	ssyncadd.s32 $0xFFFFF9C0  }
0x3fd: {  	v7 =	vld.idx.msk [tilespmem:v1+s5+$0x0], $0xffff  }
0x3fe: {  	v12 =	vld.idx.msk [tilespmem:v2+s5+$0x0], $0xffff  }
0x3ff: {  	v13 =	vld.idx.msk [tilespmem:v3+s5+$0x0], $0xffff  }
0x400: {  	v14 =	vld.idx.msk [tilespmem:v4+s5+$0x0], $0xffff  }
0x401: {  	s19 =	simm.s32 $0x60;
	v15 =	vld.idx.msk [tilespmem:v1+s6+$0x0], $0xffff  }
0x402: {  	v8 =	vor.u32 s19, v0;
	s19 =	simm.s32 $0x70;
	v11 =	vld.idx.msk [tilespmem:v2+s6+$0x0], $0xffff  }
0x403: {  	v19 =	vor.u32 s19, v0;
	v9 =	vld.idx.msk [tilespmem:v3+s6+$0x0], $0xffff  }
0x404: {  	v10 =	vld.idx.msk [tilespmem:v4+s6+$0x0], $0xffff  }
0x405: {  	s11 =	simm.s32 $0x40;
	v16 =	vld.idx.msk [tilespmem:v7+s3+$0x0], $0xffff;
	v7 =	vmov s15  }
0x406: {  	s14 =	simm.s32 $0x50;
	v17 =	vld.idx.msk [tilespmem:v12+s3+$0x0], $0xffff;
	v12 =	vor.u32 s11, v0;
	v1 =	vadd.s32 v7, v1  }
0x407: {  	vm0 =	vge.s32 v1, v5;
	vm1 =	vlt.s32 v1, v6;
	v1 =	vld.idx.msk [tilespmem:v13+s3+$0x0], $0xffff;
	v13 =	vor.u32 s14, v0  }
0x408: {  	v20 =	vld.idx.msk [tilespmem:v19+s5+$0x0], $0xffff  }
0x409: {  	v22 =	vld.idx.msk [tilespmem:v14+s3+$0x0], $0xffff;
	v2 =	vadd.s32 v7, v2;
	v3 =	vadd.s32 v7, v3;
	vm0 =	vmand vm0, vm1  }
0x40a: {  	v4 =	vadd.s32 v7, v4;
	vm2 =	vge.s32 v3, v5;
	v14 =	vnsel vm0, $0x0, v16;
	v16 =	vld.idx.msk [tilespmem:v8+s5+$0x0], $0xffff  }
0x40b: {  	vm3 =	vlt.s32 v3, v6;
	vm1 =	vlt.s32 v2, v6;
	vm0 =	vge.s32 v2, v5;
	v2 =	vld.idx.msk [tilespmem:v12+s5+$0x0], $0xffff  }
0x40c: {  	vm4 =	vge.s32 v4, v5;
	vm5 =	vlt.s32 v4, v6;
	v3 =	vadd.s32 v7, v12;
	v18 =	vld.idx.msk [tilespmem:v13+s5+$0x0], $0xffff  }
0x40d: {  	vm13 =	vlt.s32 v3, v6;
	v12 =	vld.idx.msk [tilespmem:v12+s6+$0x0], $0xffff;
	vm0 =	vmand vm0, vm1;
	vm1 =	vmand vm2, vm3  }
0x40e: {  	[tilespmem:v15+s20+$0x0] =	vst.idx.add.f32.msk $0xffff, v14;
	vm2 =	vmand vm4, vm5;
	vm3 =	vge.s32 v3, v5;
	v3 =	vadd.s32 v7, v13  }
0x40f: {  	vm1 =	vmmov vm1;
	vm14 =	vge.s32 v3, v5;
	v15 =	vnsel vm0, $0x0, v17;
	v14 =	vld.idx.msk [tilespmem:v13+s6+$0x0], $0xffff  }
0x410: {  	vm6 =	vlt.s32 v3, v6;
	v3 =	vadd.s32 v7, v19;
	vm0 =	vmand vm3, vm13;
	v13 =	vld.idx.msk [tilespmem:v19+s6+$0x0], $0xffff  }
0x411: {  	v17 =	vld.idx.msk [tilespmem:v8+s6+$0x0], $0xffff;
	vm2 =	vmmov vm2;
	vm3 =	vge.s32 v3, v5;
	vm15 =	vlt.s32 v3, v6  }
0x412: {  	vm5 =	vmand vm14, vm6;
	v19 =	vnsel vm1, $0x0, v1;
	vm3 =	vmand vm3, vm15;
	v21 =	vld.idx.msk [tilespmem:v16+s3+$0x0], $0xffff  }
0x413: {  	s19 =	simm.s32 $0x4;
	s15 =	simm.s32 $0xB0;
	vm1 =	vmmov vm5;
	v16 =	vnsel vm2, $0x0, v22;
	vm2 =	vmmov vm3;
	v22 =	vld.idx.msk [tilespmem:v2+s3+$0x0], $0xffff  }
.LBB2_23:
0x414: {  	s18 =	sadd.s32 $0xFFFFFFE0, s15;
	s11 =	sadd.s32 $0xFFFFFFF0, s15;
	v1 =	vor.u32 s15, v0;
	s19 =	sadd.s32 $0x4, s19;
	v2 =	vld.idx.msk [tilespmem:v18+s3+$0x0], $0xffff  }
0x415: {  	s14 =	sadd.s32 $0xFFFFFFD0, s15;
	v4 =	vadd.s32 v7, v8;
	v3 =	vor.u32 s18, v0;
	p0 =	slt.u32 s19, $0x60;
	v8 =	vor.u32 s11, v0;
	v20 =	vld.idx.msk [tilespmem:v20+s3+$0x0], $0xffff  }
0x416: {  	v23 =	vor.u32 s14, v0;
	vm3 =	vge.s32 v4, v5;
	vm4 =	vlt.s32 v4, v6;
	[tilespmem:v11+s20+$0x0] =	vst.idx.add.f32.msk $0xffff, v15  }
0x417: {  	v4 =	vadd.s32 v7, v23;
	v11 =	vadd.s32 v7, v3;
	vm3 =	vmand vm3, vm4;
	[tilespmem:v9+s20+$0x0] =	vst.idx.add.f32.msk $0xffff, v19  }
0x418: {  	vm4 =	vge.s32 v4, v5;
	v9 =	vadd.s32 v7, v1;
	v18 =	vnsel vm3, $0x0, v21;
	[tilespmem:v10+s20+$0x0] =	vst.idx.add.f32.msk $0xffff, v16  }
0x419: {  	vm3 =	vlt.s32 v4, v6;
	vm5 =	vge.s32 v11, v5;
	v15 =	vnsel vm0, $0x0, v22;
	[tilespmem:v17+s20+$0x0] =	vst.idx.add.f32.msk $0xffff, v18  }
0x41a: {  	vm6 =	vlt.s32 v11, v6;
	vm7 =	vge.s32 v9, v5;
	vm8 =	vlt.s32 v9, v6;
	v4 =	vld.idx.msk [tilespmem:v8+s5+$0x0], $0xffff  }
0x41b: {  	vm0 =	vmand vm4, vm3;
	vm3 =	vmand vm5, vm6;
	vm4 =	vmand vm7, vm8;
	v11 =	vmovc v12;
	v9 =	vmovc v14;
	v22 =	vld.idx.msk [tilespmem:v23+s5+$0x0], $0xffff  }
0x41c: {  	v10 =	vmovc v13;
	v19 =	vnsel vm1, $0x0, v2;
	vm1 =	vmmov vm3;
	v16 =	vnsel vm2, $0x0, v20;
	v18 =	vld.idx.msk [tilespmem:v3+s5+$0x0], $0xffff  }
0x41d: {  	vm2 =	vmmov vm4;
	v20 =	vld.idx.msk [tilespmem:v1+s5+$0x0], $0xffff  }
0x41e: {  	v12 =	vld.idx.msk [tilespmem:v23+s6+$0x0], $0xffff  }
.Ltmp10:
0x41f: {  	v14 =	vld.idx.msk [tilespmem:v3+s6+$0x0], $0xffff;
	(pc) =	sbr.rel @p0 .LBB2_23-.Ltmp10, $4  }
0x420: {  	v13 =	vld.idx.msk [tilespmem:v1+s6+$0x0], $0xffff  }
0x421: {  	v17 =	vld.idx.msk [tilespmem:v8+s6+$0x0], $0xffff  }
0x422: {  	v21 =	vld.idx.msk [tilespmem:v4+s3+$0x0], $0xffff  }
0x423: {  	s15 =	sadd.s32 $0x40, s15;
	v22 =	vld.idx.msk [tilespmem:v22+s3+$0x0], $0xffff  }
0x424: {  	_ =	sdelay $0x3  }
0x425: {  	v1 =	vld.idx.msk [tilespmem:v18+s3+$0x0], $0xffff  }
0x426: {  	v2 =	vadd.s32 v7, v8;
	v3 =	vld.idx.msk [tilespmem:v20+s3+$0x0], $0xffff  }
0x427: {  	[tilespmem:v11+s20+$0x0] =	vst.idx.add.f32.msk $0xffff, v15;
	s4 =	sadd.s32 $0x1, s4;
	vm3 =	vge.s32 v2, v5;
	vm4 =	vlt.s32 v2, v6  }
0x428: {  	[tilespmem:v9+s20+$0x0] =	vst.idx.add.f32.msk $0xffff, v19;
	p0 =	sne.s32 s4, s17;
	vm3 =	vmand vm3, vm4  }
.Ltmp11:
0x429: {  	[tilespmem:v10+s20+$0x0] =	vst.idx.add.f32.msk $0xffff, v16;
	v2 =	vnsel vm3, $0x0, v21;
	(pc) =	sbr.rel @p0 .LBB2_22-.Ltmp11, $4  }
0x42a: {  	v4 =	vnsel vm0, $0x0, v22;
	[tilespmem:v17+s20+$0x0] =	vst.idx.add.f32.msk $0xffff, v2  }
0x42b: {  	v1 =	vnsel vm1, $0x0, v1;
	[tilespmem:v12+s20+$0x0] =	vst.idx.add.f32.msk $0xffff, v4  }
0x42c: {  	v2 =	vnsel vm2, $0x0, v3;
	[tilespmem:v14+s20+$0x0] =	vst.idx.add.f32.msk $0xffff, v1  }
0x42d: {  	[tilespmem:v13+s20+$0x0] =	vst.idx.add.f32.msk $0xffff, v2  }
.LBB2_25:
0x42e: {  	s4 =	sadd.s32 $0x0, s0  }
0x42f: {  	v5 =	vadd.s32 s4, v0;
	_ =	sdelay $0x4  }
0x430: {  	v1 =	vld.idx.msk [tilespmem:v5+s20+$0x0], $0xffff  }
0x431: {  	v2 =	vld.idx.msk [tilespmem:v5+s21+$0x0], $0xffff;
	_ =	sdelay $0x1  }
0x432: {  	s2 =	smul.u32 $0x139, s2;
	v8 =	vld.idx.msk [tilespmem:v5+s3+$0x0], $0xffff;
	_ =	sdelay $0x1  }
0x433: {  	s2 =	smin.u32 s2, $0x25D7  }
0x434: {  	s19 =	sadd.s32 $0x10, s0;
	s2 =	sadd.s32 $0x139, s2;
	v9 =	vmul.f32 v2, v1  }
0x435: {  	v7 =	vadd.s32 s19, v0;
	v6 =	vmov s2;
	s2 =	simm.s32 $0x20  }
.LBB2_26:
0x436: {  	p0 =	seq.s32 s2, $0x130;
	v1 =	vsub.f32 v8, v9  }
0x437: {  	vm0 =	vlt.u32 v5, v6  }
0x438: {  	v1 =	vsel vm0, v1, v8  }
0x439: {  	[tilespmem:v5+s3+$0x0] =	vst.idx.msk $0xffff, v1;
	v5 =	vmov v7  }
0x43a: {  	v1 =	vld.idx.msk [tilespmem:v7+s20+$0x0], $0xffff  }
0x43b: {  	v2 =	vld.idx.msk [tilespmem:v7+s21+$0x0], $0xffff;
	_ =	sdelay $0x1  }
0x43c: {  	v8 =	vld.idx.msk [tilespmem:v7+s3+$0x0], $0xffff  }
.Ltmp12:
0x43d: {  	(pc) =	sbr.rel @!p0 .LBB2_26-.Ltmp12, $3  }
0x43e: {  	_ =	sdelay $0x1  }
0x43f: {  	s4 =	sadd.s32 s2, s0;
	v9 =	vmul.f32 v2, v1  }
0x440: {  	s2 =	sadd.s32 $0x10, s2;
	v7 =	vadd.s32 s4, v0  }
0x441: {  	_ = 	snop  }
0x442: {  	v1 =	vsub.f32 v8, v9  }
0x443: {  	vm0 =	vlt.u32 v5, v6  }
0x444: {  	v1 =	vsel vm0, v1, v8  }
0x445: {  	[tilespmem:v5+s3+$0x0] =	vst.idx.msk $0xffff, v1  }
0x446: {  	v1 =	vld.idx.msk [tilespmem:v7+s20+$0x0], $0xffff  }
0x447: {  	v2 =	vld.idx.msk [tilespmem:v7+s21+$0x0], $0xffff;
	_ =	sdelay $0x1  }
0x448: {  	v3 =	vld.idx.msk [tilespmem:v7+s3+$0x0], $0xffff;
	_ =	sdelay $0x2  }
0x449: {  	p0 =	seq.s32 s1, $0x20;
	v1 =	vmul.f32 v2, v1  }
.Ltmp13:
0x44a: {  	_ = 	snop;
	(pc) =	sbr.rel @!p0 .LBB2_20-.Ltmp13, $4  }
0x44b: {  	v1 =	vsub.f32 v3, v1  }
0x44c: {  	vm15 =	vlt.u32 v7, v6  }
0x44d: {  	v1 =	vsel vm15, v1, v3  }
0x44e: {  	s0 =	sadd.s32 $0x139, s0;
	s2 =	smov.u32 s1;
	[tilespmem:v7+s3+$0x0] =	vst.idx.msk $0xffff, v1  }
0x44f: {  	s0 =	simm.s32 $0x30  }
0x450: {  	s1 =	simm.s32 $0x20;
	v6 =	vor.u32 s0, v0  }
0x451: {  	v1 =	vor.u32 s1, v0  }
0x452: {  	s14 =	simm.s32 $0x0  }
0x453: {  	s15 =	simm.s32 $0x10;
	v10 =	vor.u32 s14, v0  }
0x454: {  	v7 =	vor.u32 s15, v0  }
0x455: {  	v2 =	vld.idx.msk [tilespmem:v6+s3+$0x0], $0xffff  }
0x456: {  	s16 =	simm.s32 $0x70;
	v3 =	vld.idx.msk [tilespmem:v1+s3+$0x0], $0xffff  }
0x457: {  	s17 =	simm.s32 $0x60;
	v5 =	vor.u32 s16, v0  }
0x458: {  	s18 =	simm.s32 $0x40;
	v8 =	vor.u32 s17, v0;
	v4 =	vld.idx.msk [tilespmem:v10+s3+$0x0], $0xffff  }
0x459: {  	s19 =	simm.s32 $0x50;
	v9 =	vor.u32 s18, v0;
	v13 =	vld.idx.msk [tilespmem:v7+s3+$0x0], $0xffff  }
0x45a: {  	v11 =	vor.u32 s19, v0;
	v2 =	vmax.f32 v2, $9.999999740e-05  }
0x45b: {  	v3 =	vmax.f32 v3, $9.999999740e-05;
	[tilespmem:v6+s3+$0x0] =	vst.idx.msk $0xffff, v2  }
0x45c: {  	v12 =	vld.idx.msk [tilespmem:v5+s3+$0x0], $0xffff;
	[tilespmem:v1+s3+$0x0] =	vst.idx.msk $0xffff, v3  }
0x45d: {  	v14 =	vld.idx.msk [tilespmem:v8+s3+$0x0], $0xffff;
	v2 =	vmax.f32 v4, $9.999999740e-05;
	[tilespmem:v1+s20+$0x0] =	vst.idx.msk $0xffff, v63  }
0x45e: {  	s0 =	simm.s32 $0x4;
	s1 =	simm.s32 $0xB0;
	v15 =	vld.idx.msk [tilespmem:v9+s3+$0x0], $0xffff;
	v16 =	vmax.f32 v13, $9.999999740e-05;
	v13 =	vmov v5;
	[tilespmem:v10+s3+$0x0] =	vst.idx.msk $0xffff, v2  }
.LBB2_29:
0x45f: {  	s2 =	sadd.s32 $0xFFFFFFD0, s1;
	s4 =	sadd.s32 $0xFFFFFFE0, s1;
	s11 =	sadd.s32 $0xFFFFFFF0, s1;
	v1 =	vor.u32 s1, v0;
	v2 =	vld.idx.msk [tilespmem:v11+s3+$0x0], $0xffff;
	[tilespmem:v10+s20+$0x0] =	vst.idx.msk $0xffff, v63;
	v10 =	vmov v9  }
0x460: {  	s0 =	sadd.s32 $0x4, s0;
	v9 =	vor.u32 s2, v0;
	v3 =	vor.u32 s4, v0;
	v4 =	vor.u32 s11, v0;
	[tilespmem:v7+s3+$0x0] =	vst.idx.msk $0xffff, v16  }
0x461: {  	p0 =	slt.u32 s0, $0x27C;
	[tilespmem:v7+s20+$0x0] =	vst.idx.msk $0xffff, v63;
	v7 =	vmov v11;
	v11 =	vmov v3  }
.Ltmp14:
0x462: {  	v3 =	vmax.f32 v12, $9.999999740e-05;
	[tilespmem:v6+s20+$0x0] =	vst.idx.msk $0xffff, v63;
	v6 =	vmov v5;
	v5 =	vmov v1;
	(pc) =	sbr.rel @p0 .LBB2_29-.Ltmp14, $4  }
0x463: {  	v14 =	vmax.f32 v14, $9.999999740e-05;
	[tilespmem:v13+s3+$0x0] =	vst.idx.msk $0xffff, v3;
	v13 =	vmov v1  }
0x464: {  	v12 =	vld.idx.msk [tilespmem:v1+s3+$0x0], $0xffff;
	v1 =	vmax.f32 v15, $9.999999740e-05;
	[tilespmem:v8+s3+$0x0] =	vst.idx.msk $0xffff, v14  }
0x465: {  	v16 =	vmax.f32 v2, $9.999999740e-05;
	v14 =	vld.idx.msk [tilespmem:v4+s3+$0x0], $0xffff;
	[tilespmem:v8+s20+$0x0] =	vst.idx.msk $0xffff, v63;
	v8 =	vmov v4  }
0x466: {  	s1 =	sadd.s32 $0x40, s1;
	v15 =	vld.idx.msk [tilespmem:v9+s3+$0x0], $0xffff;
	[tilespmem:v10+s3+$0x0] =	vst.idx.msk $0xffff, v1  }
0x467: {  	_ =	sdelay $0x3  }
0x468: {  	[tilespmem:v10+s20+$0x0] =	vst.idx.msk $0xffff, v63  }
0x469: {  	[tilespmem:v7+s3+$0x0] =	vst.idx.msk $0xffff, v16;
	v1 =	vld.idx.msk [tilespmem:v11+s3+$0x0], $0xffff  }
0x46a: {  	[tilespmem:v6+s20+$0x0] =	vst.idx.msk $0xffff, v63  }
0x46b: {  	[tilespmem:v7+s20+$0x0] =	vst.idx.msk $0xffff, v63;
	v2 =	vmax.f32 v12, $9.999999740e-05  }
0x46c: {  	v3 =	vmax.f32 v14, $9.999999740e-05;
	[tilespmem:v13+s3+$0x0] =	vst.idx.msk $0xffff, v2  }
0x46d: {  	[tilespmem:v8+s3+$0x0] =	vst.idx.msk $0xffff, v3  }
0x46e: {  	[tilespmem:v5+s20+$0x0] =	vst.idx.msk $0xffff, v63;
	v1 =	vmax.f32 v1, $9.999999740e-05  }
0x46f: {  	[tilespmem:v11+s3+$0x0] =	vst.idx.msk $0xffff, v1;
	v1 =	vimm.s32 $0x270F  }
0x470: {  	v2 =	vmax.f32 v15, $9.999999740e-05;
	[tilespmem:v8+s20+$0x0] =	vst.idx.msk $0xffff, v63  }
0x471: {  	[tilespmem:v9+s3+$0x0] =	vst.idx.msk $0xffff, v2  }
0x472: {  	[tilespmem:v9+s20+$0x0] =	vst.idx.msk $0xffff, v63  }
0x473: {  	[tilespmem:v11+s20+$0x0] =	vst.idx.msk $0xffff, v63  }
0x474: {  	v1 =	vld.idx.msk [tilespmem:v1+s3+$0x0], $0xffff;
	_ =	sdelay $0x4  }
0x475: {  	(xrf0) =	vmax.scan.msk.f32 $0xffff, v1;
	_ =	sdelay $0x1  }
0x476: {  	s1 =	rddreg [dreg:$0x10]  }
0x477: {  	v1 =	vmov s1;
	s1 =	sadd.s32 $0x1, s1  }
0x478: {  	p0 =	sne.s32 s1, $0x9  }
.Ltmp15:
0x479: {  	_ = 	snop;
	(pc) =	sbr.rel @p0 .LBB2_11-.Ltmp15, $4  }
0x47a: {  	v2, _, _ =	vpop (xrf0)  }
0x47b: {  	v2 =	vbroadcast v2, $0xF  }
0x47c: {  	s0 =	simm.s32 $0x1ED80  }
0x47d: {  	s4 =	simm.s32 $0x5;
	[tilespmem:v1+s0+$0x0] =	vst.idx.msk $0xffff, v2  }
0x47e: {  	s0 =	rddreg [dreg:$0xb];
	s1 =	simm.s32 $0x1ED80  }
0x47f: {  	[hbm4b:s0+s3] =	stream.linear.scatter [tilespmem:s1], [sflag:$0x5], $0x80, $0x38;
	[tilespmem:$0x1FB00] =	vst v63  }
0x480: {  	_ =	swait.ge [sflag:s4], $0x80  }
0x481: {  	s18 =	rddreg [dreg:$0xf]  }
0x482: {  	s19 =	rddreg [dreg:$0xc];
	s1 =	sadd.s32 $0x1, s18  }
0x483: {  	p0 =	sne.s32 s1, s19  }
.Ltmp16:
0x484: {  	_ = 	snop;
	(pc) =	sbr.rel @p0 .LBB2_2-.Ltmp16, $3  }
0x485: {  	_ =	sdelay $0x1  }
0x486: {  	[sflag:s4] =	ssyncset.done $0x0  }
0x487: {  	[sflag:s4] =	ssyncadd.s32 $0xFFFFFF80  }
.LBB2_32:
0x488: {  	_ =	sfence.sel $0x180000  }
0x489: {  	[bflag:$0x0] =	sbarrier.arrive $0xFFFF  }
0x48a: {  	_ =	strace $0x90000050  }
0x48b: {  	s0 =	stileid.u32;
	[bflag:$0x2] =	sbarrier.arrive $0xFFFF  }
0x48c: {  	p0 =	sne.s32 s0, $0x0;
	s0 =	rddreg [dreg:$0x2]  }
0x48d: {  	s0 =	sadd.s32 @!p0 $0x100000, s0  }
0x48e: {  	[sflag:s0] =	ssyncadd.tile.s32 @!p0 $0x1;
	_ =	shalt  }
.Lfunc_end2:
_tile_overlayer_lowered:
.L_overlay_start_2:
0x48f: {  	(tag) =	ssettag $0x2  }
0x490: {  	s0 =	rddreg [dreg:$0x0];
	s2 =	stileid.u32  }
0x491: {  	s1 =	rddreg [dreg:$0x1];
	p0 =	sne.s32 s2, $0x0  }
0x492: {  	s3 =	rddreg [dreg:$0x2];
	[bflag:$0x3] =	sbarrier.arrive $0xFFFF;
	s2 =	simm.s32 @!p0 $0x1C05  }
0x493: {  	[timem:s3], [sflag:s2] =	dma.local @!p0 [hbm:s0], s1  }
0x494: {  	s0 =	simm.s32 @!p0 $0x5  }
0x495: {  	_ =	swait.ge @!p0 [sflag:s0], s1  }
0x496: {  	s1 =	ssub.s32 @!p0 $0x0, s1;
	[sflag:s0] =	ssyncset.done @!p0 $0x0  }
0x497: {  	[sflag:s0] =	ssyncadd.s32 @!p0 s1  }
0x498: {  	[bflag:$0x3] =	sbarrier.arrive $0xFFFF  }
0x499: {  	_ =	shalt  }

</sc_bundles>
